<compile_context>
chip_gen: v7x
topology: tpu7x:2x2x1
jax: 0.10.2.dev20260603
libtpu: 0.0.44.dev20260713+nightly
codegen_flags: <defaults>
</compile_context>

<pallas_src>
import functools

import jax
import jax.numpy as jnp
from jax import lax
from jax.experimental import pallas as pl
from jax.experimental.pallas import tpu as pltpu
from jax.experimental.pallas import tpu_sc as plsc

C = 256
N = 10000
K = 16

_INFO = plsc.get_sparse_core_info()
NW = _INFO.num_cores * _INFO.num_subcores
NPAD = 10240
PER_W = NPAD // NW
P = 2
CH = PER_W // P
ROWS = 2 * P * K
SLOTS = 4
IDXW = CH * ROWS
LANES = 16


def _tc_tables(x_flat, W, b2):
    NB = 10
    BN = NPAD // NB

    def body(x_ref, w_ref, b_ref, t_ref):
        g = pl.program_id(0)
        xb = x_ref[...]
        w1 = w_ref[:, :C]
        w2 = w_ref[:, C:]
        weff = jnp.where(g == 0, w1 - w2, w2)
        beff = jnp.where(g == 0, b_ref[0, :], 0.0)
        dn = (((0,), (1,)), ((), ()))
        t = lax.dot_general(xb, weff, dn, preferred_element_type=jnp.float32)
        t_ref[...] = t + beff[None, :]

    return pl.pallas_call(
        body,
        grid=(2, NB),
        in_specs=[
            pl.BlockSpec((C, BN), lambda g, i: (0, i)),
            pl.BlockSpec((C, 2 * C), lambda g, i: (0, 0)),
            pl.BlockSpec((1, C), lambda g, i: (0, 0)),
        ],
        out_specs=pl.BlockSpec((BN, C), lambda g, i: (g * NB + i, 0)),
        out_shape=jax.ShapeDtypeStruct((2 * NPAD, C), jnp.float32),
    )(x_flat, W, b2)


def _sc_gather_max(T, idx):
    mesh = plsc.VectorSubcoreMesh(core_axis_name="c", subcore_axis_name="s")

    @functools.partial(
        pl.kernel,
        mesh=mesh,
        out_type=jax.ShapeDtypeStruct((NPAD, C), jnp.float32),
        scratch_types=[
            pltpu.VMEM((IDXW + SLOTS * ROWS,), jnp.int32),
            pltpu.VMEM((SLOTS * ROWS, C), jnp.float32),
            pltpu.VMEM((SLOTS * P, C), jnp.float32),
            pltpu.SemaphoreType.DMA,
            pltpu.SemaphoreType.DMA,
            pltpu.SemaphoreType.DMA,
            pltpu.SemaphoreType.DMA,
            pltpu.SemaphoreType.DMA,
            pltpu.SemaphoreType.DMA,
            pltpu.SemaphoreType.DMA,
            pltpu.SemaphoreType.DMA,
        ],
    )
    def body(idx_hbm, t_hbm, out_hbm, idx_v, rows_v, out_v,
             gs0, gs1, gs2, gs3, os0, os1, os2, os3):
        wid = lax.axis_index("s") * _INFO.num_cores + lax.axis_index("c")
        base = wid * PER_W
        gsem = (gs0, gs1, gs2, gs3)
        osem = (os0, os1, os2, os3)

        pltpu.sync_copy(idx_hbm.at[pl.ds(base * 2 * K, IDXW + SLOTS * ROWS)],
                        idx_v)

        def start(c, s):
            pltpu.async_copy(
                t_hbm.at[idx_v.at[pl.ds(c * ROWS, ROWS)]],
                rows_v.at[pl.ds(s * ROWS, ROWS)], gsem[s])

        def wait_gather(s):
            pltpu.make_async_copy(
                t_hbm.at[pl.ds(0, ROWS)], rows_v.at[pl.ds(s * ROWS, ROWS)],
                gsem[s]).wait()

        def wait_out(s):
            pltpu.make_async_copy(
                out_hbm.at[pl.ds(0, P)], out_v.at[pl.ds(s * P, P)],
                osem[s]).wait()

        for s in range(SLOTS):
            start(s, s)

        def step(c4, _):
            for s in range(SLOTS):
                c = c4 * SLOTS + s
                wait_gather(s)

                @pl.when(c4 >= 1)
                def _():
                    wait_out(s)

                def lane_step(ch, _):
                    lane = pl.ds(ch * LANES, LANES)
                    for p in range(P):
                        ur = s * ROWS + p * K
                        vr = s * ROWS + P * K + p * K
                        m = rows_v[ur, lane] + rows_v[vr, lane]
                        for k in range(1, K):
                            m = jnp.maximum(
                                m, rows_v[ur + k, lane] + rows_v[vr + k, lane])
                        out_v[s * P + p, lane] = jnp.maximum(m, 0.0)
                    return 0

                lax.fori_loop(0, C // LANES, lane_step, 0)

                pltpu.async_copy(
                    out_v.at[pl.ds(s * P, P)],
                    out_hbm.at[pl.ds(base + c * P, P)], osem[s])
                start(c + SLOTS, s)
            return 0

        lax.fori_loop(0, CH // SLOTS, step, 0)
        for s in range(SLOTS):
            wait_gather(s)
            wait_out(s)

    return body(idx, T)


def kernel(x, edge_index, W, b):
    x_flat = jnp.pad(x.reshape(C, N), ((0, 0), (0, NPAD - N)))
    b2 = b.reshape(1, C)
    T = _tc_tables(x_flat, W, b2)

    pad = NPAD * K - N * K
    iU = jnp.pad(edge_index[1].reshape(N * K), (0, pad)).reshape(NPAD // P,
                                                                 P * K)
    iV = jnp.pad(edge_index[0].reshape(N * K), (0, pad)).reshape(NPAD // P,
                                                                 P * K) + NPAD
    idx = jnp.concatenate([iU, iV], axis=1).reshape(-1)
    idx = jnp.pad(idx, (0, SLOTS * ROWS))

    out = _sc_gather_max(T, idx)
    return out[:N].T.reshape(1, C, N, 1)

# --- scband reference (transcript-rebuilt; emitter-appended) ---
"""Pipeline reference for scband-graph-convolution-43439299232097 (READ-ONLY COPY).

The authoritative reference and input builder live on the scoring server;
editing this copy changes nothing except your own understanding.
"""

import jax, jax.numpy as jnp
import numpy as np


def batched_index_select(x, idx):
    # x: [B, C, Nr, 1], idx: [B, N, k] -> [B, C, N, k]
    B, C, Nr = x.shape[0], x.shape[1], x.shape[2]
    xf = x.reshape(B, C, Nr)
    return jax.vmap(lambda xb, ib: jnp.take(xb, ib, axis=1))(xf, idx)


def setup_inputs(seed: int = 0):
    key = jax.random.key(seed)
    k1, k2, k3 = jax.random.split(key, 3)
    B, C, N, K = 1, 256, 10000, 16
    out_c = 256
    x = jax.random.normal(k1, (B, C, N, 1), dtype=jnp.float32)
    edge_index = jax.random.randint(k2, (2, B, N, K), 0, N, dtype=jnp.int32)
    # BasicConv([2*C, out_c]) -> 1x1 Conv2d weight [out_c, 2*C] + bias, ReLU activation
    W = jax.random.normal(k3, (out_c, 2 * C), dtype=jnp.float32) * (1.0 / jnp.sqrt(2.0 * C))
    b = jnp.zeros((out_c,), dtype=jnp.float32)
    return {"x": x, "edge_index": edge_index, "W": W, "b": b}


def reference(x, edge_index, W, b):
    x_i = batched_index_select(x, edge_index[1])
    x_j = batched_index_select(x, edge_index[0])
    h = jnp.concatenate([x_i, x_j - x_i], axis=1)  # [B, 2C, N, k]
    out = jnp.einsum('oc,bcnk->bonk', W, h) + b[None, :, None, None]
    out = jax.nn.relu(out)
    max_value = jnp.max(out, axis=-1, keepdims=True)  # [B, out_c, N, 1]
    return max_value

if __name__ == "__main__":
    import jax
    _d = setup_inputs()
    print(jax.jit(kernel)(*tuple(_d.values())))

</pallas_src>

<mosaic_0001>
#map = affine_map<(d0, d1) -> (0)>
#map1 = affine_map<(d0, d1) -> (0, 0)>
module attributes {stable_mosaic.version = 14 : i64} {
  func.func @body(%arg0: i32, %arg1: i32, %arg2: memref<327936xi32, #tpu.memory_space<hbm>>, %arg3: memref<20480x256xf32, #tpu.memory_space<hbm>>, %arg4: memref<10240x256xf32, #tpu.memory_space<hbm>>, %arg5: memref<10496xi32, #tpu.memory_space<vmem>>, %arg6: memref<256x256xf32, #tpu.memory_space<vmem>>, %arg7: memref<8x256xf32, #tpu.memory_space<vmem>>, %arg8: memref<!tpu.dma_semaphore, #tpu.memory_space<semaphore_mem>>, %arg9: memref<!tpu.dma_semaphore, #tpu.memory_space<semaphore_mem>>, %arg10: memref<!tpu.dma_semaphore, #tpu.memory_space<semaphore_mem>>, %arg11: memref<!tpu.dma_semaphore, #tpu.memory_space<semaphore_mem>>, %arg12: memref<!tpu.dma_semaphore, #tpu.memory_space<semaphore_mem>>, %arg13: memref<!tpu.dma_semaphore, #tpu.memory_space<semaphore_mem>>, %arg14: memref<!tpu.dma_semaphore, #tpu.memory_space<semaphore_mem>>, %arg15: memref<!tpu.dma_semaphore, #tpu.memory_space<semaphore_mem>>) attributes {dimension_semantics = [#tpu.dimension_semantics<core_parallel>, #tpu.dimension_semantics<subcore_parallel>], iteration_bounds = array<i64: 2, 16>, scalar_prefetch = 0 : i64, scratch_operands = 11 : i64, tpu.core_type = #tpu.core_type<sc_vector_subcore>, window_params = [{transform_indices = #map}, {transform_indices = #map1}, {transform_indices = #map1}]} {
    %mul3A = arith.constant 2 : i32
    %mul3A_0 = arith.muli %arg1, %mul3A : i32
    %add3A = arith.addi %mul3A_0, %arg0 : i32
    %mul3A_1 = arith.constant 320 : i32
    %mul3A_2 = arith.muli %add3A, %mul3A_1 : i32
    %mul3A_3 = arith.constant 2 : i32
    %mul3A_4 = arith.muli %mul3A_2, %mul3A_3 : i32
    %mul3A_5 = arith.constant 16 : i32
    %mul3A_6 = arith.muli %mul3A_4, %mul3A_5 : i32
    "tpu.region"() ({
      %run_scoped3A = tpu.sem_alloc : memref<!tpu.dma_semaphore, #tpu.memory_space<semaphore_mem>>
      %dma_start3A_139 = tpu.memref_slice %arg2[%mul3A_6] : memref<327936xi32, #tpu.memory_space<hbm>> -> memref<10496xi32, #tpu.memory_space<hbm>>
      %dma_start3A_140 = tpu.memref_slice %arg2[%mul3A_6] : memref<327936xi32, #tpu.memory_space<hbm>> -> memref<10496xi32, #tpu.memory_space<hbm>>
      tpu.enqueue_dma source(%dma_start3A_140 : memref<10496xi32, #tpu.memory_space<hbm>>) target(%arg5 : memref<10496xi32, #tpu.memory_space<vmem>>) target_semaphore(%run_scoped3A : memref<!tpu.dma_semaphore, #tpu.memory_space<semaphore_mem>>)
      %dma_wait3A_141 = tpu.memref_slice %arg2[%mul3A_6] : memref<327936xi32, #tpu.memory_space<hbm>> -> memref<10496xi32, #tpu.memory_space<hbm>>
      %dma_wait3A_142 = tpu.memref_slice %arg2[%mul3A_6] : memref<327936xi32, #tpu.memory_space<hbm>> -> memref<10496xi32, #tpu.memory_space<hbm>>
      tpu.wait_dma2 semaphore(%run_scoped3A : memref<!tpu.dma_semaphore, #tpu.memory_space<semaphore_mem>>) src(%dma_wait3A_142 : memref<10496xi32, #tpu.memory_space<hbm>>) dst(%arg5 : memref<10496xi32, #tpu.memory_space<vmem>>)
      tpu.yield
    }) : () -> ()
    %dma_start3A = arith.constant 0 : i32
    %dma_start3A_7 = arith.constant 0 : i32
    %dma_start3A_8 = tpu.memref_slice %arg6[%dma_start3A, %dma_start3A_7] : memref<256x256xf32, #tpu.memory_space<vmem>> -> memref<64x256xf32, #tpu.memory_space<vmem>>
    %dma_start3A_9 = arith.constant 0 : i32
    %dma_start3A_10 = tpu.memref_slice %arg5[%dma_start3A_9] : memref<10496xi32, #tpu.memory_space<vmem>> -> memref<64xi32, #tpu.memory_space<vmem>>
    %dma_start3A_11 = arith.constant 0 : i32
    %dma_start3A_12 = arith.constant 0 : i32
    %dma_start3A_13 = tpu.memref_slice %arg3[%dma_start3A_11, %dma_start3A_12] : memref<20480x256xf32, #tpu.memory_space<hbm>> -> memref<20480x256xf32, #tpu.memory_space<hbm>>
    tpu.enqueue_indirect_dma source(%dma_start3A_13 : memref<20480x256xf32, #tpu.memory_space<hbm>>) target(%dma_start3A_8 : memref<64x256xf32, #tpu.memory_space<vmem>>) offsets(%dma_start3A_10 : memref<64xi32, #tpu.memory_space<vmem>>) semaphore(%arg8 : memref<!tpu.dma_semaphore, #tpu.memory_space<semaphore_mem>>)
    %dma_start3A_14 = arith.constant 64 : i32
    %dma_start3A_15 = arith.constant 0 : i32
    %dma_start3A_16 = tpu.memref_slice %arg6[%dma_start3A_14, %dma_start3A_15] : memref<256x256xf32, #tpu.memory_space<vmem>> -> memref<64x256xf32, #tpu.memory_space<vmem>>
    %dma_start3A_17 = arith.constant 64 : i32
    %dma_start3A_18 = tpu.memref_slice %arg5[%dma_start3A_17] : memref<10496xi32, #tpu.memory_space<vmem>> -> memref<64xi32, #tpu.memory_space<vmem>>
    %dma_start3A_19 = arith.constant 0 : i32
    %dma_start3A_20 = arith.constant 0 : i32
    %dma_start3A_21 = tpu.memref_slice %arg3[%dma_start3A_19, %dma_start3A_20] : memref<20480x256xf32, #tpu.memory_space<hbm>> -> memref<20480x256xf32, #tpu.memory_space<hbm>>
    tpu.enqueue_indirect_dma source(%dma_start3A_21 : memref<20480x256xf32, #tpu.memory_space<hbm>>) target(%dma_start3A_16 : memref<64x256xf32, #tpu.memory_space<vmem>>) offsets(%dma_start3A_18 : memref<64xi32, #tpu.memory_space<vmem>>) semaphore(%arg9 : memref<!tpu.dma_semaphore, #tpu.memory_space<semaphore_mem>>)
    %dma_start3A_22 = arith.constant 128 : i32
    %dma_start3A_23 = arith.constant 0 : i32
    %dma_start3A_24 = tpu.memref_slice %arg6[%dma_start3A_22, %dma_start3A_23] : memref<256x256xf32, #tpu.memory_space<vmem>> -> memref<64x256xf32, #tpu.memory_space<vmem>>
    %dma_start3A_25 = arith.constant 128 : i32
    %dma_start3A_26 = tpu.memref_slice %arg5[%dma_start3A_25] : memref<10496xi32, #tpu.memory_space<vmem>> -> memref<64xi32, #tpu.memory_space<vmem>>
    %dma_start3A_27 = arith.constant 0 : i32
    %dma_start3A_28 = arith.constant 0 : i32
    %dma_start3A_29 = tpu.memref_slice %arg3[%dma_start3A_27, %dma_start3A_28] : memref<20480x256xf32, #tpu.memory_space<hbm>> -> memref<20480x256xf32, #tpu.memory_space<hbm>>
    tpu.enqueue_indirect_dma source(%dma_start3A_29 : memref<20480x256xf32, #tpu.memory_space<hbm>>) target(%dma_start3A_24 : memref<64x256xf32, #tpu.memory_space<vmem>>) offsets(%dma_start3A_26 : memref<64xi32, #tpu.memory_space<vmem>>) semaphore(%arg10 : memref<!tpu.dma_semaphore, #tpu.memory_space<semaphore_mem>>)
    %dma_start3A_30 = arith.constant 192 : i32
    %dma_start3A_31 = arith.constant 0 : i32
    %dma_start3A_32 = tpu.memref_slice %arg6[%dma_start3A_30, %dma_start3A_31] : memref<256x256xf32, #tpu.memory_space<vmem>> -> memref<64x256xf32, #tpu.memory_space<vmem>>
    %dma_start3A_33 = arith.constant 192 : i32
    %dma_start3A_34 = tpu.memref_slice %arg5[%dma_start3A_33] : memref<10496xi32, #tpu.memory_space<vmem>> -> memref<64xi32, #tpu.memory_space<vmem>>
    %dma_start3A_35 = arith.constant 0 : i32
    %dma_start3A_36 = arith.constant 0 : i32
    %dma_start3A_37 = tpu.memref_slice %arg3[%dma_start3A_35, %dma_start3A_36] : memref<20480x256xf32, #tpu.memory_space<hbm>> -> memref<20480x256xf32, #tpu.memory_space<hbm>>
    tpu.enqueue_indirect_dma source(%dma_start3A_37 : memref<20480x256xf32, #tpu.memory_space<hbm>>) target(%dma_start3A_32 : memref<64x256xf32, #tpu.memory_space<vmem>>) offsets(%dma_start3A_34 : memref<64xi32, #tpu.memory_space<vmem>>) semaphore(%arg11 : memref<!tpu.dma_semaphore, #tpu.memory_space<semaphore_mem>>)
    %scan3A = arith.constant 0 : i32
    %scan3A_38 = arith.constant 0 : i32
    %scan3A_39 = arith.constant 40 : i32
    %scan3A_40 = arith.addi %scan3A_38, %scan3A_39 : i32
    %scan3A_41 = arith.constant 1 : i32
    %scan3A_42 = scf.for %scan3A_139 = %scan3A_38 to %scan3A_40 step %scan3A_41 iter_args(%scan3A_140 = %scan3A) -> (i32)  : i32 {
      %mul3A_141 = arith.constant 4 : i32
      %mul3A_142 = arith.muli %scan3A_139, %mul3A_141 : i32
      %add3A_143 = arith.constant 0 : i32
      %add3A_144 = arith.addi %mul3A_142, %add3A_143 : i32
      %dma_wait3A_145 = arith.constant 0 : i32
      %dma_wait3A_146 = arith.constant 0 : i32
      %dma_wait3A_147 = tpu.memref_slice %arg6[%dma_wait3A_145, %dma_wait3A_146] : memref<256x256xf32, #tpu.memory_space<vmem>> -> memref<64x256xf32, #tpu.memory_space<vmem>>
      %dma_wait3A_148 = arith.constant 0 : i32
      %dma_wait3A_149 = arith.constant 0 : i32
      %dma_wait3A_150 = tpu.memref_slice %arg3[%dma_wait3A_148, %dma_wait3A_149] : memref<20480x256xf32, #tpu.memory_space<hbm>> -> memref<64x256xf32, #tpu.memory_space<hbm>>
      %dma_wait3A_151 = arith.constant 0 : i32
      %dma_wait3A_152 = arith.constant 0 : i32
      %dma_wait3A_153 = tpu.memref_slice %arg6[%dma_wait3A_151, %dma_wait3A_152] : memref<256x256xf32, #tpu.memory_space<vmem>> -> memref<64x256xf32, #tpu.memory_space<vmem>>
      %dma_wait3A_154 = arith.constant 0 : i32
      %dma_wait3A_155 = arith.constant 0 : i32
      %dma_wait3A_156 = tpu.memref_slice %arg3[%dma_wait3A_154, %dma_wait3A_155] : memref<20480x256xf32, #tpu.memory_space<hbm>> -> memref<64x256xf32, #tpu.memory_space<hbm>>
      tpu.wait_dma2 semaphore(%arg8 : memref<!tpu.dma_semaphore, #tpu.memory_space<semaphore_mem>>) src(%dma_wait3A_156 : memref<64x256xf32, #tpu.memory_space<hbm>>) dst(%dma_wait3A_153 : memref<64x256xf32, #tpu.memory_space<vmem>>)
      %ge3A = arith.constant 1 : i32
      %ge3A_157 = arith.cmpi sge, %scan3A_139, %ge3A : i32
      %convert_element_type3A = arith.extui %ge3A_157 : i1 to i32
      %cond3A = arith.constant 0 : i32
      %cond3A_158 = arith.cmpi ne, %convert_element_type3A, %cond3A : i32
      scf.if %cond3A_158 {
        %dma_wait3A_347 = arith.constant 0 : i32
        %dma_wait3A_348 = arith.constant 0 : i32
        %dma_wait3A_349 = tpu.memref_slice %arg7[%dma_wait3A_347, %dma_wait3A_348] : memref<8x256xf32, #tpu.memory_space<vmem>> -> memref<2x256xf32, #tpu.memory_space<vmem>>
        %dma_wait3A_350 = arith.constant 0 : i32
        %dma_wait3A_351 = arith.constant 0 : i32
        %dma_wait3A_352 = tpu.memref_slice %arg4[%dma_wait3A_350, %dma_wait3A_351] : memref<10240x256xf32, #tpu.memory_space<hbm>> -> memref<2x256xf32, #tpu.memory_space<hbm>>
        %dma_wait3A_353 = arith.constant 0 : i32
        %dma_wait3A_354 = arith.constant 0 : i32
        %dma_wait3A_355 = tpu.memref_slice %arg7[%dma_wait3A_353, %dma_wait3A_354] : memref<8x256xf32, #tpu.memory_space<vmem>> -> memref<2x256xf32, #tpu.memory_space<vmem>>
        %dma_wait3A_356 = arith.constant 0 : i32
        %dma_wait3A_357 = arith.constant 0 : i32
        %dma_wait3A_358 = tpu.memref_slice %arg4[%dma_wait3A_356, %dma_wait3A_357] : memref<10240x256xf32, #tpu.memory_space<hbm>> -> memref<2x256xf32, #tpu.memory_space<hbm>>
        tpu.wait_dma2 semaphore(%arg12 : memref<!tpu.dma_semaphore, #tpu.memory_space<semaphore_mem>>) src(%dma_wait3A_358 : memref<2x256xf32, #tpu.memory_space<hbm>>) dst(%dma_wait3A_355 : memref<2x256xf32, #tpu.memory_space<vmem>>)
      } else {
      }
      %scan3A_159 = arith.constant 0 : i32
      %scan3A_160 = arith.constant 0 : i32
      %scan3A_161 = arith.constant 16 : i32
      %scan3A_162 = arith.addi %scan3A_160, %scan3A_161 : i32
      %scan3A_163 = arith.constant 1 : i32
      %scan3A_164 = scf.for %scan3A_347 = %scan3A_160 to %scan3A_162 step %scan3A_163 iter_args(%scan3A_348 = %scan3A_159) -> (i32)  : i32 {
        %mul3A_349 = arith.constant 16 : i32
        %mul3A_350 = arith.muli %scan3A_347, %mul3A_349 : i32
        %get3A = arith.constant 0 : i32
        %get3A_351 = arith.index_cast %get3A : i32 to index
        %get3A_352 = arith.index_cast %mul3A_350 : i32 to index
        %get3A_353 = tpu.vector_load %arg6[%get3A_351, %get3A_352] {strides = array<i32>} : memref<256x256xf32, #tpu.memory_space<vmem>>, vector<1x16xf32>,
        %get3A_354 = vector.shape_cast %get3A_353 : vector<1x16xf32> to vector<16xf32>
        %get3A_355 = arith.constant 32 : i32
        %get3A_356 = arith.index_cast %get3A_355 : i32 to index
        %get3A_357 = arith.index_cast %mul3A_350 : i32 to index
        %get3A_358 = tpu.vector_load %arg6[%get3A_356, %get3A_357] {strides = array<i32>} : memref<256x256xf32, #tpu.memory_space<vmem>>, vector<1x16xf32>,
        %get3A_359 = vector.shape_cast %get3A_358 : vector<1x16xf32> to vector<16xf32>
        %add3A_360 = arith.addf %get3A_354, %get3A_359 : vector<16xf32>
        %get3A_361 = arith.constant 1 : i32
        %get3A_362 = arith.index_cast %get3A_361 : i32 to index
        %get3A_363 = arith.index_cast %mul3A_350 : i32 to index
        %get3A_364 = tpu.vector_load %arg6[%get3A_362, %get3A_363] {strides = array<i32>} : memref<256x256xf32, #tpu.memory_space<vmem>>, vector<1x16xf32>,
        %get3A_365 = vector.shape_cast %get3A_364 : vector<1x16xf32> to vector<16xf32>
        %get3A_366 = arith.constant 33 : i32
        %get3A_367 = arith.index_cast %get3A_366 : i32 to index
        %get3A_368 = arith.index_cast %mul3A_350 : i32 to index
        %get3A_369 = tpu.vector_load %arg6[%get3A_367, %get3A_368] {strides = array<i32>} : memref<256x256xf32, #tpu.memory_space<vmem>>, vector<1x16xf32>,
        %get3A_370 = vector.shape_cast %get3A_369 : vector<1x16xf32> to vector<16xf32>
        %add3A_371 = arith.addf %get3A_365, %get3A_370 : vector<16xf32>
        %max3A = arith.maximumf %add3A_360, %add3A_371 : vector<16xf32>
        %get3A_372 = arith.constant 2 : i32
        %get3A_373 = arith.index_cast %get3A_372 : i32 to index
        %get3A_374 = arith.index_cast %mul3A_350 : i32 to index
        %get3A_375 = tpu.vector_load %arg6[%get3A_373, %get3A_374] {strides = array<i32>} : memref<256x256xf32, #tpu.memory_space<vmem>>, vector<1x16xf32>,
        %get3A_376 = vector.shape_cast %get3A_375 : vector<1x16xf32> to vector<16xf32>
        %get3A_377 = arith.constant 34 : i32
        %get3A_378 = arith.index_cast %get3A_377 : i32 to index
        %get3A_379 = arith.index_cast %mul3A_350 : i32 to index
        %get3A_380 = tpu.vector_load %arg6[%get3A_378, %get3A_379] {strides = array<i32>} : memref<256x256xf32, #tpu.memory_space<vmem>>, vector<1x16xf32>,
        %get3A_381 = vector.shape_cast %get3A_380 : vector<1x16xf32> to vector<16xf32>
        %add3A_382 = arith.addf %get3A_376, %get3A_381 : vector<16xf32>
        %max3A_383 = arith.maximumf %max3A, %add3A_382 : vector<16xf32>
        %get3A_384 = arith.constant 3 : i32
        %get3A_385 = arith.index_cast %get3A_384 : i32 to index
        %get3A_386 = arith.index_cast %mul3A_350 : i32 to index
        %get3A_387 = tpu.vector_load %arg6[%get3A_385, %get3A_386] {strides = array<i32>} : memref<256x256xf32, #tpu.memory_space<vmem>>, vector<1x16xf32>,
        %get3A_388 = vector.shape_cast %get3A_387 : vector<1x16xf32> to vector<16xf32>
        %get3A_389 = arith.constant 35 : i32
        %get3A_390 = arith.index_cast %get3A_389 : i32 to index
        %get3A_391 = arith.index_cast %mul3A_350 : i32 to index
        %get3A_392 = tpu.vector_load %arg6[%get3A_390, %get3A_391] {strides = array<i32>} : memref<256x256xf32, #tpu.memory_space<vmem>>, vector<1x16xf32>,
        %get3A_393 = vector.shape_cast %get3A_392 : vector<1x16xf32> to vector<16xf32>
        %add3A_394 = arith.addf %get3A_388, %get3A_393 : vector<16xf32>
        %max3A_395 = arith.maximumf %max3A_383, %add3A_394 : vector<16xf32>
        %get3A_396 = arith.constant 4 : i32
        %get3A_397 = arith.index_cast %get3A_396 : i32 to index
        %get3A_398 = arith.index_cast %mul3A_350 : i32 to index
        %get3A_399 = tpu.vector_load %arg6[%get3A_397, %get3A_398] {strides = array<i32>} : memref<256x256xf32, #tpu.memory_space<vmem>>, vector<1x16xf32>,
        %get3A_400 = vector.shape_cast %get3A_399 : vector<1x16xf32> to vector<16xf32>
        %get3A_401 = arith.constant 36 : i32
        %get3A_402 = arith.index_cast %get3A_401 : i32 to index
        %get3A_403 = arith.index_cast %mul3A_350 : i32 to index
        %get3A_404 = tpu.vector_load %arg6[%get3A_402, %get3A_403] {strides = array<i32>} : memref<256x256xf32, #tpu.memory_space<vmem>>, vector<1x16xf32>,
        %get3A_405 = vector.shape_cast %get3A_404 : vector<1x16xf32> to vector<16xf32>
        %add3A_406 = arith.addf %get3A_400, %get3A_405 : vector<16xf32>
        %max3A_407 = arith.maximumf %max3A_395, %add3A_406 : vector<16xf32>
        %get3A_408 = arith.constant 5 : i32
        %get3A_409 = arith.index_cast %get3A_408 : i32 to index
        %get3A_410 = arith.index_cast %mul3A_350 : i32 to index
        %get3A_411 = tpu.vector_load %arg6[%get3A_409, %get3A_410] {strides = array<i32>} : memref<256x256xf32, #tpu.memory_space<vmem>>, vector<1x16xf32>,
        %get3A_412 = vector.shape_cast %get3A_411 : vector<1x16xf32> to vector<16xf32>
        %get3A_413 = arith.constant 37 : i32
        %get3A_414 = arith.index_cast %get3A_413 : i32 to index
        %get3A_415 = arith.index_cast %mul3A_350 : i32 to index
        %get3A_416 = tpu.vector_load %arg6[%get3A_414, %get3A_415] {strides = array<i32>} : memref<256x256xf32, #tpu.memory_space<vmem>>, vector<1x16xf32>,
        %get3A_417 = vector.shape_cast %get3A_416 : vector<1x16xf32> to vector<16xf32>
        %add3A_418 = arith.addf %get3A_412, %get3A_417 : vector<16xf32>
        %max3A_419 = arith.maximumf %max3A_407, %add3A_418 : vector<16xf32>
        %get3A_420 = arith.constant 6 : i32
        %get3A_421 = arith.index_cast %get3A_420 : i32 to index
        %get3A_422 = arith.index_cast %mul3A_350 : i32 to index
        %get3A_423 = tpu.vector_load %arg6[%get3A_421, %get3A_422] {strides = array<i32>} : memref<256x256xf32, #tpu.memory_space<vmem>>, vector<1x16xf32>,
        %get3A_424 = vector.shape_cast %get3A_423 : vector<1x16xf32> to vector<16xf32>
        %get3A_425 = arith.constant 38 : i32
        %get3A_426 = arith.index_cast %get3A_425 : i32 to index
        %get3A_427 = arith.index_cast %mul3A_350 : i32 to index
        %get3A_428 = tpu.vector_load %arg6[%get3A_426, %get3A_427] {strides = array<i32>} : memref<256x256xf32, #tpu.memory_space<vmem>>, vector<1x16xf32>,
        %get3A_429 = vector.shape_cast %get3A_428 : vector<1x16xf32> to vector<16xf32>
        %add3A_430 = arith.addf %get3A_424, %get3A_429 : vector<16xf32>
        %max3A_431 = arith.maximumf %max3A_419, %add3A_430 : vector<16xf32>
        %get3A_432 = arith.constant 7 : i32
        %get3A_433 = arith.index_cast %get3A_432 : i32 to index
        %get3A_434 = arith.index_cast %mul3A_350 : i32 to index
        %get3A_435 = tpu.vector_load %arg6[%get3A_433, %get3A_434] {strides = array<i32>} : memref<256x256xf32, #tpu.memory_space<vmem>>, vector<1x16xf32>,
        %get3A_436 = vector.shape_cast %get3A_435 : vector<1x16xf32> to vector<16xf32>
        %get3A_437 = arith.constant 39 : i32
        %get3A_438 = arith.index_cast %get3A_437 : i32 to index
        %get3A_439 = arith.index_cast %mul3A_350 : i32 to index
        %get3A_440 = tpu.vector_load %arg6[%get3A_438, %get3A_439] {strides = array<i32>} : memref<256x256xf32, #tpu.memory_space<vmem>>, vector<1x16xf32>,
        %get3A_441 = vector.shape_cast %get3A_440 : vector<1x16xf32> to vector<16xf32>
        %add3A_442 = arith.addf %get3A_436, %get3A_441 : vector<16xf32>
        %max3A_443 = arith.maximumf %max3A_431, %add3A_442 : vector<16xf32>
        %get3A_444 = arith.constant 8 : i32
        %get3A_445 = arith.index_cast %get3A_444 : i32 to index
        %get3A_446 = arith.index_cast %mul3A_350 : i32 to index
        %get3A_447 = tpu.vector_load %arg6[%get3A_445, %get3A_446] {strides = array<i32>} : memref<256x256xf32, #tpu.memory_space<vmem>>, vector<1x16xf32>,
        %get3A_448 = vector.shape_cast %get3A_447 : vector<1x16xf32> to vector<16xf32>
        %get3A_449 = arith.constant 40 : i32
        %get3A_450 = arith.index_cast %get3A_449 : i32 to index
        %get3A_451 = arith.index_cast %mul3A_350 : i32 to index
        %get3A_452 = tpu.vector_load %arg6[%get3A_450, %get3A_451] {strides = array<i32>} : memref<256x256xf32, #tpu.memory_space<vmem>>, vector<1x16xf32>,
        %get3A_453 = vector.shape_cast %get3A_452 : vector<1x16xf32> to vector<16xf32>
        %add3A_454 = arith.addf %get3A_448, %get3A_453 : vector<16xf32>
        %max3A_455 = arith.maximumf %max3A_443, %add3A_454 : vector<16xf32>
        %get3A_456 = arith.constant 9 : i32
        %get3A_457 = arith.index_cast %get3A_456 : i32 to index
        %get3A_458 = arith.index_cast %mul3A_350 : i32 to index
        %get3A_459 = tpu.vector_load %arg6[%get3A_457, %get3A_458] {strides = array<i32>} : memref<256x256xf32, #tpu.memory_space<vmem>>, vector<1x16xf32>,
        %get3A_460 = vector.shape_cast %get3A_459 : vector<1x16xf32> to vector<16xf32>
        %get3A_461 = arith.constant 41 : i32
        %get3A_462 = arith.index_cast %get3A_461 : i32 to index
        %get3A_463 = arith.index_cast %mul3A_350 : i32 to index
        %get3A_464 = tpu.vector_load %arg6[%get3A_462, %get3A_463] {strides = array<i32>} : memref<256x256xf32, #tpu.memory_space<vmem>>, vector<1x16xf32>,
        %get3A_465 = vector.shape_cast %get3A_464 : vector<1x16xf32> to vector<16xf32>
        %add3A_466 = arith.addf %get3A_460, %get3A_465 : vector<16xf32>
        %max3A_467 = arith.maximumf %max3A_455, %add3A_466 : vector<16xf32>
        %get3A_468 = arith.constant 10 : i32
        %get3A_469 = arith.index_cast %get3A_468 : i32 to index
        %get3A_470 = arith.index_cast %mul3A_350 : i32 to index
        %get3A_471 = tpu.vector_load %arg6[%get3A_469, %get3A_470] {strides = array<i32>} : memref<256x256xf32, #tpu.memory_space<vmem>>, vector<1x16xf32>,
        %get3A_472 = vector.shape_cast %get3A_471 : vector<1x16xf32> to vector<16xf32>
        %get3A_473 = arith.constant 42 : i32
        %get3A_474 = arith.index_cast %get3A_473 : i32 to index
        %get3A_475 = arith.index_cast %mul3A_350 : i32 to index
        %get3A_476 = tpu.vector_load %arg6[%get3A_474, %get3A_475] {strides = array<i32>} : memref<256x256xf32, #tpu.memory_space<vmem>>, vector<1x16xf32>,
        %get3A_477 = vector.shape_cast %get3A_476 : vector<1x16xf32> to vector<16xf32>
        %add3A_478 = arith.addf %get3A_472, %get3A_477 : vector<16xf32>
        %max3A_479 = arith.maximumf %max3A_467, %add3A_478 : vector<16xf32>
        %get3A_480 = arith.constant 11 : i32
        %get3A_481 = arith.index_cast %get3A_480 : i32 to index
        %get3A_482 = arith.index_cast %mul3A_350 : i32 to index
        %get3A_483 = tpu.vector_load %arg6[%get3A_481, %get3A_482] {strides = array<i32>} : memref<256x256xf32, #tpu.memory_space<vmem>>, vector<1x16xf32>,
        %get3A_484 = vector.shape_cast %get3A_483 : vector<1x16xf32> to vector<16xf32>
        %get3A_485 = arith.constant 43 : i32
        %get3A_486 = arith.index_cast %get3A_485 : i32 to index
        %get3A_487 = arith.index_cast %mul3A_350 : i32 to index
        %get3A_488 = tpu.vector_load %arg6[%get3A_486, %get3A_487] {strides = array<i32>} : memref<256x256xf32, #tpu.memory_space<vmem>>, vector<1x16xf32>,
        %get3A_489 = vector.shape_cast %get3A_488 : vector<1x16xf32> to vector<16xf32>
        %add3A_490 = arith.addf %get3A_484, %get3A_489 : vector<16xf32>
        %max3A_491 = arith.maximumf %max3A_479, %add3A_490 : vector<16xf32>
        %get3A_492 = arith.constant 12 : i32
        %get3A_493 = arith.index_cast %get3A_492 : i32 to index
        %get3A_494 = arith.index_cast %mul3A_350 : i32 to index
        %get3A_495 = tpu.vector_load %arg6[%get3A_493, %get3A_494] {strides = array<i32>} : memref<256x256xf32, #tpu.memory_space<vmem>>, vector<1x16xf32>,
        %get3A_496 = vector.shape_cast %get3A_495 : vector<1x16xf32> to vector<16xf32>
        %get3A_497 = arith.constant 44 : i32
        %get3A_498 = arith.index_cast %get3A_497 : i32 to index
        %get3A_499 = arith.index_cast %mul3A_350 : i32 to index
        %get3A_500 = tpu.vector_load %arg6[%get3A_498, %get3A_499] {strides = array<i32>} : memref<256x256xf32, #tpu.memory_space<vmem>>, vector<1x16xf32>,
        %get3A_501 = vector.shape_cast %get3A_500 : vector<1x16xf32> to vector<16xf32>
        %add3A_502 = arith.addf %get3A_496, %get3A_501 : vector<16xf32>
        %max3A_503 = arith.maximumf %max3A_491, %add3A_502 : vector<16xf32>
        %get3A_504 = arith.constant 13 : i32
        %get3A_505 = arith.index_cast %get3A_504 : i32 to index
        %get3A_506 = arith.index_cast %mul3A_350 : i32 to index
        %get3A_507 = tpu.vector_load %arg6[%get3A_505, %get3A_506] {strides = array<i32>} : memref<256x256xf32, #tpu.memory_space<vmem>>, vector<1x16xf32>,
        %get3A_508 = vector.shape_cast %get3A_507 : vector<1x16xf32> to vector<16xf32>
        %get3A_509 = arith.constant 45 : i32
        %get3A_510 = arith.index_cast %get3A_509 : i32 to index
        %get3A_511 = arith.index_cast %mul3A_350 : i32 to index
        %get3A_512 = tpu.vector_load %arg6[%get3A_510, %get3A_511] {strides = array<i32>} : memref<256x256xf32, #tpu.memory_space<vmem>>, vector<1x16xf32>,
        %get3A_513 = vector.shape_cast %get3A_512 : vector<1x16xf32> to vector<16xf32>
        %add3A_514 = arith.addf %get3A_508, %get3A_513 : vector<16xf32>
        %max3A_515 = arith.maximumf %max3A_503, %add3A_514 : vector<16xf32>
        %get3A_516 = arith.constant 14 : i32
        %get3A_517 = arith.index_cast %get3A_516 : i32 to index
        %get3A_518 = arith.index_cast %mul3A_350 : i32 to index
        %get3A_519 = tpu.vector_load %arg6[%get3A_517, %get3A_518] {strides = array<i32>} : memref<256x256xf32, #tpu.memory_space<vmem>>, vector<1x16xf32>,
        %get3A_520 = vector.shape_cast %get3A_519 : vector<1x16xf32> to vector<16xf32>
        %get3A_521 = arith.constant 46 : i32
        %get3A_522 = arith.index_cast %get3A_521 : i32 to index
        %get3A_523 = arith.index_cast %mul3A_350 : i32 to index
        %get3A_524 = tpu.vector_load %arg6[%get3A_522, %get3A_523] {strides = array<i32>} : memref<256x256xf32, #tpu.memory_space<vmem>>, vector<1x16xf32>,
        %get3A_525 = vector.shape_cast %get3A_524 : vector<1x16xf32> to vector<16xf32>
        %add3A_526 = arith.addf %get3A_520, %get3A_525 : vector<16xf32>
        %max3A_527 = arith.maximumf %max3A_515, %add3A_526 : vector<16xf32>
        %get3A_528 = arith.constant 15 : i32
        %get3A_529 = arith.index_cast %get3A_528 : i32 to index
        %get3A_530 = arith.index_cast %mul3A_350 : i32 to index
        %get3A_531 = tpu.vector_load %arg6[%get3A_529, %get3A_530] {strides = array<i32>} : memref<256x256xf32, #tpu.memory_space<vmem>>, vector<1x16xf32>,
        %get3A_532 = vector.shape_cast %get3A_531 : vector<1x16xf32> to vector<16xf32>
        %get3A_533 = arith.constant 47 : i32
        %get3A_534 = arith.index_cast %get3A_533 : i32 to index
        %get3A_535 = arith.index_cast %mul3A_350 : i32 to index
        %get3A_536 = tpu.vector_load %arg6[%get3A_534, %get3A_535] {strides = array<i32>} : memref<256x256xf32, #tpu.memory_space<vmem>>, vector<1x16xf32>,
        %get3A_537 = vector.shape_cast %get3A_536 : vector<1x16xf32> to vector<16xf32>
        %add3A_538 = arith.addf %get3A_532, %get3A_537 : vector<16xf32>
        %max3A_539 = arith.maximumf %max3A_527, %add3A_538 : vector<16xf32>
        %max3A_540 = arith.constant 0.000000e+00 : f32
        %max3A_541 = vector.broadcast %max3A_540 : f32 to vector<16xf32>
        %max3A_542 = arith.maximumf %max3A_539, %max3A_541 : vector<16xf32>
        %swap3A = arith.constant 0 : i32
        %swap3A_543 = arith.index_cast %swap3A : i32 to index
        %swap3A_544 = arith.index_cast %mul3A_350 : i32 to index
        %swap3A_545 = tpu.vector_load %arg7[%swap3A_543, %swap3A_544] {strides = array<i32>} : memref<8x256xf32, #tpu.memory_space<vmem>>, vector<1x16xf32>,
        %swap3A_546 = vector.shape_cast %swap3A_545 : vector<1x16xf32> to vector<16xf32>
        %swap3A_547 = vector.shape_cast %max3A_542 : vector<16xf32> to vector<1x16xf32>
        tpu.vector_store %arg7[%swap3A_543, %swap3A_544], %swap3A_547 {strides = array<i32>} : memref<8x256xf32, #tpu.memory_space<vmem>>, vector<1x16xf32>,
        %get3A_548 = arith.constant 16 : i32
        %get3A_549 = arith.index_cast %get3A_548 : i32 to index
        %get3A_550 = arith.index_cast %mul3A_350 : i32 to index
        %get3A_551 = tpu.vector_load %arg6[%get3A_549, %get3A_550] {strides = array<i32>} : memref<256x256xf32, #tpu.memory_space<vmem>>, vector<1x16xf32>,
        %get3A_552 = vector.shape_cast %get3A_551 : vector<1x16xf32> to vector<16xf32>
        %get3A_553 = arith.constant 48 : i32
        %get3A_554 = arith.index_cast %get3A_553 : i32 to index
        %get3A_555 = arith.index_cast %mul3A_350 : i32 to index
        %get3A_556 = tpu.vector_load %arg6[%get3A_554, %get3A_555] {strides = array<i32>} : memref<256x256xf32, #tpu.memory_space<vmem>>, vector<1x16xf32>,
        %get3A_557 = vector.shape_cast %get3A_556 : vector<1x16xf32> to vector<16xf32>
        %add3A_558 = arith.addf %get3A_552, %get3A_557 : vector<16xf32>
        %get3A_559 = arith.constant 17 : i32
        %get3A_560 = arith.index_cast %get3A_559 : i32 to index
        %get3A_561 = arith.index_cast %mul3A_350 : i32 to index
        %get3A_562 = tpu.vector_load %arg6[%get3A_560, %get3A_561] {strides = array<i32>} : memref<256x256xf32, #tpu.memory_space<vmem>>, vector<1x16xf32>,
        %get3A_563 = vector.shape_cast %get3A_562 : vector<1x16xf32> to vector<16xf32>
        %get3A_564 = arith.constant 49 : i32
        %get3A_565 = arith.index_cast %get3A_564 : i32 to index
        %get3A_566 = arith.index_cast %mul3A_350 : i32 to index
        %get3A_567 = tpu.vector_load %arg6[%get3A_565, %get3A_566] {strides = array<i32>} : memref<256x256xf32, #tpu.memory_space<vmem>>, vector<1x16xf32>,
        %get3A_568 = vector.shape_cast %get3A_567 : vector<1x16xf32> to vector<16xf32>
        %add3A_569 = arith.addf %get3A_563, %get3A_568 : vector<16xf32>
        %max3A_570 = arith.maximumf %add3A_558, %add3A_569 : vector<16xf32>
        %get3A_571 = arith.constant 18 : i32
        %get3A_572 = arith.index_cast %get3A_571 : i32 to index
        %get3A_573 = arith.index_cast %mul3A_350 : i32 to index
        %get3A_574 = tpu.vector_load %arg6[%get3A_572, %get3A_573] {strides = array<i32>} : memref<256x256xf32, #tpu.memory_space<vmem>>, vector<1x16xf32>,
        %get3A_575 = vector.shape_cast %get3A_574 : vector<1x16xf32> to vector<16xf32>
        %get3A_576 = arith.constant 50 : i32
        %get3A_577 = arith.index_cast %get3A_576 : i32 to index
        %get3A_578 = arith.index_cast %mul3A_350 : i32 to index
        %get3A_579 = tpu.vector_load %arg6[%get3A_577, %get3A_578] {strides = array<i32>} : memref<256x256xf32, #tpu.memory_space<vmem>>, vector<1x16xf32>,
        %get3A_580 = vector.shape_cast %get3A_579 : vector<1x16xf32> to vector<16xf32>
        %add3A_581 = arith.addf %get3A_575, %get3A_580 : vector<16xf32>
        %max3A_582 = arith.maximumf %max3A_570, %add3A_581 : vector<16xf32>
        %get3A_583 = arith.constant 19 : i32
        %get3A_584 = arith.index_cast %get3A_583 : i32 to index
        %get3A_585 = arith.index_cast %mul3A_350 : i32 to index
        %get3A_586 = tpu.vector_load %arg6[%get3A_584, %get3A_585] {strides = array<i32>} : memref<256x256xf32, #tpu.memory_space<vmem>>, vector<1x16xf32>,
        %get3A_587 = vector.shape_cast %get3A_586 : vector<1x16xf32> to vector<16xf32>
        %get3A_588 = arith.constant 51 : i32
        %get3A_589 = arith.index_cast %get3A_588 : i32 to index
        %get3A_590 = arith.index_cast %mul3A_350 : i32 to index
        %get3A_591 = tpu.vector_load %arg6[%get3A_589, %get3A_590] {strides = array<i32>} : memref<256x256xf32, #tpu.memory_space<vmem>>, vector<1x16xf32>,
        %get3A_592 = vector.shape_cast %get3A_591 : vector<1x16xf32> to vector<16xf32>
        %add3A_593 = arith.addf %get3A_587, %get3A_592 : vector<16xf32>
        %max3A_594 = arith.maximumf %max3A_582, %add3A_593 : vector<16xf32>
        %get3A_595 = arith.constant 20 : i32
        %get3A_596 = arith.index_cast %get3A_595 : i32 to index
        %get3A_597 = arith.index_cast %mul3A_350 : i32 to index
        %get3A_598 = tpu.vector_load %arg6[%get3A_596, %get3A_597] {strides = array<i32>} : memref<256x256xf32, #tpu.memory_space<vmem>>, vector<1x16xf32>,
        %get3A_599 = vector.shape_cast %get3A_598 : vector<1x16xf32> to vector<16xf32>
        %get3A_600 = arith.constant 52 : i32
        %get3A_601 = arith.index_cast %get3A_600 : i32 to index
        %get3A_602 = arith.index_cast %mul3A_350 : i32 to index
        %get3A_603 = tpu.vector_load %arg6[%get3A_601, %get3A_602] {strides = array<i32>} : memref<256x256xf32, #tpu.memory_space<vmem>>, vector<1x16xf32>,
        %get3A_604 = vector.shape_cast %get3A_603 : vector<1x16xf32> to vector<16xf32>
        %add3A_605 = arith.addf %get3A_599, %get3A_604 : vector<16xf32>
        %max3A_606 = arith.maximumf %max3A_594, %add3A_605 : vector<16xf32>
        %get3A_607 = arith.constant 21 : i32
        %get3A_608 = arith.index_cast %get3A_607 : i32 to index
        %get3A_609 = arith.index_cast %mul3A_350 : i32 to index
        %get3A_610 = tpu.vector_load %arg6[%get3A_608, %get3A_609] {strides = array<i32>} : memref<256x256xf32, #tpu.memory_space<vmem>>, vector<1x16xf32>,
        %get3A_611 = vector.shape_cast %get3A_610 : vector<1x16xf32> to vector<16xf32>
        %get3A_612 = arith.constant 53 : i32
        %get3A_613 = arith.index_cast %get3A_612 : i32 to index
        %get3A_614 = arith.index_cast %mul3A_350 : i32 to index
        %get3A_615 = tpu.vector_load %arg6[%get3A_613, %get3A_614] {strides = array<i32>} : memref<256x256xf32, #tpu.memory_space<vmem>>, vector<1x16xf32>,
        %get3A_616 = vector.shape_cast %get3A_615 : vector<1x16xf32> to vector<16xf32>
        %add3A_617 = arith.addf %get3A_611, %get3A_616 : vector<16xf32>
        %max3A_618 = arith.maximumf %max3A_606, %add3A_617 : vector<16xf32>
        %get3A_619 = arith.constant 22 : i32
        %get3A_620 = arith.index_cast %get3A_619 : i32 to index
        %get3A_621 = arith.index_cast %mul3A_350 : i32 to index
        %get3A_622 = tpu.vector_load %arg6[%get3A_620, %get3A_621] {strides = array<i32>} : memref<256x256xf32, #tpu.memory_space<vmem>>, vector<1x16xf32>,
        %get3A_623 = vector.shape_cast %get3A_622 : vector<1x16xf32> to vector<16xf32>
        %get3A_624 = arith.constant 54 : i32
        %get3A_625 = arith.index_cast %get3A_624 : i32 to index
        %get3A_626 = arith.index_cast %mul3A_350 : i32 to index
        %get3A_627 = tpu.vector_load %arg6[%get3A_625, %get3A_626] {strides = array<i32>} : memref<256x256xf32, #tpu.memory_space<vmem>>, vector<1x16xf32>,
        %get3A_628 = vector.shape_cast %get3A_627 : vector<1x16xf32> to vector<16xf32>
        %add3A_629 = arith.addf %get3A_623, %get3A_628 : vector<16xf32>
        %max3A_630 = arith.maximumf %max3A_618, %add3A_629 : vector<16xf32>
        %get3A_631 = arith.constant 23 : i32
        %get3A_632 = arith.index_cast %get3A_631 : i32 to index
        %get3A_633 = arith.index_cast %mul3A_350 : i32 to index
        %get3A_634 = tpu.vector_load %arg6[%get3A_632, %get3A_633] {strides = array<i32>} : memref<256x256xf32, #tpu.memory_space<vmem>>, vector<1x16xf32>,
        %get3A_635 = vector.shape_cast %get3A_634 : vector<1x16xf32> to vector<16xf32>
        %get3A_636 = arith.constant 55 : i32
        %get3A_637 = arith.index_cast %get3A_636 : i32 to index
        %get3A_638 = arith.index_cast %mul3A_350 : i32 to index
        %get3A_639 = tpu.vector_load %arg6[%get3A_637, %get3A_638] {strides = array<i32>} : memref<256x256xf32, #tpu.memory_space<vmem>>, vector<1x16xf32>,
        %get3A_640 = vector.shape_cast %get3A_639 : vector<1x16xf32> to vector<16xf32>
        %add3A_641 = arith.addf %get3A_635, %get3A_640 : vector<16xf32>
        %max3A_642 = arith.maximumf %max3A_630, %add3A_641 : vector<16xf32>
        %get3A_643 = arith.constant 24 : i32
        %get3A_644 = arith.index_cast %get3A_643 : i32 to index
        %get3A_645 = arith.index_cast %mul3A_350 : i32 to index
        %get3A_646 = tpu.vector_load %arg6[%get3A_644, %get3A_645] {strides = array<i32>} : memref<256x256xf32, #tpu.memory_space<vmem>>, vector<1x16xf32>,
        %get3A_647 = vector.shape_cast %get3A_646 : vector<1x16xf32> to vector<16xf32>
        %get3A_648 = arith.constant 56 : i32
        %get3A_649 = arith.index_cast %get3A_648 : i32 to index
        %get3A_650 = arith.index_cast %mul3A_350 : i32 to index
        %get3A_651 = tpu.vector_load %arg6[%get3A_649, %get3A_650] {strides = array<i32>} : memref<256x256xf32, #tpu.memory_space<vmem>>, vector<1x16xf32>,
        %get3A_652 = vector.shape_cast %get3A_651 : vector<1x16xf32> to vector<16xf32>
        %add3A_653 = arith.addf %get3A_647, %get3A_652 : vector<16xf32>
        %max3A_654 = arith.maximumf %max3A_642, %add3A_653 : vector<16xf32>
        %get3A_655 = arith.constant 25 : i32
        %get3A_656 = arith.index_cast %get3A_655 : i32 to index
        %get3A_657 = arith.index_cast %mul3A_350 : i32 to index
        %get3A_658 = tpu.vector_load %arg6[%get3A_656, %get3A_657] {strides = array<i32>} : memref<256x256xf32, #tpu.memory_space<vmem>>, vector<1x16xf32>,
        %get3A_659 = vector.shape_cast %get3A_658 : vector<1x16xf32> to vector<16xf32>
        %get3A_660 = arith.constant 57 : i32
        %get3A_661 = arith.index_cast %get3A_660 : i32 to index
        %get3A_662 = arith.index_cast %mul3A_350 : i32 to index
        %get3A_663 = tpu.vector_load %arg6[%get3A_661, %get3A_662] {strides = array<i32>} : memref<256x256xf32, #tpu.memory_space<vmem>>, vector<1x16xf32>,
        %get3A_664 = vector.shape_cast %get3A_663 : vector<1x16xf32> to vector<16xf32>
        %add3A_665 = arith.addf %get3A_659, %get3A_664 : vector<16xf32>
        %max3A_666 = arith.maximumf %max3A_654, %add3A_665 : vector<16xf32>
        %get3A_667 = arith.constant 26 : i32
        %get3A_668 = arith.index_cast %get3A_667 : i32 to index
        %get3A_669 = arith.index_cast %mul3A_350 : i32 to index
        %get3A_670 = tpu.vector_load %arg6[%get3A_668, %get3A_669] {strides = array<i32>} : memref<256x256xf32, #tpu.memory_space<vmem>>, vector<1x16xf32>,
        %get3A_671 = vector.shape_cast %get3A_670 : vector<1x16xf32> to vector<16xf32>
        %get3A_672 = arith.constant 58 : i32
        %get3A_673 = arith.index_cast %get3A_672 : i32 to index
        %get3A_674 = arith.index_cast %mul3A_350 : i32 to index
        %get3A_675 = tpu.vector_load %arg6[%get3A_673, %get3A_674] {strides = array<i32>} : memref<256x256xf32, #tpu.memory_space<vmem>>, vector<1x16xf32>,
        %get3A_676 = vector.shape_cast %get3A_675 : vector<1x16xf32> to vector<16xf32>
        %add3A_677 = arith.addf %get3A_671, %get3A_676 : vector<16xf32>
        %max3A_678 = arith.maximumf %max3A_666, %add3A_677 : vector<16xf32>
        %get3A_679 = arith.constant 27 : i32
        %get3A_680 = arith.index_cast %get3A_679 : i32 to index
        %get3A_681 = arith.index_cast %mul3A_350 : i32 to index
        %get3A_682 = tpu.vector_load %arg6[%get3A_680, %get3A_681] {strides = array<i32>} : memref<256x256xf32, #tpu.memory_space<vmem>>, vector<1x16xf32>,
        %get3A_683 = vector.shape_cast %get3A_682 : vector<1x16xf32> to vector<16xf32>
        %get3A_684 = arith.constant 59 : i32
        %get3A_685 = arith.index_cast %get3A_684 : i32 to index
        %get3A_686 = arith.index_cast %mul3A_350 : i32 to index
        %get3A_687 = tpu.vector_load %arg6[%get3A_685, %get3A_686] {strides = array<i32>} : memref<256x256xf32, #tpu.memory_space<vmem>>, vector<1x16xf32>,
        %get3A_688 = vector.shape_cast %get3A_687 : vector<1x16xf32> to vector<16xf32>
        %add3A_689 = arith.addf %get3A_683, %get3A_688 : vector<16xf32>
        %max3A_690 = arith.maximumf %max3A_678, %add3A_689 : vector<16xf32>
        %get3A_691 = arith.constant 28 : i32
        %get3A_692 = arith.index_cast %get3A_691 : i32 to index
        %get3A_693 = arith.index_cast %mul3A_350 : i32 to index
        %get3A_694 = tpu.vector_load %arg6[%get3A_692, %get3A_693] {strides = array<i32>} : memref<256x256xf32, #tpu.memory_space<vmem>>, vector<1x16xf32>,
        %get3A_695 = vector.shape_cast %get3A_694 : vector<1x16xf32> to vector<16xf32>
        %get3A_696 = arith.constant 60 : i32
        %get3A_697 = arith.index_cast %get3A_696 : i32 to index
        %get3A_698 = arith.index_cast %mul3A_350 : i32 to index
        %get3A_699 = tpu.vector_load %arg6[%get3A_697, %get3A_698] {strides = array<i32>} : memref<256x256xf32, #tpu.memory_space<vmem>>, vector<1x16xf32>,
        %get3A_700 = vector.shape_cast %get3A_699 : vector<1x16xf32> to vector<16xf32>
        %add3A_701 = arith.addf %get3A_695, %get3A_700 : vector<16xf32>
        %max3A_702 = arith.maximumf %max3A_690, %add3A_701 : vector<16xf32>
        %get3A_703 = arith.constant 29 : i32
        %get3A_704 = arith.index_cast %get3A_703 : i32 to index
        %get3A_705 = arith.index_cast %mul3A_350 : i32 to index
        %get3A_706 = tpu.vector_load %arg6[%get3A_704, %get3A_705] {strides = array<i32>} : memref<256x256xf32, #tpu.memory_space<vmem>>, vector<1x16xf32>,
        %get3A_707 = vector.shape_cast %get3A_706 : vector<1x16xf32> to vector<16xf32>
        %get3A_708 = arith.constant 61 : i32
        %get3A_709 = arith.index_cast %get3A_708 : i32 to index
        %get3A_710 = arith.index_cast %mul3A_350 : i32 to index
        %get3A_711 = tpu.vector_load %arg6[%get3A_709, %get3A_710] {strides = array<i32>} : memref<256x256xf32, #tpu.memory_space<vmem>>, vector<1x16xf32>,
        %get3A_712 = vector.shape_cast %get3A_711 : vector<1x16xf32> to vector<16xf32>
        %add3A_713 = arith.addf %get3A_707, %get3A_712 : vector<16xf32>
        %max3A_714 = arith.maximumf %max3A_702, %add3A_713 : vector<16xf32>
        %get3A_715 = arith.constant 30 : i32
        %get3A_716 = arith.index_cast %get3A_715 : i32 to index
        %get3A_717 = arith.index_cast %mul3A_350 : i32 to index
        %get3A_718 = tpu.vector_load %arg6[%get3A_716, %get3A_717] {strides = array<i32>} : memref<256x256xf32, #tpu.memory_space<vmem>>, vector<1x16xf32>,
        %get3A_719 = vector.shape_cast %get3A_718 : vector<1x16xf32> to vector<16xf32>
        %get3A_720 = arith.constant 62 : i32
        %get3A_721 = arith.index_cast %get3A_720 : i32 to index
        %get3A_722 = arith.index_cast %mul3A_350 : i32 to index
        %get3A_723 = tpu.vector_load %arg6[%get3A_721, %get3A_722] {strides = array<i32>} : memref<256x256xf32, #tpu.memory_space<vmem>>, vector<1x16xf32>,
        %get3A_724 = vector.shape_cast %get3A_723 : vector<1x16xf32> to vector<16xf32>
        %add3A_725 = arith.addf %get3A_719, %get3A_724 : vector<16xf32>
        %max3A_726 = arith.maximumf %max3A_714, %add3A_725 : vector<16xf32>
        %get3A_727 = arith.constant 31 : i32
        %get3A_728 = arith.index_cast %get3A_727 : i32 to index
        %get3A_729 = arith.index_cast %mul3A_350 : i32 to index
        %get3A_730 = tpu.vector_load %arg6[%get3A_728, %get3A_729] {strides = array<i32>} : memref<256x256xf32, #tpu.memory_space<vmem>>, vector<1x16xf32>,
        %get3A_731 = vector.shape_cast %get3A_730 : vector<1x16xf32> to vector<16xf32>
        %get3A_732 = arith.constant 63 : i32
        %get3A_733 = arith.index_cast %get3A_732 : i32 to index
        %get3A_734 = arith.index_cast %mul3A_350 : i32 to index
        %get3A_735 = tpu.vector_load %arg6[%get3A_733, %get3A_734] {strides = array<i32>} : memref<256x256xf32, #tpu.memory_space<vmem>>, vector<1x16xf32>,
        %get3A_736 = vector.shape_cast %get3A_735 : vector<1x16xf32> to vector<16xf32>
        %add3A_737 = arith.addf %get3A_731, %get3A_736 : vector<16xf32>
        %max3A_738 = arith.maximumf %max3A_726, %add3A_737 : vector<16xf32>
        %max3A_739 = arith.constant 0.000000e+00 : f32
        %max3A_740 = vector.broadcast %max3A_739 : f32 to vector<16xf32>
        %max3A_741 = arith.maximumf %max3A_738, %max3A_740 : vector<16xf32>
        %swap3A_742 = arith.constant 1 : i32
        %swap3A_743 = arith.index_cast %swap3A_742 : i32 to index
        %swap3A_744 = arith.index_cast %mul3A_350 : i32 to index
        %swap3A_745 = tpu.vector_load %arg7[%swap3A_743, %swap3A_744] {strides = array<i32>} : memref<8x256xf32, #tpu.memory_space<vmem>>, vector<1x16xf32>,
        %swap3A_746 = vector.shape_cast %swap3A_745 : vector<1x16xf32> to vector<16xf32>
        %swap3A_747 = vector.shape_cast %max3A_741 : vector<16xf32> to vector<1x16xf32>
        tpu.vector_store %arg7[%swap3A_743, %swap3A_744], %swap3A_747 {strides = array<i32>} : memref<8x256xf32, #tpu.memory_space<vmem>>, vector<1x16xf32>,
        %scan3A_748 = arith.constant 0 : i32
        scf.yield %scan3A_748 : i32
      }
      %scan3A_165 = arith.constant 16 : i32
      %mul3A_166 = arith.constant 2 : i32
      %mul3A_167 = arith.muli %add3A_144, %mul3A_166 : i32
      %add3A_168 = arith.addi %mul3A_2, %mul3A_167 : i32
      %dma_start3A_169 = arith.constant 0 : i32
      %dma_start3A_170 = arith.constant 0 : i32
      %dma_start3A_171 = tpu.memref_slice %arg7[%dma_start3A_169, %dma_start3A_170] : memref<8x256xf32, #tpu.memory_space<vmem>> -> memref<2x256xf32, #tpu.memory_space<vmem>>
      %dma_start3A_172 = arith.constant 0 : i32
      %dma_start3A_173 = tpu.memref_slice %arg4[%add3A_168, %dma_start3A_172] : memref<10240x256xf32, #tpu.memory_space<hbm>> -> memref<2x256xf32, #tpu.memory_space<hbm>>
      %dma_start3A_174 = arith.constant 0 : i32
      %dma_start3A_175 = tpu.memref_slice %arg4[%add3A_168, %dma_start3A_174] : memref<10240x256xf32, #tpu.memory_space<hbm>> -> memref<2x256xf32, #tpu.memory_space<hbm>>
      %dma_start3A_176 = arith.constant 0 : i32
      %dma_start3A_177 = arith.constant 0 : i32
      %dma_start3A_178 = tpu.memref_slice %arg7[%dma_start3A_176, %dma_start3A_177] : memref<8x256xf32, #tpu.memory_space<vmem>> -> memref<2x256xf32, #tpu.memory_space<vmem>>
      tpu.enqueue_dma source(%dma_start3A_178 : memref<2x256xf32, #tpu.memory_space<vmem>>) target(%dma_start3A_175 : memref<2x256xf32, #tpu.memory_space<hbm>>) target_semaphore(%arg12 : memref<!tpu.dma_semaphore, #tpu.memory_space<semaphore_mem>>)
      %add3A_179 = arith.constant 4 : i32
      %add3A_180 = arith.addi %add3A_144, %add3A_179 : i32
      %mul3A_181 = arith.constant 64 : i32
      %mul3A_182 = arith.muli %add3A_180, %mul3A_181 : i32
      %dma_start3A_183 = arith.constant 0 : i32
      %dma_start3A_184 = arith.constant 0 : i32
      %dma_start3A_185 = tpu.memref_slice %arg6[%dma_start3A_183, %dma_start3A_184] : memref<256x256xf32, #tpu.memory_space<vmem>> -> memref<64x256xf32, #tpu.memory_space<vmem>>
      %dma_start3A_186 = tpu.memref_slice %arg5[%mul3A_182] : memref<10496xi32, #tpu.memory_space<vmem>> -> memref<64xi32, #tpu.memory_space<vmem>>
      %dma_start3A_187 = arith.constant 0 : i32
      %dma_start3A_188 = arith.constant 0 : i32
      %dma_start3A_189 = tpu.memref_slice %arg3[%dma_start3A_187, %dma_start3A_188] : memref<20480x256xf32, #tpu.memory_space<hbm>> -> memref<20480x256xf32, #tpu.memory_space<hbm>>
      tpu.enqueue_indirect_dma source(%dma_start3A_189 : memref<20480x256xf32, #tpu.memory_space<hbm>>) target(%dma_start3A_185 : memref<64x256xf32, #tpu.memory_space<vmem>>) offsets(%dma_start3A_186 : memref<64xi32, #tpu.memory_space<vmem>>) semaphore(%arg8 : memref<!tpu.dma_semaphore, #tpu.memory_space<semaphore_mem>>)
      %mul3A_190 = arith.constant 4 : i32
      %mul3A_191 = arith.muli %scan3A_139, %mul3A_190 : i32
      %add3A_192 = arith.constant 1 : i32
      %add3A_193 = arith.addi %mul3A_191, %add3A_192 : i32
      %dma_wait3A_194 = arith.constant 64 : i32
      %dma_wait3A_195 = arith.constant 0 : i32
      %dma_wait3A_196 = tpu.memref_slice %arg6[%dma_wait3A_194, %dma_wait3A_195] : memref<256x256xf32, #tpu.memory_space<vmem>> -> memref<64x256xf32, #tpu.memory_space<vmem>>
      %dma_wait3A_197 = arith.constant 0 : i32
      %dma_wait3A_198 = arith.constant 0 : i32
      %dma_wait3A_199 = tpu.memref_slice %arg3[%dma_wait3A_197, %dma_wait3A_198] : memref<20480x256xf32, #tpu.memory_space<hbm>> -> memref<64x256xf32, #tpu.memory_space<hbm>>
      %dma_wait3A_200 = arith.constant 64 : i32
      %dma_wait3A_201 = arith.constant 0 : i32
      %dma_wait3A_202 = tpu.memref_slice %arg6[%dma_wait3A_200, %dma_wait3A_201] : memref<256x256xf32, #tpu.memory_space<vmem>> -> memref<64x256xf32, #tpu.memory_space<vmem>>
      %dma_wait3A_203 = arith.constant 0 : i32
      %dma_wait3A_204 = arith.constant 0 : i32
      %dma_wait3A_205 = tpu.memref_slice %arg3[%dma_wait3A_203, %dma_wait3A_204] : memref<20480x256xf32, #tpu.memory_space<hbm>> -> memref<64x256xf32, #tpu.memory_space<hbm>>
      tpu.wait_dma2 semaphore(%arg9 : memref<!tpu.dma_semaphore, #tpu.memory_space<semaphore_mem>>) src(%dma_wait3A_205 : memref<64x256xf32, #tpu.memory_space<hbm>>) dst(%dma_wait3A_202 : memref<64x256xf32, #tpu.memory_space<vmem>>)
      %ge3A_206 = arith.constant 1 : i32
      %ge3A_207 = arith.cmpi sge, %scan3A_139, %ge3A_206 : i32
      %convert_element_type3A_208 = arith.extui %ge3A_207 : i1 to i32
      %cond3A_209 = arith.constant 0 : i32
      %cond3A_210 = arith.cmpi ne, %convert_element_type3A_208, %cond3A_209 : i32
      scf.if %cond3A_210 {
        %dma_wait3A_347 = arith.constant 2 : i32
        %dma_wait3A_348 = arith.constant 0 : i32
        %dma_wait3A_349 = tpu.memref_slice %arg7[%dma_wait3A_347, %dma_wait3A_348] : memref<8x256xf32, #tpu.memory_space<vmem>> -> memref<2x256xf32, #tpu.memory_space<vmem>>
        %dma_wait3A_350 = arith.constant 0 : i32
        %dma_wait3A_351 = arith.constant 0 : i32
        %dma_wait3A_352 = tpu.memref_slice %arg4[%dma_wait3A_350, %dma_wait3A_351] : memref<10240x256xf32, #tpu.memory_space<hbm>> -> memref<2x256xf32, #tpu.memory_space<hbm>>
        %dma_wait3A_353 = arith.constant 2 : i32
        %dma_wait3A_354 = arith.constant 0 : i32
        %dma_wait3A_355 = tpu.memref_slice %arg7[%dma_wait3A_353, %dma_wait3A_354] : memref<8x256xf32, #tpu.memory_space<vmem>> -> memref<2x256xf32, #tpu.memory_space<vmem>>
        %dma_wait3A_356 = arith.constant 0 : i32
        %dma_wait3A_357 = arith.constant 0 : i32
        %dma_wait3A_358 = tpu.memref_slice %arg4[%dma_wait3A_356, %dma_wait3A_357] : memref<10240x256xf32, #tpu.memory_space<hbm>> -> memref<2x256xf32, #tpu.memory_space<hbm>>
        tpu.wait_dma2 semaphore(%arg13 : memref<!tpu.dma_semaphore, #tpu.memory_space<semaphore_mem>>) src(%dma_wait3A_358 : memref<2x256xf32, #tpu.memory_space<hbm>>) dst(%dma_wait3A_355 : memref<2x256xf32, #tpu.memory_space<vmem>>)
      } else {
      }
      %scan3A_211 = arith.constant 0 : i32
      %scan3A_212 = arith.constant 0 : i32
      %scan3A_213 = arith.constant 16 : i32
      %scan3A_214 = arith.addi %scan3A_212, %scan3A_213 : i32
      %scan3A_215 = arith.constant 1 : i32
      %scan3A_216 = scf.for %scan3A_347 = %scan3A_212 to %scan3A_214 step %scan3A_215 iter_args(%scan3A_348 = %scan3A_211) -> (i32)  : i32 {
        %mul3A_349 = arith.constant 16 : i32
        %mul3A_350 = arith.muli %scan3A_347, %mul3A_349 : i32
        %get3A = arith.constant 64 : i32
        %get3A_351 = arith.index_cast %get3A : i32 to index
        %get3A_352 = arith.index_cast %mul3A_350 : i32 to index
        %get3A_353 = tpu.vector_load %arg6[%get3A_351, %get3A_352] {strides = array<i32>} : memref<256x256xf32, #tpu.memory_space<vmem>>, vector<1x16xf32>,
        %get3A_354 = vector.shape_cast %get3A_353 : vector<1x16xf32> to vector<16xf32>
        %get3A_355 = arith.constant 96 : i32
        %get3A_356 = arith.index_cast %get3A_355 : i32 to index
        %get3A_357 = arith.index_cast %mul3A_350 : i32 to index
        %get3A_358 = tpu.vector_load %arg6[%get3A_356, %get3A_357] {strides = array<i32>} : memref<256x256xf32, #tpu.memory_space<vmem>>, vector<1x16xf32>,
        %get3A_359 = vector.shape_cast %get3A_358 : vector<1x16xf32> to vector<16xf32>
        %add3A_360 = arith.addf %get3A_354, %get3A_359 : vector<16xf32>
        %get3A_361 = arith.constant 65 : i32
        %get3A_362 = arith.index_cast %get3A_361 : i32 to index
        %get3A_363 = arith.index_cast %mul3A_350 : i32 to index
        %get3A_364 = tpu.vector_load %arg6[%get3A_362, %get3A_363] {strides = array<i32>} : memref<256x256xf32, #tpu.memory_space<vmem>>, vector<1x16xf32>,
        %get3A_365 = vector.shape_cast %get3A_364 : vector<1x16xf32> to vector<16xf32>
        %get3A_366 = arith.constant 97 : i32
        %get3A_367 = arith.index_cast %get3A_366 : i32 to index
        %get3A_368 = arith.index_cast %mul3A_350 : i32 to index
        %get3A_369 = tpu.vector_load %arg6[%get3A_367, %get3A_368] {strides = array<i32>} : memref<256x256xf32, #tpu.memory_space<vmem>>, vector<1x16xf32>,
        %get3A_370 = vector.shape_cast %get3A_369 : vector<1x16xf32> to vector<16xf32>
        %add3A_371 = arith.addf %get3A_365, %get3A_370 : vector<16xf32>
        %max3A = arith.maximumf %add3A_360, %add3A_371 : vector<16xf32>
        %get3A_372 = arith.constant 66 : i32
        %get3A_373 = arith.index_cast %get3A_372 : i32 to index
        %get3A_374 = arith.index_cast %mul3A_350 : i32 to index
        %get3A_375 = tpu.vector_load %arg6[%get3A_373, %get3A_374] {strides = array<i32>} : memref<256x256xf32, #tpu.memory_space<vmem>>, vector<1x16xf32>,
        %get3A_376 = vector.shape_cast %get3A_375 : vector<1x16xf32> to vector<16xf32>
        %get3A_377 = arith.constant 98 : i32
        %get3A_378 = arith.index_cast %get3A_377 : i32 to index
        %get3A_379 = arith.index_cast %mul3A_350 : i32 to index
        %get3A_380 = tpu.vector_load %arg6[%get3A_378, %get3A_379] {strides = array<i32>} : memref<256x256xf32, #tpu.memory_space<vmem>>, vector<1x16xf32>,
        %get3A_381 = vector.shape_cast %get3A_380 : vector<1x16xf32> to vector<16xf32>
        %add3A_382 = arith.addf %get3A_376, %get3A_381 : vector<16xf32>
        %max3A_383 = arith.maximumf %max3A, %add3A_382 : vector<16xf32>
        %get3A_384 = arith.constant 67 : i32
        %get3A_385 = arith.index_cast %get3A_384 : i32 to index
        %get3A_386 = arith.index_cast %mul3A_350 : i32 to index
        %get3A_387 = tpu.vector_load %arg6[%get3A_385, %get3A_386] {strides = array<i32>} : memref<256x256xf32, #tpu.memory_space<vmem>>, vector<1x16xf32>,
        %get3A_388 = vector.shape_cast %get3A_387 : vector<1x16xf32> to vector<16xf32>
        %get3A_389 = arith.constant 99 : i32
        %get3A_390 = arith.index_cast %get3A_389 : i32 to index
        %get3A_391 = arith.index_cast %mul3A_350 : i32 to index
        %get3A_392 = tpu.vector_load %arg6[%get3A_390, %get3A_391] {strides = array<i32>} : memref<256x256xf32, #tpu.memory_space<vmem>>, vector<1x16xf32>,
        %get3A_393 = vector.shape_cast %get3A_392 : vector<1x16xf32> to vector<16xf32>
        %add3A_394 = arith.addf %get3A_388, %get3A_393 : vector<16xf32>
        %max3A_395 = arith.maximumf %max3A_383, %add3A_394 : vector<16xf32>
        %get3A_396 = arith.constant 68 : i32
        %get3A_397 = arith.index_cast %get3A_396 : i32 to index
        %get3A_398 = arith.index_cast %mul3A_350 : i32 to index
        %get3A_399 = tpu.vector_load %arg6[%get3A_397, %get3A_398] {strides = array<i32>} : memref<256x256xf32, #tpu.memory_space<vmem>>, vector<1x16xf32>,
        %get3A_400 = vector.shape_cast %get3A_399 : vector<1x16xf32> to vector<16xf32>
        %get3A_401 = arith.constant 100 : i32
        %get3A_402 = arith.index_cast %get3A_401 : i32 to index
        %get3A_403 = arith.index_cast %mul3A_350 : i32 to index
        %get3A_404 = tpu.vector_load %arg6[%get3A_402, %get3A_403] {strides = array<i32>} : memref<256x256xf32, #tpu.memory_space<vmem>>, vector<1x16xf32>,
        %get3A_405 = vector.shape_cast %get3A_404 : vector<1x16xf32> to vector<16xf32>
        %add3A_406 = arith.addf %get3A_400, %get3A_405 : vector<16xf32>
        %max3A_407 = arith.maximumf %max3A_395, %add3A_406 : vector<16xf32>
        %get3A_408 = arith.constant 69 : i32
        %get3A_409 = arith.index_cast %get3A_408 : i32 to index
        %get3A_410 = arith.index_cast %mul3A_350 : i32 to index
        %get3A_411 = tpu.vector_load %arg6[%get3A_409, %get3A_410] {strides = array<i32>} : memref<256x256xf32, #tpu.memory_space<vmem>>, vector<1x16xf32>,
        %get3A_412 = vector.shape_cast %get3A_411 : vector<1x16xf32> to vector<16xf32>
        %get3A_413 = arith.constant 101 : i32
        %get3A_414 = arith.index_cast %get3A_413 : i32 to index
        %get3A_415 = arith.index_cast %mul3A_350 : i32 to index
        %get3A_416 = tpu.vector_load %arg6[%get3A_414, %get3A_415] {strides = array<i32>} : memref<256x256xf32, #tpu.memory_space<vmem>>, vector<1x16xf32>,
        %get3A_417 = vector.shape_cast %get3A_416 : vector<1x16xf32> to vector<16xf32>
        %add3A_418 = arith.addf %get3A_412, %get3A_417 : vector<16xf32>
        %max3A_419 = arith.maximumf %max3A_407, %add3A_418 : vector<16xf32>
        %get3A_420 = arith.constant 70 : i32
        %get3A_421 = arith.index_cast %get3A_420 : i32 to index
        %get3A_422 = arith.index_cast %mul3A_350 : i32 to index
        %get3A_423 = tpu.vector_load %arg6[%get3A_421, %get3A_422] {strides = array<i32>} : memref<256x256xf32, #tpu.memory_space<vmem>>, vector<1x16xf32>,
        %get3A_424 = vector.shape_cast %get3A_423 : vector<1x16xf32> to vector<16xf32>
        %get3A_425 = arith.constant 102 : i32
        %get3A_426 = arith.index_cast %get3A_425 : i32 to index
        %get3A_427 = arith.index_cast %mul3A_350 : i32 to index
        %get3A_428 = tpu.vector_load %arg6[%get3A_426, %get3A_427] {strides = array<i32>} : memref<256x256xf32, #tpu.memory_space<vmem>>, vector<1x16xf32>,
        %get3A_429 = vector.shape_cast %get3A_428 : vector<1x16xf32> to vector<16xf32>
        %add3A_430 = arith.addf %get3A_424, %get3A_429 : vector<16xf32>
        %max3A_431 = arith.maximumf %max3A_419, %add3A_430 : vector<16xf32>
        %get3A_432 = arith.constant 71 : i32
        %get3A_433 = arith.index_cast %get3A_432 : i32 to index
        %get3A_434 = arith.index_cast %mul3A_350 : i32 to index
        %get3A_435 = tpu.vector_load %arg6[%get3A_433, %get3A_434] {strides = array<i32>} : memref<256x256xf32, #tpu.memory_space<vmem>>, vector<1x16xf32>,
        %get3A_436 = vector.shape_cast %get3A_435 : vector<1x16xf32> to vector<16xf32>
        %get3A_437 = arith.constant 103 : i32
        %get3A_438 = arith.index_cast %get3A_437 : i32 to index
        %get3A_439 = arith.index_cast %mul3A_350 : i32 to index
        %get3A_440 = tpu.vector_load %arg6[%get3A_438, %get3A_439] {strides = array<i32>} : memref<256x256xf32, #tpu.memory_space<vmem>>, vector<1x16xf32>,
        %get3A_441 = vector.shape_cast %get3A_440 : vector<1x16xf32> to vector<16xf32>
        %add3A_442 = arith.addf %get3A_436, %get3A_441 : vector<16xf32>
        %max3A_443 = arith.maximumf %max3A_431, %add3A_442 : vector<16xf32>
        %get3A_444 = arith.constant 72 : i32
        %get3A_445 = arith.index_cast %get3A_444 : i32 to index
        %get3A_446 = arith.index_cast %mul3A_350 : i32 to index
        %get3A_447 = tpu.vector_load %arg6[%get3A_445, %get3A_446] {strides = array<i32>} : memref<256x256xf32, #tpu.memory_space<vmem>>, vector<1x16xf32>,
        %get3A_448 = vector.shape_cast %get3A_447 : vector<1x16xf32> to vector<16xf32>
        %get3A_449 = arith.constant 104 : i32
        %get3A_450 = arith.index_cast %get3A_449 : i32 to index
        %get3A_451 = arith.index_cast %mul3A_350 : i32 to index
        %get3A_452 = tpu.vector_load %arg6[%get3A_450, %get3A_451] {strides = array<i32>} : memref<256x256xf32, #tpu.memory_space<vmem>>, vector<1x16xf32>,
        %get3A_453 = vector.shape_cast %get3A_452 : vector<1x16xf32> to vector<16xf32>
        %add3A_454 = arith.addf %get3A_448, %get3A_453 : vector<16xf32>
        %max3A_455 = arith.maximumf %max3A_443, %add3A_454 : vector<16xf32>
        %get3A_456 = arith.constant 73 : i32
        %get3A_457 = arith.index_cast %get3A_456 : i32 to index
        %get3A_458 = arith.index_cast %mul3A_350 : i32 to index
        %get3A_459 = tpu.vector_load %arg6[%get3A_457, %get3A_458] {strides = array<i32>} : memref<256x256xf32, #tpu.memory_space<vmem>>, vector<1x16xf32>,
        %get3A_460 = vector.shape_cast %get3A_459 : vector<1x16xf32> to vector<16xf32>
        %get3A_461 = arith.constant 105 : i32
        %get3A_462 = arith.index_cast %get3A_461 : i32 to index
        %get3A_463 = arith.index_cast %mul3A_350 : i32 to index
        %get3A_464 = tpu.vector_load %arg6[%get3A_462, %get3A_463] {strides = array<i32>} : memref<256x256xf32, #tpu.memory_space<vmem>>, vector<1x16xf32>,
        %get3A_465 = vector.shape_cast %get3A_464 : vector<1x16xf32> to vector<16xf32>
        %add3A_466 = arith.addf %get3A_460, %get3A_465 : vector<16xf32>
        %max3A_467 = arith.maximumf %max3A_455, %add3A_466 : vector<16xf32>
        %get3A_468 = arith.constant 74 : i32
        %get3A_469 = arith.index_cast %get3A_468 : i32 to index
        %get3A_470 = arith.index_cast %mul3A_350 : i32 to index
        %get3A_471 = tpu.vector_load %arg6[%get3A_469, %get3A_470] {strides = array<i32>} : memref<256x256xf32, #tpu.memory_space<vmem>>, vector<1x16xf32>,
        %get3A_472 = vector.shape_cast %get3A_471 : vector<1x16xf32> to vector<16xf32>
        %get3A_473 = arith.constant 106 : i32
        %get3A_474 = arith.index_cast %get3A_473 : i32 to index
        %get3A_475 = arith.index_cast %mul3A_350 : i32 to index
        %get3A_476 = tpu.vector_load %arg6[%get3A_474, %get3A_475] {strides = array<i32>} : memref<256x256xf32, #tpu.memory_space<vmem>>, vector<1x16xf32>,
        %get3A_477 = vector.shape_cast %get3A_476 : vector<1x16xf32> to vector<16xf32>
        %add3A_478 = arith.addf %get3A_472, %get3A_477 : vector<16xf32>
        %max3A_479 = arith.maximumf %max3A_467, %add3A_478 : vector<16xf32>
        %get3A_480 = arith.constant 75 : i32
        %get3A_481 = arith.index_cast %get3A_480 : i32 to index
        %get3A_482 = arith.index_cast %mul3A_350 : i32 to index
        %get3A_483 = tpu.vector_load %arg6[%get3A_481, %get3A_482] {strides = array<i32>} : memref<256x256xf32, #tpu.memory_space<vmem>>, vector<1x16xf32>,
        %get3A_484 = vector.shape_cast %get3A_483 : vector<1x16xf32> to vector<16xf32>
        %get3A_485 = arith.constant 107 : i32
        %get3A_486 = arith.index_cast %get3A_485 : i32 to index
        %get3A_487 = arith.index_cast %mul3A_350 : i32 to index
        %get3A_488 = tpu.vector_load %arg6[%get3A_486, %get3A_487] {strides = array<i32>} : memref<256x256xf32, #tpu.memory_space<vmem>>, vector<1x16xf32>,
        %get3A_489 = vector.shape_cast %get3A_488 : vector<1x16xf32> to vector<16xf32>
        %add3A_490 = arith.addf %get3A_484, %get3A_489 : vector<16xf32>
        %max3A_491 = arith.maximumf %max3A_479, %add3A_490 : vector<16xf32>
        %get3A_492 = arith.constant 76 : i32
        %get3A_493 = arith.index_cast %get3A_492 : i32 to index
        %get3A_494 = arith.index_cast %mul3A_350 : i32 to index
        %get3A_495 = tpu.vector_load %arg6[%get3A_493, %get3A_494] {strides = array<i32>} : memref<256x256xf32, #tpu.memory_space<vmem>>, vector<1x16xf32>,
        %get3A_496 = vector.shape_cast %get3A_495 : vector<1x16xf32> to vector<16xf32>
        %get3A_497 = arith.constant 108 : i32
        %get3A_498 = arith.index_cast %get3A_497 : i32 to index
        %get3A_499 = arith.index_cast %mul3A_350 : i32 to index
        %get3A_500 = tpu.vector_load %arg6[%get3A_498, %get3A_499] {strides = array<i32>} : memref<256x256xf32, #tpu.memory_space<vmem>>, vector<1x16xf32>,
        %get3A_501 = vector.shape_cast %get3A_500 : vector<1x16xf32> to vector<16xf32>
        %add3A_502 = arith.addf %get3A_496, %get3A_501 : vector<16xf32>
        %max3A_503 = arith.maximumf %max3A_491, %add3A_502 : vector<16xf32>
        %get3A_504 = arith.constant 77 : i32
        %get3A_505 = arith.index_cast %get3A_504 : i32 to index
        %get3A_506 = arith.index_cast %mul3A_350 : i32 to index
        %get3A_507 = tpu.vector_load %arg6[%get3A_505, %get3A_506] {strides = array<i32>} : memref<256x256xf32, #tpu.memory_space<vmem>>, vector<1x16xf32>,
        %get3A_508 = vector.shape_cast %get3A_507 : vector<1x16xf32> to vector<16xf32>
        %get3A_509 = arith.constant 109 : i32
        %get3A_510 = arith.index_cast %get3A_509 : i32 to index
        %get3A_511 = arith.index_cast %mul3A_350 : i32 to index
        %get3A_512 = tpu.vector_load %arg6[%get3A_510, %get3A_511] {strides = array<i32>} : memref<256x256xf32, #tpu.memory_space<vmem>>, vector<1x16xf32>,
        %get3A_513 = vector.shape_cast %get3A_512 : vector<1x16xf32> to vector<16xf32>
        %add3A_514 = arith.addf %get3A_508, %get3A_513 : vector<16xf32>
        %max3A_515 = arith.maximumf %max3A_503, %add3A_514 : vector<16xf32>
        %get3A_516 = arith.constant 78 : i32
        %get3A_517 = arith.index_cast %get3A_516 : i32 to index
        %get3A_518 = arith.index_cast %mul3A_350 : i32 to index
        %get3A_519 = tpu.vector_load %arg6[%get3A_517, %get3A_518] {strides = array<i32>} : memref<256x256xf32, #tpu.memory_space<vmem>>, vector<1x16xf32>,
        %get3A_520 = vector.shape_cast %get3A_519 : vector<1x16xf32> to vector<16xf32>
        %get3A_521 = arith.constant 110 : i32
        %get3A_522 = arith.index_cast %get3A_521 : i32 to index
        %get3A_523 = arith.index_cast %mul3A_350 : i32 to index
        %get3A_524 = tpu.vector_load %arg6[%get3A_522, %get3A_523] {strides = array<i32>} : memref<256x256xf32, #tpu.memory_space<vmem>>, vector<1x16xf32>,
        %get3A_525 = vector.shape_cast %get3A_524 : vector<1x16xf32> to vector<16xf32>
        %add3A_526 = arith.addf %get3A_520, %get3A_525 : vector<16xf32>
        %max3A_527 = arith.maximumf %max3A_515, %add3A_526 : vector<16xf32>
        %get3A_528 = arith.constant 79 : i32
        %get3A_529 = arith.index_cast %get3A_528 : i32 to index
        %get3A_530 = arith.index_cast %mul3A_350 : i32 to index
        %get3A_531 = tpu.vector_load %arg6[%get3A_529, %get3A_530] {strides = array<i32>} : memref<256x256xf32, #tpu.memory_space<vmem>>, vector<1x16xf32>,
        %get3A_532 = vector.shape_cast %get3A_531 : vector<1x16xf32> to vector<16xf32>
        %get3A_533 = arith.constant 111 : i32
        %get3A_534 = arith.index_cast %get3A_533 : i32 to index
        %get3A_535 = arith.index_cast %mul3A_350 : i32 to index
        %get3A_536 = tpu.vector_load %arg6[%get3A_534, %get3A_535] {strides = array<i32>} : memref<256x256xf32, #tpu.memory_space<vmem>>, vector<1x16xf32>,
        %get3A_537 = vector.shape_cast %get3A_536 : vector<1x16xf32> to vector<16xf32>
        %add3A_538 = arith.addf %get3A_532, %get3A_537 : vector<16xf32>
        %max3A_539 = arith.maximumf %max3A_527, %add3A_538 : vector<16xf32>
        %max3A_540 = arith.constant 0.000000e+00 : f32
        %max3A_541 = vector.broadcast %max3A_540 : f32 to vector<16xf32>
        %max3A_542 = arith.maximumf %max3A_539, %max3A_541 : vector<16xf32>
        %swap3A = arith.constant 2 : i32
        %swap3A_543 = arith.index_cast %swap3A : i32 to index
        %swap3A_544 = arith.index_cast %mul3A_350 : i32 to index
        %swap3A_545 = tpu.vector_load %arg7[%swap3A_543, %swap3A_544] {strides = array<i32>} : memref<8x256xf32, #tpu.memory_space<vmem>>, vector<1x16xf32>,
        %swap3A_546 = vector.shape_cast %swap3A_545 : vector<1x16xf32> to vector<16xf32>
        %swap3A_547 = vector.shape_cast %max3A_542 : vector<16xf32> to vector<1x16xf32>
        tpu.vector_store %arg7[%swap3A_543, %swap3A_544], %swap3A_547 {strides = array<i32>} : memref<8x256xf32, #tpu.memory_space<vmem>>, vector<1x16xf32>,
        %get3A_548 = arith.constant 80 : i32
        %get3A_549 = arith.index_cast %get3A_548 : i32 to index
        %get3A_550 = arith.index_cast %mul3A_350 : i32 to index
        %get3A_551 = tpu.vector_load %arg6[%get3A_549, %get3A_550] {strides = array<i32>} : memref<256x256xf32, #tpu.memory_space<vmem>>, vector<1x16xf32>,
        %get3A_552 = vector.shape_cast %get3A_551 : vector<1x16xf32> to vector<16xf32>
        %get3A_553 = arith.constant 112 : i32
        %get3A_554 = arith.index_cast %get3A_553 : i32 to index
        %get3A_555 = arith.index_cast %mul3A_350 : i32 to index
        %get3A_556 = tpu.vector_load %arg6[%get3A_554, %get3A_555] {strides = array<i32>} : memref<256x256xf32, #tpu.memory_space<vmem>>, vector<1x16xf32>,
        %get3A_557 = vector.shape_cast %get3A_556 : vector<1x16xf32> to vector<16xf32>
        %add3A_558 = arith.addf %get3A_552, %get3A_557 : vector<16xf32>
        %get3A_559 = arith.constant 81 : i32
        %get3A_560 = arith.index_cast %get3A_559 : i32 to index
        %get3A_561 = arith.index_cast %mul3A_350 : i32 to index
        %get3A_562 = tpu.vector_load %arg6[%get3A_560, %get3A_561] {strides = array<i32>} : memref<256x256xf32, #tpu.memory_space<vmem>>, vector<1x16xf32>,
        %get3A_563 = vector.shape_cast %get3A_562 : vector<1x16xf32> to vector<16xf32>
        %get3A_564 = arith.constant 113 : i32
        %get3A_565 = arith.index_cast %get3A_564 : i32 to index
        %get3A_566 = arith.index_cast %mul3A_350 : i32 to index
        %get3A_567 = tpu.vector_load %arg6[%get3A_565, %get3A_566] {strides = array<i32>} : memref<256x256xf32, #tpu.memory_space<vmem>>, vector<1x16xf32>,
        %get3A_568 = vector.shape_cast %get3A_567 : vector<1x16xf32> to vector<16xf32>
        %add3A_569 = arith.addf %get3A_563, %get3A_568 : vector<16xf32>
        %max3A_570 = arith.maximumf %add3A_558, %add3A_569 : vector<16xf32>
        %get3A_571 = arith.constant 82 : i32
        %get3A_572 = arith.index_cast %get3A_571 : i32 to index
        %get3A_573 = arith.index_cast %mul3A_350 : i32 to index
        %get3A_574 = tpu.vector_load %arg6[%get3A_572, %get3A_573] {strides = array<i32>} : memref<256x256xf32, #tpu.memory_space<vmem>>, vector<1x16xf32>,
        %get3A_575 = vector.shape_cast %get3A_574 : vector<1x16xf32> to vector<16xf32>
        %get3A_576 = arith.constant 114 : i32
        %get3A_577 = arith.index_cast %get3A_576 : i32 to index
        %get3A_578 = arith.index_cast %mul3A_350 : i32 to index
        %get3A_579 = tpu.vector_load %arg6[%get3A_577, %get3A_578] {strides = array<i32>} : memref<256x256xf32, #tpu.memory_space<vmem>>, vector<1x16xf32>,
        %get3A_580 = vector.shape_cast %get3A_579 : vector<1x16xf32> to vector<16xf32>
        %add3A_581 = arith.addf %get3A_575, %get3A_580 : vector<16xf32>
        %max3A_582 = arith.maximumf %max3A_570, %add3A_581 : vector<16xf32>
        %get3A_583 = arith.constant 83 : i32
        %get3A_584 = arith.index_cast %get3A_583 : i32 to index
        %get3A_585 = arith.index_cast %mul3A_350 : i32 to index
        %get3A_586 = tpu.vector_load %arg6[%get3A_584, %get3A_585] {strides = array<i32>} : memref<256x256xf32, #tpu.memory_space<vmem>>, vector<1x16xf32>,
        %get3A_587 = vector.shape_cast %get3A_586 : vector<1x16xf32> to vector<16xf32>
        %get3A_588 = arith.constant 115 : i32
        %get3A_589 = arith.index_cast %get3A_588 : i32 to index
        %get3A_590 = arith.index_cast %mul3A_350 : i32 to index
        %get3A_591 = tpu.vector_load %arg6[%get3A_589, %get3A_590] {strides = array<i32>} : memref<256x256xf32, #tpu.memory_space<vmem>>, vector<1x16xf32>,
        %get3A_592 = vector.shape_cast %get3A_591 : vector<1x16xf32> to vector<16xf32>
        %add3A_593 = arith.addf %get3A_587, %get3A_592 : vector<16xf32>
        %max3A_594 = arith.maximumf %max3A_582, %add3A_593 : vector<16xf32>
        %get3A_595 = arith.constant 84 : i32
        %get3A_596 = arith.index_cast %get3A_595 : i32 to index
        %get3A_597 = arith.index_cast %mul3A_350 : i32 to index
        %get3A_598 = tpu.vector_load %arg6[%get3A_596, %get3A_597] {strides = array<i32>} : memref<256x256xf32, #tpu.memory_space<vmem>>, vector<1x16xf32>,
        %get3A_599 = vector.shape_cast %get3A_598 : vector<1x16xf32> to vector<16xf32>
        %get3A_600 = arith.constant 116 : i32
        %get3A_601 = arith.index_cast %get3A_600 : i32 to index
        %get3A_602 = arith.index_cast %mul3A_350 : i32 to index
        %get3A_603 = tpu.vector_load %arg6[%get3A_601, %get3A_602] {strides = array<i32>} : memref<256x256xf32, #tpu.memory_space<vmem>>, vector<1x16xf32>,
        %get3A_604 = vector.shape_cast %get3A_603 : vector<1x16xf32> to vector<16xf32>
        %add3A_605 = arith.addf %get3A_599, %get3A_604 : vector<16xf32>
        %max3A_606 = arith.maximumf %max3A_594, %add3A_605 : vector<16xf32>
        %get3A_607 = arith.constant 85 : i32
        %get3A_608 = arith.index_cast %get3A_607 : i32 to index
        %get3A_609 = arith.index_cast %mul3A_350 : i32 to index
        %get3A_610 = tpu.vector_load %arg6[%get3A_608, %get3A_609] {strides = array<i32>} : memref<256x256xf32, #tpu.memory_space<vmem>>, vector<1x16xf32>,
        %get3A_611 = vector.shape_cast %get3A_610 : vector<1x16xf32> to vector<16xf32>
        %get3A_612 = arith.constant 117 : i32
        %get3A_613 = arith.index_cast %get3A_612 : i32 to index
        %get3A_614 = arith.index_cast %mul3A_350 : i32 to index
        %get3A_615 = tpu.vector_load %arg6[%get3A_613, %get3A_614] {strides = array<i32>} : memref<256x256xf32, #tpu.memory_space<vmem>>, vector<1x16xf32>,
        %get3A_616 = vector.shape_cast %get3A_615 : vector<1x16xf32> to vector<16xf32>
        %add3A_617 = arith.addf %get3A_611, %get3A_616 : vector<16xf32>
        %max3A_618 = arith.maximumf %max3A_606, %add3A_617 : vector<16xf32>
        %get3A_619 = arith.constant 86 : i32
        %get3A_620 = arith.index_cast %get3A_619 : i32 to index
        %get3A_621 = arith.index_cast %mul3A_350 : i32 to index
        %get3A_622 = tpu.vector_load %arg6[%get3A_620, %get3A_621] {strides = array<i32>} : memref<256x256xf32, #tpu.memory_space<vmem>>, vector<1x16xf32>,
        %get3A_623 = vector.shape_cast %get3A_622 : vector<1x16xf32> to vector<16xf32>
        %get3A_624 = arith.constant 118 : i32
        %get3A_625 = arith.index_cast %get3A_624 : i32 to index
        %get3A_626 = arith.index_cast %mul3A_350 : i32 to index
        %get3A_627 = tpu.vector_load %arg6[%get3A_625, %get3A_626] {strides = array<i32>} : memref<256x256xf32, #tpu.memory_space<vmem>>, vector<1x16xf32>,
        %get3A_628 = vector.shape_cast %get3A_627 : vector<1x16xf32> to vector<16xf32>
        %add3A_629 = arith.addf %get3A_623, %get3A_628 : vector<16xf32>
        %max3A_630 = arith.maximumf %max3A_618, %add3A_629 : vector<16xf32>
        %get3A_631 = arith.constant 87 : i32
        %get3A_632 = arith.index_cast %get3A_631 : i32 to index
        %get3A_633 = arith.index_cast %mul3A_350 : i32 to index
        %get3A_634 = tpu.vector_load %arg6[%get3A_632, %get3A_633] {strides = array<i32>} : memref<256x256xf32, #tpu.memory_space<vmem>>, vector<1x16xf32>,
        %get3A_635 = vector.shape_cast %get3A_634 : vector<1x16xf32> to vector<16xf32>
        %get3A_636 = arith.constant 119 : i32
        %get3A_637 = arith.index_cast %get3A_636 : i32 to index
        %get3A_638 = arith.index_cast %mul3A_350 : i32 to index
        %get3A_639 = tpu.vector_load %arg6[%get3A_637, %get3A_638] {strides = array<i32>} : memref<256x256xf32, #tpu.memory_space<vmem>>, vector<1x16xf32>,
        %get3A_640 = vector.shape_cast %get3A_639 : vector<1x16xf32> to vector<16xf32>
        %add3A_641 = arith.addf %get3A_635, %get3A_640 : vector<16xf32>
        %max3A_642 = arith.maximumf %max3A_630, %add3A_641 : vector<16xf32>
        %get3A_643 = arith.constant 88 : i32
        %get3A_644 = arith.index_cast %get3A_643 : i32 to index
        %get3A_645 = arith.index_cast %mul3A_350 : i32 to index
        %get3A_646 = tpu.vector_load %arg6[%get3A_644, %get3A_645] {strides = array<i32>} : memref<256x256xf32, #tpu.memory_space<vmem>>, vector<1x16xf32>,
        %get3A_647 = vector.shape_cast %get3A_646 : vector<1x16xf32> to vector<16xf32>
        %get3A_648 = arith.constant 120 : i32
        %get3A_649 = arith.index_cast %get3A_648 : i32 to index
        %get3A_650 = arith.index_cast %mul3A_350 : i32 to index
        %get3A_651 = tpu.vector_load %arg6[%get3A_649, %get3A_650] {strides = array<i32>} : memref<256x256xf32, #tpu.memory_space<vmem>>, vector<1x16xf32>,
        %get3A_652 = vector.shape_cast %get3A_651 : vector<1x16xf32> to vector<16xf32>
        %add3A_653 = arith.addf %get3A_647, %get3A_652 : vector<16xf32>
        %max3A_654 = arith.maximumf %max3A_642, %add3A_653 : vector<16xf32>
        %get3A_655 = arith.constant 89 : i32
        %get3A_656 = arith.index_cast %get3A_655 : i32 to index
        %get3A_657 = arith.index_cast %mul3A_350 : i32 to index
        %get3A_658 = tpu.vector_load %arg6[%get3A_656, %get3A_657] {strides = array<i32>} : memref<256x256xf32, #tpu.memory_space<vmem>>, vector<1x16xf32>,
        %get3A_659 = vector.shape_cast %get3A_658 : vector<1x16xf32> to vector<16xf32>
        %get3A_660 = arith.constant 121 : i32
        %get3A_661 = arith.index_cast %get3A_660 : i32 to index
        %get3A_662 = arith.index_cast %mul3A_350 : i32 to index
        %get3A_663 = tpu.vector_load %arg6[%get3A_661, %get3A_662] {strides = array<i32>} : memref<256x256xf32, #tpu.memory_space<vmem>>, vector<1x16xf32>,
        %get3A_664 = vector.shape_cast %get3A_663 : vector<1x16xf32> to vector<16xf32>
        %add3A_665 = arith.addf %get3A_659, %get3A_664 : vector<16xf32>
        %max3A_666 = arith.maximumf %max3A_654, %add3A_665 : vector<16xf32>
        %get3A_667 = arith.constant 90 : i32
        %get3A_668 = arith.index_cast %get3A_667 : i32 to index
        %get3A_669 = arith.index_cast %mul3A_350 : i32 to index
        %get3A_670 = tpu.vector_load %arg6[%get3A_668, %get3A_669] {strides = array<i32>} : memref<256x256xf32, #tpu.memory_space<vmem>>, vector<1x16xf32>,
        %get3A_671 = vector.shape_cast %get3A_670 : vector<1x16xf32> to vector<16xf32>
        %get3A_672 = arith.constant 122 : i32
        %get3A_673 = arith.index_cast %get3A_672 : i32 to index
        %get3A_674 = arith.index_cast %mul3A_350 : i32 to index
        %get3A_675 = tpu.vector_load %arg6[%get3A_673, %get3A_674] {strides = array<i32>} : memref<256x256xf32, #tpu.memory_space<vmem>>, vector<1x16xf32>,
        %get3A_676 = vector.shape_cast %get3A_675 : vector<1x16xf32> to vector<16xf32>
        %add3A_677 = arith.addf %get3A_671, %get3A_676 : vector<16xf32>
        %max3A_678 = arith.maximumf %max3A_666, %add3A_677 : vector<16xf32>
        %get3A_679 = arith.constant 91 : i32
        %get3A_680 = arith.index_cast %get3A_679 : i32 to index
        %get3A_681 = arith.index_cast %mul3A_350 : i32 to index
        %get3A_682 = tpu.vector_load %arg6[%get3A_680, %get3A_681] {strides = array<i32>} : memref<256x256xf32, #tpu.memory_space<vmem>>, vector<1x16xf32>,
        %get3A_683 = vector.shape_cast %get3A_682 : vector<1x16xf32> to vector<16xf32>
        %get3A_684 = arith.constant 123 : i32
        %get3A_685 = arith.index_cast %get3A_684 : i32 to index
        %get3A_686 = arith.index_cast %mul3A_350 : i32 to index
        %get3A_687 = tpu.vector_load %arg6[%get3A_685, %get3A_686] {strides = array<i32>} : memref<256x256xf32, #tpu.memory_space<vmem>>, vector<1x16xf32>,
        %get3A_688 = vector.shape_cast %get3A_687 : vector<1x16xf32> to vector<16xf32>
        %add3A_689 = arith.addf %get3A_683, %get3A_688 : vector<16xf32>
        %max3A_690 = arith.maximumf %max3A_678, %add3A_689 : vector<16xf32>
        %get3A_691 = arith.constant 92 : i32
        %get3A_692 = arith.index_cast %get3A_691 : i32 to index
        %get3A_693 = arith.index_cast %mul3A_350 : i32 to index
        %get3A_694 = tpu.vector_load %arg6[%get3A_692, %get3A_693] {strides = array<i32>} : memref<256x256xf32, #tpu.memory_space<vmem>>, vector<1x16xf32>,
        %get3A_695 = vector.shape_cast %get3A_694 : vector<1x16xf32> to vector<16xf32>
        %get3A_696 = arith.constant 124 : i32
        %get3A_697 = arith.index_cast %get3A_696 : i32 to index
        %get3A_698 = arith.index_cast %mul3A_350 : i32 to index
        %get3A_699 = tpu.vector_load %arg6[%get3A_697, %get3A_698] {strides = array<i32>} : memref<256x256xf32, #tpu.memory_space<vmem>>, vector<1x16xf32>,
        %get3A_700 = vector.shape_cast %get3A_699 : vector<1x16xf32> to vector<16xf32>
        %add3A_701 = arith.addf %get3A_695, %get3A_700 : vector<16xf32>
        %max3A_702 = arith.maximumf %max3A_690, %add3A_701 : vector<16xf32>
        %get3A_703 = arith.constant 93 : i32
        %get3A_704 = arith.index_cast %get3A_703 : i32 to index
        %get3A_705 = arith.index_cast %mul3A_350 : i32 to index
        %get3A_706 = tpu.vector_load %arg6[%get3A_704, %get3A_705] {strides = array<i32>} : memref<256x256xf32, #tpu.memory_space<vmem>>, vector<1x16xf32>,
        %get3A_707 = vector.shape_cast %get3A_706 : vector<1x16xf32> to vector<16xf32>
        %get3A_708 = arith.constant 125 : i32
        %get3A_709 = arith.index_cast %get3A_708 : i32 to index
        %get3A_710 = arith.index_cast %mul3A_350 : i32 to index
        %get3A_711 = tpu.vector_load %arg6[%get3A_709, %get3A_710] {strides = array<i32>} : memref<256x256xf32, #tpu.memory_space<vmem>>, vector<1x16xf32>,
        %get3A_712 = vector.shape_cast %get3A_711 : vector<1x16xf32> to vector<16xf32>
        %add3A_713 = arith.addf %get3A_707, %get3A_712 : vector<16xf32>
        %max3A_714 = arith.maximumf %max3A_702, %add3A_713 : vector<16xf32>
        %get3A_715 = arith.constant 94 : i32
        %get3A_716 = arith.index_cast %get3A_715 : i32 to index
        %get3A_717 = arith.index_cast %mul3A_350 : i32 to index
        %get3A_718 = tpu.vector_load %arg6[%get3A_716, %get3A_717] {strides = array<i32>} : memref<256x256xf32, #tpu.memory_space<vmem>>, vector<1x16xf32>,
        %get3A_719 = vector.shape_cast %get3A_718 : vector<1x16xf32> to vector<16xf32>
        %get3A_720 = arith.constant 126 : i32
        %get3A_721 = arith.index_cast %get3A_720 : i32 to index
        %get3A_722 = arith.index_cast %mul3A_350 : i32 to index
        %get3A_723 = tpu.vector_load %arg6[%get3A_721, %get3A_722] {strides = array<i32>} : memref<256x256xf32, #tpu.memory_space<vmem>>, vector<1x16xf32>,
        %get3A_724 = vector.shape_cast %get3A_723 : vector<1x16xf32> to vector<16xf32>
        %add3A_725 = arith.addf %get3A_719, %get3A_724 : vector<16xf32>
        %max3A_726 = arith.maximumf %max3A_714, %add3A_725 : vector<16xf32>
        %get3A_727 = arith.constant 95 : i32
        %get3A_728 = arith.index_cast %get3A_727 : i32 to index
        %get3A_729 = arith.index_cast %mul3A_350 : i32 to index
        %get3A_730 = tpu.vector_load %arg6[%get3A_728, %get3A_729] {strides = array<i32>} : memref<256x256xf32, #tpu.memory_space<vmem>>, vector<1x16xf32>,
        %get3A_731 = vector.shape_cast %get3A_730 : vector<1x16xf32> to vector<16xf32>
        %get3A_732 = arith.constant 127 : i32
        %get3A_733 = arith.index_cast %get3A_732 : i32 to index
        %get3A_734 = arith.index_cast %mul3A_350 : i32 to index
        %get3A_735 = tpu.vector_load %arg6[%get3A_733, %get3A_734] {strides = array<i32>} : memref<256x256xf32, #tpu.memory_space<vmem>>, vector<1x16xf32>,
        %get3A_736 = vector.shape_cast %get3A_735 : vector<1x16xf32> to vector<16xf32>
        %add3A_737 = arith.addf %get3A_731, %get3A_736 : vector<16xf32>
        %max3A_738 = arith.maximumf %max3A_726, %add3A_737 : vector<16xf32>
        %max3A_739 = arith.constant 0.000000e+00 : f32
        %max3A_740 = vector.broadcast %max3A_739 : f32 to vector<16xf32>
        %max3A_741 = arith.maximumf %max3A_738, %max3A_740 : vector<16xf32>
        %swap3A_742 = arith.constant 3 : i32
        %swap3A_743 = arith.index_cast %swap3A_742 : i32 to index
        %swap3A_744 = arith.index_cast %mul3A_350 : i32 to index
        %swap3A_745 = tpu.vector_load %arg7[%swap3A_743, %swap3A_744] {strides = array<i32>} : memref<8x256xf32, #tpu.memory_space<vmem>>, vector<1x16xf32>,
        %swap3A_746 = vector.shape_cast %swap3A_745 : vector<1x16xf32> to vector<16xf32>
        %swap3A_747 = vector.shape_cast %max3A_741 : vector<16xf32> to vector<1x16xf32>
        tpu.vector_store %arg7[%swap3A_743, %swap3A_744], %swap3A_747 {strides = array<i32>} : memref<8x256xf32, #tpu.memory_space<vmem>>, vector<1x16xf32>,
        %scan3A_748 = arith.constant 0 : i32
        scf.yield %scan3A_748 : i32
      }
      %scan3A_217 = arith.constant 16 : i32
      %mul3A_218 = arith.constant 2 : i32
      %mul3A_219 = arith.muli %add3A_193, %mul3A_218 : i32
      %add3A_220 = arith.addi %mul3A_2, %mul3A_219 : i32
      %dma_start3A_221 = arith.constant 2 : i32
      %dma_start3A_222 = arith.constant 0 : i32
      %dma_start3A_223 = tpu.memref_slice %arg7[%dma_start3A_221, %dma_start3A_222] : memref<8x256xf32, #tpu.memory_space<vmem>> -> memref<2x256xf32, #tpu.memory_space<vmem>>
      %dma_start3A_224 = arith.constant 0 : i32
      %dma_start3A_225 = tpu.memref_slice %arg4[%add3A_220, %dma_start3A_224] : memref<10240x256xf32, #tpu.memory_space<hbm>> -> memref<2x256xf32, #tpu.memory_space<hbm>>
      %dma_start3A_226 = arith.constant 0 : i32
      %dma_start3A_227 = tpu.memref_slice %arg4[%add3A_220, %dma_start3A_226] : memref<10240x256xf32, #tpu.memory_space<hbm>> -> memref<2x256xf32, #tpu.memory_space<hbm>>
      %dma_start3A_228 = arith.constant 2 : i32
      %dma_start3A_229 = arith.constant 0 : i32
      %dma_start3A_230 = tpu.memref_slice %arg7[%dma_start3A_228, %dma_start3A_229] : memref<8x256xf32, #tpu.memory_space<vmem>> -> memref<2x256xf32, #tpu.memory_space<vmem>>
      tpu.enqueue_dma source(%dma_start3A_230 : memref<2x256xf32, #tpu.memory_space<vmem>>) target(%dma_start3A_227 : memref<2x256xf32, #tpu.memory_space<hbm>>) target_semaphore(%arg13 : memref<!tpu.dma_semaphore, #tpu.memory_space<semaphore_mem>>)
      %add3A_231 = arith.constant 4 : i32
      %add3A_232 = arith.addi %add3A_193, %add3A_231 : i32
      %mul3A_233 = arith.constant 64 : i32
      %mul3A_234 = arith.muli %add3A_232, %mul3A_233 : i32
      %dma_start3A_235 = arith.constant 64 : i32
      %dma_start3A_236 = arith.constant 0 : i32
      %dma_start3A_237 = tpu.memref_slice %arg6[%dma_start3A_235, %dma_start3A_236] : memref<256x256xf32, #tpu.memory_space<vmem>> -> memref<64x256xf32, #tpu.memory_space<vmem>>
      %dma_start3A_238 = tpu.memref_slice %arg5[%mul3A_234] : memref<10496xi32, #tpu.memory_space<vmem>> -> memref<64xi32, #tpu.memory_space<vmem>>
      %dma_start3A_239 = arith.constant 0 : i32
      %dma_start3A_240 = arith.constant 0 : i32
      %dma_start3A_241 = tpu.memref_slice %arg3[%dma_start3A_239, %dma_start3A_240] : memref<20480x256xf32, #tpu.memory_space<hbm>> -> memref<20480x256xf32, #tpu.memory_space<hbm>>
      tpu.enqueue_indirect_dma source(%dma_start3A_241 : memref<20480x256xf32, #tpu.memory_space<hbm>>) target(%dma_start3A_237 : memref<64x256xf32, #tpu.memory_space<vmem>>) offsets(%dma_start3A_238 : memref<64xi32, #tpu.memory_space<vmem>>) semaphore(%arg9 : memref<!tpu.dma_semaphore, #tpu.memory_space<semaphore_mem>>)
      %mul3A_242 = arith.constant 4 : i32
      %mul3A_243 = arith.muli %scan3A_139, %mul3A_242 : i32
      %add3A_244 = arith.constant 2 : i32
      %add3A_245 = arith.addi %mul3A_243, %add3A_244 : i32
      %dma_wait3A_246 = arith.constant 128 : i32
      %dma_wait3A_247 = arith.constant 0 : i32
      %dma_wait3A_248 = tpu.memref_slice %arg6[%dma_wait3A_246, %dma_wait3A_247] : memref<256x256xf32, #tpu.memory_space<vmem>> -> memref<64x256xf32, #tpu.memory_space<vmem>>
      %dma_wait3A_249 = arith.constant 0 : i32
      %dma_wait3A_250 = arith.constant 0 : i32
      %dma_wait3A_251 = tpu.memref_slice %arg3[%dma_wait3A_249, %dma_wait3A_250] : memref<20480x256xf32, #tpu.memory_space<hbm>> -> memref<64x256xf32, #tpu.memory_space<hbm>>
      %dma_wait3A_252 = arith.constant 128 : i32
      %dma_wait3A_253 = arith.constant 0 : i32
      %dma_wait3A_254 = tpu.memref_slice %arg6[%dma_wait3A_252, %dma_wait3A_253] : memref<256x256xf32, #tpu.memory_space<vmem>> -> memref<64x256xf32, #tpu.memory_space<vmem>>
      %dma_wait3A_255 = arith.constant 0 : i32
      %dma_wait3A_256 = arith.constant 0 : i32
      %dma_wait3A_257 = tpu.memref_slice %arg3[%dma_wait3A_255, %dma_wait3A_256] : memref<20480x256xf32, #tpu.memory_space<hbm>> -> memref<64x256xf32, #tpu.memory_space<hbm>>
      tpu.wait_dma2 semaphore(%arg10 : memref<!tpu.dma_semaphore, #tpu.memory_space<semaphore_mem>>) src(%dma_wait3A_257 : memref<64x256xf32, #tpu.memory_space<hbm>>) dst(%dma_wait3A_254 : memref<64x256xf32, #tpu.memory_space<vmem>>)
      %ge3A_258 = arith.constant 1 : i32
      %ge3A_259 = arith.cmpi sge, %scan3A_139, %ge3A_258 : i32
      %convert_element_type3A_260 = arith.extui %ge3A_259 : i1 to i32
      %cond3A_261 = arith.constant 0 : i32
      %cond3A_262 = arith.cmpi ne, %convert_element_type3A_260, %cond3A_261 : i32
      scf.if %cond3A_262 {
        %dma_wait3A_347 = arith.constant 4 : i32
        %dma_wait3A_348 = arith.constant 0 : i32
        %dma_wait3A_349 = tpu.memref_slice %arg7[%dma_wait3A_347, %dma_wait3A_348] : memref<8x256xf32, #tpu.memory_space<vmem>> -> memref<2x256xf32, #tpu.memory_space<vmem>>
        %dma_wait3A_350 = arith.constant 0 : i32
        %dma_wait3A_351 = arith.constant 0 : i32
        %dma_wait3A_352 = tpu.memref_slice %arg4[%dma_wait3A_350, %dma_wait3A_351] : memref<10240x256xf32, #tpu.memory_space<hbm>> -> memref<2x256xf32, #tpu.memory_space<hbm>>
        %dma_wait3A_353 = arith.constant 4 : i32
        %dma_wait3A_354 = arith.constant 0 : i32
        %dma_wait3A_355 = tpu.memref_slice %arg7[%dma_wait3A_353, %dma_wait3A_354] : memref<8x256xf32, #tpu.memory_space<vmem>> -> memref<2x256xf32, #tpu.memory_space<vmem>>
        %dma_wait3A_356 = arith.constant 0 : i32
        %dma_wait3A_357 = arith.constant 0 : i32
        %dma_wait3A_358 = tpu.memref_slice %arg4[%dma_wait3A_356, %dma_wait3A_357] : memref<10240x256xf32, #tpu.memory_space<hbm>> -> memref<2x256xf32, #tpu.memory_space<hbm>>
        tpu.wait_dma2 semaphore(%arg14 : memref<!tpu.dma_semaphore, #tpu.memory_space<semaphore_mem>>) src(%dma_wait3A_358 : memref<2x256xf32, #tpu.memory_space<hbm>>) dst(%dma_wait3A_355 : memref<2x256xf32, #tpu.memory_space<vmem>>)
      } else {
      }
      %scan3A_263 = arith.constant 0 : i32
      %scan3A_264 = arith.constant 0 : i32
      %scan3A_265 = arith.constant 16 : i32
      %scan3A_266 = arith.addi %scan3A_264, %scan3A_265 : i32
      %scan3A_267 = arith.constant 1 : i32
      %scan3A_268 = scf.for %scan3A_347 = %scan3A_264 to %scan3A_266 step %scan3A_267 iter_args(%scan3A_348 = %scan3A_263) -> (i32)  : i32 {
        %mul3A_349 = arith.constant 16 : i32
        %mul3A_350 = arith.muli %scan3A_347, %mul3A_349 : i32
        %get3A = arith.constant 128 : i32
        %get3A_351 = arith.index_cast %get3A : i32 to index
        %get3A_352 = arith.index_cast %mul3A_350 : i32 to index
        %get3A_353 = tpu.vector_load %arg6[%get3A_351, %get3A_352] {strides = array<i32>} : memref<256x256xf32, #tpu.memory_space<vmem>>, vector<1x16xf32>,
        %get3A_354 = vector.shape_cast %get3A_353 : vector<1x16xf32> to vector<16xf32>
        %get3A_355 = arith.constant 160 : i32
        %get3A_356 = arith.index_cast %get3A_355 : i32 to index
        %get3A_357 = arith.index_cast %mul3A_350 : i32 to index
        %get3A_358 = tpu.vector_load %arg6[%get3A_356, %get3A_357] {strides = array<i32>} : memref<256x256xf32, #tpu.memory_space<vmem>>, vector<1x16xf32>,
        %get3A_359 = vector.shape_cast %get3A_358 : vector<1x16xf32> to vector<16xf32>
        %add3A_360 = arith.addf %get3A_354, %get3A_359 : vector<16xf32>
        %get3A_361 = arith.constant 129 : i32
        %get3A_362 = arith.index_cast %get3A_361 : i32 to index
        %get3A_363 = arith.index_cast %mul3A_350 : i32 to index
        %get3A_364 = tpu.vector_load %arg6[%get3A_362, %get3A_363] {strides = array<i32>} : memref<256x256xf32, #tpu.memory_space<vmem>>, vector<1x16xf32>,
        %get3A_365 = vector.shape_cast %get3A_364 : vector<1x16xf32> to vector<16xf32>
        %get3A_366 = arith.constant 161 : i32
        %get3A_367 = arith.index_cast %get3A_366 : i32 to index
        %get3A_368 = arith.index_cast %mul3A_350 : i32 to index
        %get3A_369 = tpu.vector_load %arg6[%get3A_367, %get3A_368] {strides = array<i32>} : memref<256x256xf32, #tpu.memory_space<vmem>>, vector<1x16xf32>,
        %get3A_370 = vector.shape_cast %get3A_369 : vector<1x16xf32> to vector<16xf32>
        %add3A_371 = arith.addf %get3A_365, %get3A_370 : vector<16xf32>
        %max3A = arith.maximumf %add3A_360, %add3A_371 : vector<16xf32>
        %get3A_372 = arith.constant 130 : i32
        %get3A_373 = arith.index_cast %get3A_372 : i32 to index
        %get3A_374 = arith.index_cast %mul3A_350 : i32 to index
        %get3A_375 = tpu.vector_load %arg6[%get3A_373, %get3A_374] {strides = array<i32>} : memref<256x256xf32, #tpu.memory_space<vmem>>, vector<1x16xf32>,
        %get3A_376 = vector.shape_cast %get3A_375 : vector<1x16xf32> to vector<16xf32>
        %get3A_377 = arith.constant 162 : i32
        %get3A_378 = arith.index_cast %get3A_377 : i32 to index
        %get3A_379 = arith.index_cast %mul3A_350 : i32 to index
        %get3A_380 = tpu.vector_load %arg6[%get3A_378, %get3A_379] {strides = array<i32>} : memref<256x256xf32, #tpu.memory_space<vmem>>, vector<1x16xf32>,
        %get3A_381 = vector.shape_cast %get3A_380 : vector<1x16xf32> to vector<16xf32>
        %add3A_382 = arith.addf %get3A_376, %get3A_381 : vector<16xf32>
        %max3A_383 = arith.maximumf %max3A, %add3A_382 : vector<16xf32>
        %get3A_384 = arith.constant 131 : i32
        %get3A_385 = arith.index_cast %get3A_384 : i32 to index
        %get3A_386 = arith.index_cast %mul3A_350 : i32 to index
        %get3A_387 = tpu.vector_load %arg6[%get3A_385, %get3A_386] {strides = array<i32>} : memref<256x256xf32, #tpu.memory_space<vmem>>, vector<1x16xf32>,
        %get3A_388 = vector.shape_cast %get3A_387 : vector<1x16xf32> to vector<16xf32>
        %get3A_389 = arith.constant 163 : i32
        %get3A_390 = arith.index_cast %get3A_389 : i32 to index
        %get3A_391 = arith.index_cast %mul3A_350 : i32 to index
        %get3A_392 = tpu.vector_load %arg6[%get3A_390, %get3A_391] {strides = array<i32>} : memref<256x256xf32, #tpu.memory_space<vmem>>, vector<1x16xf32>,
        %get3A_393 = vector.shape_cast %get3A_392 : vector<1x16xf32> to vector<16xf32>
        %add3A_394 = arith.addf %get3A_388, %get3A_393 : vector<16xf32>
        %max3A_395 = arith.maximumf %max3A_383, %add3A_394 : vector<16xf32>
        %get3A_396 = arith.constant 132 : i32
        %get3A_397 = arith.index_cast %get3A_396 : i32 to index
        %get3A_398 = arith.index_cast %mul3A_350 : i32 to index
        %get3A_399 = tpu.vector_load %arg6[%get3A_397, %get3A_398] {strides = array<i32>} : memref<256x256xf32, #tpu.memory_space<vmem>>, vector<1x16xf32>,
        %get3A_400 = vector.shape_cast %get3A_399 : vector<1x16xf32> to vector<16xf32>
        %get3A_401 = arith.constant 164 : i32
        %get3A_402 = arith.index_cast %get3A_401 : i32 to index
        %get3A_403 = arith.index_cast %mul3A_350 : i32 to index
        %get3A_404 = tpu.vector_load %arg6[%get3A_402, %get3A_403] {strides = array<i32>} : memref<256x256xf32, #tpu.memory_space<vmem>>, vector<1x16xf32>,
        %get3A_405 = vector.shape_cast %get3A_404 : vector<1x16xf32> to vector<16xf32>
        %add3A_406 = arith.addf %get3A_400, %get3A_405 : vector<16xf32>
        %max3A_407 = arith.maximumf %max3A_395, %add3A_406 : vector<16xf32>
        %get3A_408 = arith.constant 133 : i32
        %get3A_409 = arith.index_cast %get3A_408 : i32 to index
        %get3A_410 = arith.index_cast %mul3A_350 : i32 to index
        %get3A_411 = tpu.vector_load %arg6[%get3A_409, %get3A_410] {strides = array<i32>} : memref<256x256xf32, #tpu.memory_space<vmem>>, vector<1x16xf32>,
        %get3A_412 = vector.shape_cast %get3A_411 : vector<1x16xf32> to vector<16xf32>
        %get3A_413 = arith.constant 165 : i32
        %get3A_414 = arith.index_cast %get3A_413 : i32 to index
        %get3A_415 = arith.index_cast %mul3A_350 : i32 to index
        %get3A_416 = tpu.vector_load %arg6[%get3A_414, %get3A_415] {strides = array<i32>} : memref<256x256xf32, #tpu.memory_space<vmem>>, vector<1x16xf32>,
        %get3A_417 = vector.shape_cast %get3A_416 : vector<1x16xf32> to vector<16xf32>
        %add3A_418 = arith.addf %get3A_412, %get3A_417 : vector<16xf32>
        %max3A_419 = arith.maximumf %max3A_407, %add3A_418 : vector<16xf32>
        %get3A_420 = arith.constant 134 : i32
        %get3A_421 = arith.index_cast %get3A_420 : i32 to index
        %get3A_422 = arith.index_cast %mul3A_350 : i32 to index
        %get3A_423 = tpu.vector_load %arg6[%get3A_421, %get3A_422] {strides = array<i32>} : memref<256x256xf32, #tpu.memory_space<vmem>>, vector<1x16xf32>,
        %get3A_424 = vector.shape_cast %get3A_423 : vector<1x16xf32> to vector<16xf32>
        %get3A_425 = arith.constant 166 : i32
        %get3A_426 = arith.index_cast %get3A_425 : i32 to index
        %get3A_427 = arith.index_cast %mul3A_350 : i32 to index
        %get3A_428 = tpu.vector_load %arg6[%get3A_426, %get3A_427] {strides = array<i32>} : memref<256x256xf32, #tpu.memory_space<vmem>>, vector<1x16xf32>,
        %get3A_429 = vector.shape_cast %get3A_428 : vector<1x16xf32> to vector<16xf32>
        %add3A_430 = arith.addf %get3A_424, %get3A_429 : vector<16xf32>
        %max3A_431 = arith.maximumf %max3A_419, %add3A_430 : vector<16xf32>
        %get3A_432 = arith.constant 135 : i32
        %get3A_433 = arith.index_cast %get3A_432 : i32 to index
        %get3A_434 = arith.index_cast %mul3A_350 : i32 to index
        %get3A_435 = tpu.vector_load %arg6[%get3A_433, %get3A_434] {strides = array<i32>} : memref<256x256xf32, #tpu.memory_space<vmem>>, vector<1x16xf32>,
        %get3A_436 = vector.shape_cast %get3A_435 : vector<1x16xf32> to vector<16xf32>
        %get3A_437 = arith.constant 167 : i32
        %get3A_438 = arith.index_cast %get3A_437 : i32 to index
        %get3A_439 = arith.index_cast %mul3A_350 : i32 to index
        %get3A_440 = tpu.vector_load %arg6[%get3A_438, %get3A_439] {strides = array<i32>} : memref<256x256xf32, #tpu.memory_space<vmem>>, vector<1x16xf32>,
        %get3A_441 = vector.shape_cast %get3A_440 : vector<1x16xf32> to vector<16xf32>
        %add3A_442 = arith.addf %get3A_436, %get3A_441 : vector<16xf32>
        %max3A_443 = arith.maximumf %max3A_431, %add3A_442 : vector<16xf32>
        %get3A_444 = arith.constant 136 : i32
        %get3A_445 = arith.index_cast %get3A_444 : i32 to index
        %get3A_446 = arith.index_cast %mul3A_350 : i32 to index
        %get3A_447 = tpu.vector_load %arg6[%get3A_445, %get3A_446] {strides = array<i32>} : memref<256x256xf32, #tpu.memory_space<vmem>>, vector<1x16xf32>,
        %get3A_448 = vector.shape_cast %get3A_447 : vector<1x16xf32> to vector<16xf32>
        %get3A_449 = arith.constant 168 : i32
        %get3A_450 = arith.index_cast %get3A_449 : i32 to index
        %get3A_451 = arith.index_cast %mul3A_350 : i32 to index
        %get3A_452 = tpu.vector_load %arg6[%get3A_450, %get3A_451] {strides = array<i32>} : memref<256x256xf32, #tpu.memory_space<vmem>>, vector<1x16xf32>,
        %get3A_453 = vector.shape_cast %get3A_452 : vector<1x16xf32> to vector<16xf32>
        %add3A_454 = arith.addf %get3A_448, %get3A_453 : vector<16xf32>
        %max3A_455 = arith.maximumf %max3A_443, %add3A_454 : vector<16xf32>
        %get3A_456 = arith.constant 137 : i32
        %get3A_457 = arith.index_cast %get3A_456 : i32 to index
        %get3A_458 = arith.index_cast %mul3A_350 : i32 to index
        %get3A_459 = tpu.vector_load %arg6[%get3A_457, %get3A_458] {strides = array<i32>} : memref<256x256xf32, #tpu.memory_space<vmem>>, vector<1x16xf32>,
        %get3A_460 = vector.shape_cast %get3A_459 : vector<1x16xf32> to vector<16xf32>
        %get3A_461 = arith.constant 169 : i32
        %get3A_462 = arith.index_cast %get3A_461 : i32 to index
        %get3A_463 = arith.index_cast %mul3A_350 : i32 to index
        %get3A_464 = tpu.vector_load %arg6[%get3A_462, %get3A_463] {strides = array<i32>} : memref<256x256xf32, #tpu.memory_space<vmem>>, vector<1x16xf32>,
        %get3A_465 = vector.shape_cast %get3A_464 : vector<1x16xf32> to vector<16xf32>
        %add3A_466 = arith.addf %get3A_460, %get3A_465 : vector<16xf32>
        %max3A_467 = arith.maximumf %max3A_455, %add3A_466 : vector<16xf32>
        %get3A_468 = arith.constant 138 : i32
        %get3A_469 = arith.index_cast %get3A_468 : i32 to index
        %get3A_470 = arith.index_cast %mul3A_350 : i32 to index
        %get3A_471 = tpu.vector_load %arg6[%get3A_469, %get3A_470] {strides = array<i32>} : memref<256x256xf32, #tpu.memory_space<vmem>>, vector<1x16xf32>,
        %get3A_472 = vector.shape_cast %get3A_471 : vector<1x16xf32> to vector<16xf32>
        %get3A_473 = arith.constant 170 : i32
        %get3A_474 = arith.index_cast %get3A_473 : i32 to index
        %get3A_475 = arith.index_cast %mul3A_350 : i32 to index
        %get3A_476 = tpu.vector_load %arg6[%get3A_474, %get3A_475] {strides = array<i32>} : memref<256x256xf32, #tpu.memory_space<vmem>>, vector<1x16xf32>,
        %get3A_477 = vector.shape_cast %get3A_476 : vector<1x16xf32> to vector<16xf32>
        %add3A_478 = arith.addf %get3A_472, %get3A_477 : vector<16xf32>
        %max3A_479 = arith.maximumf %max3A_467, %add3A_478 : vector<16xf32>
        %get3A_480 = arith.constant 139 : i32
        %get3A_481 = arith.index_cast %get3A_480 : i32 to index
        %get3A_482 = arith.index_cast %mul3A_350 : i32 to index
        %get3A_483 = tpu.vector_load %arg6[%get3A_481, %get3A_482] {strides = array<i32>} : memref<256x256xf32, #tpu.memory_space<vmem>>, vector<1x16xf32>,
        %get3A_484 = vector.shape_cast %get3A_483 : vector<1x16xf32> to vector<16xf32>
        %get3A_485 = arith.constant 171 : i32
        %get3A_486 = arith.index_cast %get3A_485 : i32 to index
        %get3A_487 = arith.index_cast %mul3A_350 : i32 to index
        %get3A_488 = tpu.vector_load %arg6[%get3A_486, %get3A_487] {strides = array<i32>} : memref<256x256xf32, #tpu.memory_space<vmem>>, vector<1x16xf32>,
        %get3A_489 = vector.shape_cast %get3A_488 : vector<1x16xf32> to vector<16xf32>
        %add3A_490 = arith.addf %get3A_484, %get3A_489 : vector<16xf32>
        %max3A_491 = arith.maximumf %max3A_479, %add3A_490 : vector<16xf32>
        %get3A_492 = arith.constant 140 : i32
        %get3A_493 = arith.index_cast %get3A_492 : i32 to index
        %get3A_494 = arith.index_cast %mul3A_350 : i32 to index
        %get3A_495 = tpu.vector_load %arg6[%get3A_493, %get3A_494] {strides = array<i32>} : memref<256x256xf32, #tpu.memory_space<vmem>>, vector<1x16xf32>,
        %get3A_496 = vector.shape_cast %get3A_495 : vector<1x16xf32> to vector<16xf32>
        %get3A_497 = arith.constant 172 : i32
        %get3A_498 = arith.index_cast %get3A_497 : i32 to index
        %get3A_499 = arith.index_cast %mul3A_350 : i32 to index
        %get3A_500 = tpu.vector_load %arg6[%get3A_498, %get3A_499] {strides = array<i32>} : memref<256x256xf32, #tpu.memory_space<vmem>>, vector<1x16xf32>,
        %get3A_501 = vector.shape_cast %get3A_500 : vector<1x16xf32> to vector<16xf32>
        %add3A_502 = arith.addf %get3A_496, %get3A_501 : vector<16xf32>
        %max3A_503 = arith.maximumf %max3A_491, %add3A_502 : vector<16xf32>
        %get3A_504 = arith.constant 141 : i32
        %get3A_505 = arith.index_cast %get3A_504 : i32 to index
        %get3A_506 = arith.index_cast %mul3A_350 : i32 to index
        %get3A_507 = tpu.vector_load %arg6[%get3A_505, %get3A_506] {strides = array<i32>} : memref<256x256xf32, #tpu.memory_space<vmem>>, vector<1x16xf32>,
        %get3A_508 = vector.shape_cast %get3A_507 : vector<1x16xf32> to vector<16xf32>
        %get3A_509 = arith.constant 173 : i32
        %get3A_510 = arith.index_cast %get3A_509 : i32 to index
        %get3A_511 = arith.index_cast %mul3A_350 : i32 to index
        %get3A_512 = tpu.vector_load %arg6[%get3A_510, %get3A_511] {strides = array<i32>} : memref<256x256xf32, #tpu.memory_space<vmem>>, vector<1x16xf32>,
        %get3A_513 = vector.shape_cast %get3A_512 : vector<1x16xf32> to vector<16xf32>
        %add3A_514 = arith.addf %get3A_508, %get3A_513 : vector<16xf32>
        %max3A_515 = arith.maximumf %max3A_503, %add3A_514 : vector<16xf32>
        %get3A_516 = arith.constant 142 : i32
        %get3A_517 = arith.index_cast %get3A_516 : i32 to index
        %get3A_518 = arith.index_cast %mul3A_350 : i32 to index
        %get3A_519 = tpu.vector_load %arg6[%get3A_517, %get3A_518] {strides = array<i32>} : memref<256x256xf32, #tpu.memory_space<vmem>>, vector<1x16xf32>,
        %get3A_520 = vector.shape_cast %get3A_519 : vector<1x16xf32> to vector<16xf32>
        %get3A_521 = arith.constant 174 : i32
        %get3A_522 = arith.index_cast %get3A_521 : i32 to index
        %get3A_523 = arith.index_cast %mul3A_350 : i32 to index
        %get3A_524 = tpu.vector_load %arg6[%get3A_522, %get3A_523] {strides = array<i32>} : memref<256x256xf32, #tpu.memory_space<vmem>>, vector<1x16xf32>,
        %get3A_525 = vector.shape_cast %get3A_524 : vector<1x16xf32> to vector<16xf32>
        %add3A_526 = arith.addf %get3A_520, %get3A_525 : vector<16xf32>
        %max3A_527 = arith.maximumf %max3A_515, %add3A_526 : vector<16xf32>
        %get3A_528 = arith.constant 143 : i32
        %get3A_529 = arith.index_cast %get3A_528 : i32 to index
        %get3A_530 = arith.index_cast %mul3A_350 : i32 to index
        %get3A_531 = tpu.vector_load %arg6[%get3A_529, %get3A_530] {strides = array<i32>} : memref<256x256xf32, #tpu.memory_space<vmem>>, vector<1x16xf32>,
        %get3A_532 = vector.shape_cast %get3A_531 : vector<1x16xf32> to vector<16xf32>
        %get3A_533 = arith.constant 175 : i32
        %get3A_534 = arith.index_cast %get3A_533 : i32 to index
        %get3A_535 = arith.index_cast %mul3A_350 : i32 to index
        %get3A_536 = tpu.vector_load %arg6[%get3A_534, %get3A_535] {strides = array<i32>} : memref<256x256xf32, #tpu.memory_space<vmem>>, vector<1x16xf32>,
        %get3A_537 = vector.shape_cast %get3A_536 : vector<1x16xf32> to vector<16xf32>
        %add3A_538 = arith.addf %get3A_532, %get3A_537 : vector<16xf32>
        %max3A_539 = arith.maximumf %max3A_527, %add3A_538 : vector<16xf32>
        %max3A_540 = arith.constant 0.000000e+00 : f32
        %max3A_541 = vector.broadcast %max3A_540 : f32 to vector<16xf32>
        %max3A_542 = arith.maximumf %max3A_539, %max3A_541 : vector<16xf32>
        %swap3A = arith.constant 4 : i32
        %swap3A_543 = arith.index_cast %swap3A : i32 to index
        %swap3A_544 = arith.index_cast %mul3A_350 : i32 to index
        %swap3A_545 = tpu.vector_load %arg7[%swap3A_543, %swap3A_544] {strides = array<i32>} : memref<8x256xf32, #tpu.memory_space<vmem>>, vector<1x16xf32>,
        %swap3A_546 = vector.shape_cast %swap3A_545 : vector<1x16xf32> to vector<16xf32>
        %swap3A_547 = vector.shape_cast %max3A_542 : vector<16xf32> to vector<1x16xf32>
        tpu.vector_store %arg7[%swap3A_543, %swap3A_544], %swap3A_547 {strides = array<i32>} : memref<8x256xf32, #tpu.memory_space<vmem>>, vector<1x16xf32>,
        %get3A_548 = arith.constant 144 : i32
        %get3A_549 = arith.index_cast %get3A_548 : i32 to index
        %get3A_550 = arith.index_cast %mul3A_350 : i32 to index
        %get3A_551 = tpu.vector_load %arg6[%get3A_549, %get3A_550] {strides = array<i32>} : memref<256x256xf32, #tpu.memory_space<vmem>>, vector<1x16xf32>,
        %get3A_552 = vector.shape_cast %get3A_551 : vector<1x16xf32> to vector<16xf32>
        %get3A_553 = arith.constant 176 : i32
        %get3A_554 = arith.index_cast %get3A_553 : i32 to index
        %get3A_555 = arith.index_cast %mul3A_350 : i32 to index
        %get3A_556 = tpu.vector_load %arg6[%get3A_554, %get3A_555] {strides = array<i32>} : memref<256x256xf32, #tpu.memory_space<vmem>>, vector<1x16xf32>,
        %get3A_557 = vector.shape_cast %get3A_556 : vector<1x16xf32> to vector<16xf32>
        %add3A_558 = arith.addf %get3A_552, %get3A_557 : vector<16xf32>
        %get3A_559 = arith.constant 145 : i32
        %get3A_560 = arith.index_cast %get3A_559 : i32 to index
        %get3A_561 = arith.index_cast %mul3A_350 : i32 to index
        %get3A_562 = tpu.vector_load %arg6[%get3A_560, %get3A_561] {strides = array<i32>} : memref<256x256xf32, #tpu.memory_space<vmem>>, vector<1x16xf32>,
        %get3A_563 = vector.shape_cast %get3A_562 : vector<1x16xf32> to vector<16xf32>
        %get3A_564 = arith.constant 177 : i32
        %get3A_565 = arith.index_cast %get3A_564 : i32 to index
        %get3A_566 = arith.index_cast %mul3A_350 : i32 to index
        %get3A_567 = tpu.vector_load %arg6[%get3A_565, %get3A_566] {strides = array<i32>} : memref<256x256xf32, #tpu.memory_space<vmem>>, vector<1x16xf32>,
        %get3A_568 = vector.shape_cast %get3A_567 : vector<1x16xf32> to vector<16xf32>
        %add3A_569 = arith.addf %get3A_563, %get3A_568 : vector<16xf32>
        %max3A_570 = arith.maximumf %add3A_558, %add3A_569 : vector<16xf32>
        %get3A_571 = arith.constant 146 : i32
        %get3A_572 = arith.index_cast %get3A_571 : i32 to index
        %get3A_573 = arith.index_cast %mul3A_350 : i32 to index
        %get3A_574 = tpu.vector_load %arg6[%get3A_572, %get3A_573] {strides = array<i32>} : memref<256x256xf32, #tpu.memory_space<vmem>>, vector<1x16xf32>,
        %get3A_575 = vector.shape_cast %get3A_574 : vector<1x16xf32> to vector<16xf32>
        %get3A_576 = arith.constant 178 : i32
        %get3A_577 = arith.index_cast %get3A_576 : i32 to index
        %get3A_578 = arith.index_cast %mul3A_350 : i32 to index
        %get3A_579 = tpu.vector_load %arg6[%get3A_577, %get3A_578] {strides = array<i32>} : memref<256x256xf32, #tpu.memory_space<vmem>>, vector<1x16xf32>,
        %get3A_580 = vector.shape_cast %get3A_579 : vector<1x16xf32> to vector<16xf32>
        %add3A_581 = arith.addf %get3A_575, %get3A_580 : vector<16xf32>
        %max3A_582 = arith.maximumf %max3A_570, %add3A_581 : vector<16xf32>
        %get3A_583 = arith.constant 147 : i32
        %get3A_584 = arith.index_cast %get3A_583 : i32 to index
        %get3A_585 = arith.index_cast %mul3A_350 : i32 to index
        %get3A_586 = tpu.vector_load %arg6[%get3A_584, %get3A_585] {strides = array<i32>} : memref<256x256xf32, #tpu.memory_space<vmem>>, vector<1x16xf32>,
        %get3A_587 = vector.shape_cast %get3A_586 : vector<1x16xf32> to vector<16xf32>
        %get3A_588 = arith.constant 179 : i32
        %get3A_589 = arith.index_cast %get3A_588 : i32 to index
        %get3A_590 = arith.index_cast %mul3A_350 : i32 to index
        %get3A_591 = tpu.vector_load %arg6[%get3A_589, %get3A_590] {strides = array<i32>} : memref<256x256xf32, #tpu.memory_space<vmem>>, vector<1x16xf32>,
        %get3A_592 = vector.shape_cast %get3A_591 : vector<1x16xf32> to vector<16xf32>
        %add3A_593 = arith.addf %get3A_587, %get3A_592 : vector<16xf32>
        %max3A_594 = arith.maximumf %max3A_582, %add3A_593 : vector<16xf32>
        %get3A_595 = arith.constant 148 : i32
        %get3A_596 = arith.index_cast %get3A_595 : i32 to index
        %get3A_597 = arith.index_cast %mul3A_350 : i32 to index
        %get3A_598 = tpu.vector_load %arg6[%get3A_596, %get3A_597] {strides = array<i32>} : memref<256x256xf32, #tpu.memory_space<vmem>>, vector<1x16xf32>,
        %get3A_599 = vector.shape_cast %get3A_598 : vector<1x16xf32> to vector<16xf32>
        %get3A_600 = arith.constant 180 : i32
        %get3A_601 = arith.index_cast %get3A_600 : i32 to index
        %get3A_602 = arith.index_cast %mul3A_350 : i32 to index
        %get3A_603 = tpu.vector_load %arg6[%get3A_601, %get3A_602] {strides = array<i32>} : memref<256x256xf32, #tpu.memory_space<vmem>>, vector<1x16xf32>,
        %get3A_604 = vector.shape_cast %get3A_603 : vector<1x16xf32> to vector<16xf32>
        %add3A_605 = arith.addf %get3A_599, %get3A_604 : vector<16xf32>
        %max3A_606 = arith.maximumf %max3A_594, %add3A_605 : vector<16xf32>
        %get3A_607 = arith.constant 149 : i32
        %get3A_608 = arith.index_cast %get3A_607 : i32 to index
        %get3A_609 = arith.index_cast %mul3A_350 : i32 to index
        %get3A_610 = tpu.vector_load %arg6[%get3A_608, %get3A_609] {strides = array<i32>} : memref<256x256xf32, #tpu.memory_space<vmem>>, vector<1x16xf32>,
        %get3A_611 = vector.shape_cast %get3A_610 : vector<1x16xf32> to vector<16xf32>
        %get3A_612 = arith.constant 181 : i32
        %get3A_613 = arith.index_cast %get3A_612 : i32 to index
        %get3A_614 = arith.index_cast %mul3A_350 : i32 to index
        %get3A_615 = tpu.vector_load %arg6[%get3A_613, %get3A_614] {strides = array<i32>} : memref<256x256xf32, #tpu.memory_space<vmem>>, vector<1x16xf32>,
        %get3A_616 = vector.shape_cast %get3A_615 : vector<1x16xf32> to vector<16xf32>
        %add3A_617 = arith.addf %get3A_611, %get3A_616 : vector<16xf32>
        %max3A_618 = arith.maximumf %max3A_606, %add3A_617 : vector<16xf32>
        %get3A_619 = arith.constant 150 : i32
        %get3A_620 = arith.index_cast %get3A_619 : i32 to index
        %get3A_621 = arith.index_cast %mul3A_350 : i32 to index
        %get3A_622 = tpu.vector_load %arg6[%get3A_620, %get3A_621] {strides = array<i32>} : memref<256x256xf32, #tpu.memory_space<vmem>>, vector<1x16xf32>,
        %get3A_623 = vector.shape_cast %get3A_622 : vector<1x16xf32> to vector<16xf32>
        %get3A_624 = arith.constant 182 : i32
        %get3A_625 = arith.index_cast %get3A_624 : i32 to index
        %get3A_626 = arith.index_cast %mul3A_350 : i32 to index
        %get3A_627 = tpu.vector_load %arg6[%get3A_625, %get3A_626] {strides = array<i32>} : memref<256x256xf32, #tpu.memory_space<vmem>>, vector<1x16xf32>,
        %get3A_628 = vector.shape_cast %get3A_627 : vector<1x16xf32> to vector<16xf32>
        %add3A_629 = arith.addf %get3A_623, %get3A_628 : vector<16xf32>
        %max3A_630 = arith.maximumf %max3A_618, %add3A_629 : vector<16xf32>
        %get3A_631 = arith.constant 151 : i32
        %get3A_632 = arith.index_cast %get3A_631 : i32 to index
        %get3A_633 = arith.index_cast %mul3A_350 : i32 to index
        %get3A_634 = tpu.vector_load %arg6[%get3A_632, %get3A_633] {strides = array<i32>} : memref<256x256xf32, #tpu.memory_space<vmem>>, vector<1x16xf32>,
        %get3A_635 = vector.shape_cast %get3A_634 : vector<1x16xf32> to vector<16xf32>
        %get3A_636 = arith.constant 183 : i32
        %get3A_637 = arith.index_cast %get3A_636 : i32 to index
        %get3A_638 = arith.index_cast %mul3A_350 : i32 to index
        %get3A_639 = tpu.vector_load %arg6[%get3A_637, %get3A_638] {strides = array<i32>} : memref<256x256xf32, #tpu.memory_space<vmem>>, vector<1x16xf32>,
        %get3A_640 = vector.shape_cast %get3A_639 : vector<1x16xf32> to vector<16xf32>
        %add3A_641 = arith.addf %get3A_635, %get3A_640 : vector<16xf32>
        %max3A_642 = arith.maximumf %max3A_630, %add3A_641 : vector<16xf32>
        %get3A_643 = arith.constant 152 : i32
        %get3A_644 = arith.index_cast %get3A_643 : i32 to index
        %get3A_645 = arith.index_cast %mul3A_350 : i32 to index
        %get3A_646 = tpu.vector_load %arg6[%get3A_644, %get3A_645] {strides = array<i32>} : memref<256x256xf32, #tpu.memory_space<vmem>>, vector<1x16xf32>,
        %get3A_647 = vector.shape_cast %get3A_646 : vector<1x16xf32> to vector<16xf32>
        %get3A_648 = arith.constant 184 : i32
        %get3A_649 = arith.index_cast %get3A_648 : i32 to index
        %get3A_650 = arith.index_cast %mul3A_350 : i32 to index
        %get3A_651 = tpu.vector_load %arg6[%get3A_649, %get3A_650] {strides = array<i32>} : memref<256x256xf32, #tpu.memory_space<vmem>>, vector<1x16xf32>,
        %get3A_652 = vector.shape_cast %get3A_651 : vector<1x16xf32> to vector<16xf32>
        %add3A_653 = arith.addf %get3A_647, %get3A_652 : vector<16xf32>
        %max3A_654 = arith.maximumf %max3A_642, %add3A_653 : vector<16xf32>
        %get3A_655 = arith.constant 153 : i32
        %get3A_656 = arith.index_cast %get3A_655 : i32 to index
        %get3A_657 = arith.index_cast %mul3A_350 : i32 to index
        %get3A_658 = tpu.vector_load %arg6[%get3A_656, %get3A_657] {strides = array<i32>} : memref<256x256xf32, #tpu.memory_space<vmem>>, vector<1x16xf32>,
        %get3A_659 = vector.shape_cast %get3A_658 : vector<1x16xf32> to vector<16xf32>
        %get3A_660 = arith.constant 185 : i32
        %get3A_661 = arith.index_cast %get3A_660 : i32 to index
        %get3A_662 = arith.index_cast %mul3A_350 : i32 to index
        %get3A_663 = tpu.vector_load %arg6[%get3A_661, %get3A_662] {strides = array<i32>} : memref<256x256xf32, #tpu.memory_space<vmem>>, vector<1x16xf32>,
        %get3A_664 = vector.shape_cast %get3A_663 : vector<1x16xf32> to vector<16xf32>
        %add3A_665 = arith.addf %get3A_659, %get3A_664 : vector<16xf32>
        %max3A_666 = arith.maximumf %max3A_654, %add3A_665 : vector<16xf32>
        %get3A_667 = arith.constant 154 : i32
        %get3A_668 = arith.index_cast %get3A_667 : i32 to index
        %get3A_669 = arith.index_cast %mul3A_350 : i32 to index
        %get3A_670 = tpu.vector_load %arg6[%get3A_668, %get3A_669] {strides = array<i32>} : memref<256x256xf32, #tpu.memory_space<vmem>>, vector<1x16xf32>,
        %get3A_671 = vector.shape_cast %get3A_670 : vector<1x16xf32> to vector<16xf32>
        %get3A_672 = arith.constant 186 : i32
        %get3A_673 = arith.index_cast %get3A_672 : i32 to index
        %get3A_674 = arith.index_cast %mul3A_350 : i32 to index
        %get3A_675 = tpu.vector_load %arg6[%get3A_673, %get3A_674] {strides = array<i32>} : memref<256x256xf32, #tpu.memory_space<vmem>>, vector<1x16xf32>,
        %get3A_676 = vector.shape_cast %get3A_675 : vector<1x16xf32> to vector<16xf32>
        %add3A_677 = arith.addf %get3A_671, %get3A_676 : vector<16xf32>
        %max3A_678 = arith.maximumf %max3A_666, %add3A_677 : vector<16xf32>
        %get3A_679 = arith.constant 155 : i32
        %get3A_680 = arith.index_cast %get3A_679 : i32 to index
        %get3A_681 = arith.index_cast %mul3A_350 : i32 to index
        %get3A_682 = tpu.vector_load %arg6[%get3A_680, %get3A_681] {strides = array<i32>} : memref<256x256xf32, #tpu.memory_space<vmem>>, vector<1x16xf32>,
        %get3A_683 = vector.shape_cast %get3A_682 : vector<1x16xf32> to vector<16xf32>
        %get3A_684 = arith.constant 187 : i32
        %get3A_685 = arith.index_cast %get3A_684 : i32 to index
        %get3A_686 = arith.index_cast %mul3A_350 : i32 to index
        %get3A_687 = tpu.vector_load %arg6[%get3A_685, %get3A_686] {strides = array<i32>} : memref<256x256xf32, #tpu.memory_space<vmem>>, vector<1x16xf32>,
        %get3A_688 = vector.shape_cast %get3A_687 : vector<1x16xf32> to vector<16xf32>
        %add3A_689 = arith.addf %get3A_683, %get3A_688 : vector<16xf32>
        %max3A_690 = arith.maximumf %max3A_678, %add3A_689 : vector<16xf32>
        %get3A_691 = arith.constant 156 : i32
        %get3A_692 = arith.index_cast %get3A_691 : i32 to index
        %get3A_693 = arith.index_cast %mul3A_350 : i32 to index
        %get3A_694 = tpu.vector_load %arg6[%get3A_692, %get3A_693] {strides = array<i32>} : memref<256x256xf32, #tpu.memory_space<vmem>>, vector<1x16xf32>,
        %get3A_695 = vector.shape_cast %get3A_694 : vector<1x16xf32> to vector<16xf32>
        %get3A_696 = arith.constant 188 : i32
        %get3A_697 = arith.index_cast %get3A_696 : i32 to index
        %get3A_698 = arith.index_cast %mul3A_350 : i32 to index
        %get3A_699 = tpu.vector_load %arg6[%get3A_697, %get3A_698] {strides = array<i32>} : memref<256x256xf32, #tpu.memory_space<vmem>>, vector<1x16xf32>,
        %get3A_700 = vector.shape_cast %get3A_699 : vector<1x16xf32> to vector<16xf32>
        %add3A_701 = arith.addf %get3A_695, %get3A_700 : vector<16xf32>
        %max3A_702 = arith.maximumf %max3A_690, %add3A_701 : vector<16xf32>
        %get3A_703 = arith.constant 157 : i32
        %get3A_704 = arith.index_cast %get3A_703 : i32 to index
        %get3A_705 = arith.index_cast %mul3A_350 : i32 to index
        %get3A_706 = tpu.vector_load %arg6[%get3A_704, %get3A_705] {strides = array<i32>} : memref<256x256xf32, #tpu.memory_space<vmem>>, vector<1x16xf32>,
        %get3A_707 = vector.shape_cast %get3A_706 : vector<1x16xf32> to vector<16xf32>
        %get3A_708 = arith.constant 189 : i32
        %get3A_709 = arith.index_cast %get3A_708 : i32 to index
        %get3A_710 = arith.index_cast %mul3A_350 : i32 to index
        %get3A_711 = tpu.vector_load %arg6[%get3A_709, %get3A_710] {strides = array<i32>} : memref<256x256xf32, #tpu.memory_space<vmem>>, vector<1x16xf32>,
        %get3A_712 = vector.shape_cast %get3A_711 : vector<1x16xf32> to vector<16xf32>
        %add3A_713 = arith.addf %get3A_707, %get3A_712 : vector<16xf32>
        %max3A_714 = arith.maximumf %max3A_702, %add3A_713 : vector<16xf32>
        %get3A_715 = arith.constant 158 : i32
        %get3A_716 = arith.index_cast %get3A_715 : i32 to index
        %get3A_717 = arith.index_cast %mul3A_350 : i32 to index
        %get3A_718 = tpu.vector_load %arg6[%get3A_716, %get3A_717] {strides = array<i32>} : memref<256x256xf32, #tpu.memory_space<vmem>>, vector<1x16xf32>,
        %get3A_719 = vector.shape_cast %get3A_718 : vector<1x16xf32> to vector<16xf32>
        %get3A_720 = arith.constant 190 : i32
        %get3A_721 = arith.index_cast %get3A_720 : i32 to index
        %get3A_722 = arith.index_cast %mul3A_350 : i32 to index
        %get3A_723 = tpu.vector_load %arg6[%get3A_721, %get3A_722] {strides = array<i32>} : memref<256x256xf32, #tpu.memory_space<vmem>>, vector<1x16xf32>,
        %get3A_724 = vector.shape_cast %get3A_723 : vector<1x16xf32> to vector<16xf32>
        %add3A_725 = arith.addf %get3A_719, %get3A_724 : vector<16xf32>
        %max3A_726 = arith.maximumf %max3A_714, %add3A_725 : vector<16xf32>
        %get3A_727 = arith.constant 159 : i32
        %get3A_728 = arith.index_cast %get3A_727 : i32 to index
        %get3A_729 = arith.index_cast %mul3A_350 : i32 to index
        %get3A_730 = tpu.vector_load %arg6[%get3A_728, %get3A_729] {strides = array<i32>} : memref<256x256xf32, #tpu.memory_space<vmem>>, vector<1x16xf32>,
        %get3A_731 = vector.shape_cast %get3A_730 : vector<1x16xf32> to vector<16xf32>
        %get3A_732 = arith.constant 191 : i32
        %get3A_733 = arith.index_cast %get3A_732 : i32 to index
        %get3A_734 = arith.index_cast %mul3A_350 : i32 to index
        %get3A_735 = tpu.vector_load %arg6[%get3A_733, %get3A_734] {strides = array<i32>} : memref<256x256xf32, #tpu.memory_space<vmem>>, vector<1x16xf32>,
        %get3A_736 = vector.shape_cast %get3A_735 : vector<1x16xf32> to vector<16xf32>
        %add3A_737 = arith.addf %get3A_731, %get3A_736 : vector<16xf32>
        %max3A_738 = arith.maximumf %max3A_726, %add3A_737 : vector<16xf32>
        %max3A_739 = arith.constant 0.000000e+00 : f32
        %max3A_740 = vector.broadcast %max3A_739 : f32 to vector<16xf32>
        %max3A_741 = arith.maximumf %max3A_738, %max3A_740 : vector<16xf32>
        %swap3A_742 = arith.constant 5 : i32
        %swap3A_743 = arith.index_cast %swap3A_742 : i32 to index
        %swap3A_744 = arith.index_cast %mul3A_350 : i32 to index
        %swap3A_745 = tpu.vector_load %arg7[%swap3A_743, %swap3A_744] {strides = array<i32>} : memref<8x256xf32, #tpu.memory_space<vmem>>, vector<1x16xf32>,
        %swap3A_746 = vector.shape_cast %swap3A_745 : vector<1x16xf32> to vector<16xf32>
        %swap3A_747 = vector.shape_cast %max3A_741 : vector<16xf32> to vector<1x16xf32>
        tpu.vector_store %arg7[%swap3A_743, %swap3A_744], %swap3A_747 {strides = array<i32>} : memref<8x256xf32, #tpu.memory_space<vmem>>, vector<1x16xf32>,
        %scan3A_748 = arith.constant 0 : i32
        scf.yield %scan3A_748 : i32
      }
      %scan3A_269 = arith.constant 16 : i32
      %mul3A_270 = arith.constant 2 : i32
      %mul3A_271 = arith.muli %add3A_245, %mul3A_270 : i32
      %add3A_272 = arith.addi %mul3A_2, %mul3A_271 : i32
      %dma_start3A_273 = arith.constant 4 : i32
      %dma_start3A_274 = arith.constant 0 : i32
      %dma_start3A_275 = tpu.memref_slice %arg7[%dma_start3A_273, %dma_start3A_274] : memref<8x256xf32, #tpu.memory_space<vmem>> -> memref<2x256xf32, #tpu.memory_space<vmem>>
      %dma_start3A_276 = arith.constant 0 : i32
      %dma_start3A_277 = tpu.memref_slice %arg4[%add3A_272, %dma_start3A_276] : memref<10240x256xf32, #tpu.memory_space<hbm>> -> memref<2x256xf32, #tpu.memory_space<hbm>>
      %dma_start3A_278 = arith.constant 0 : i32
      %dma_start3A_279 = tpu.memref_slice %arg4[%add3A_272, %dma_start3A_278] : memref<10240x256xf32, #tpu.memory_space<hbm>> -> memref<2x256xf32, #tpu.memory_space<hbm>>
      %dma_start3A_280 = arith.constant 4 : i32
      %dma_start3A_281 = arith.constant 0 : i32
      %dma_start3A_282 = tpu.memref_slice %arg7[%dma_start3A_280, %dma_start3A_281] : memref<8x256xf32, #tpu.memory_space<vmem>> -> memref<2x256xf32, #tpu.memory_space<vmem>>
      tpu.enqueue_dma source(%dma_start3A_282 : memref<2x256xf32, #tpu.memory_space<vmem>>) target(%dma_start3A_279 : memref<2x256xf32, #tpu.memory_space<hbm>>) target_semaphore(%arg14 : memref<!tpu.dma_semaphore, #tpu.memory_space<semaphore_mem>>)
      %add3A_283 = arith.constant 4 : i32
      %add3A_284 = arith.addi %add3A_245, %add3A_283 : i32
      %mul3A_285 = arith.constant 64 : i32
      %mul3A_286 = arith.muli %add3A_284, %mul3A_285 : i32
      %dma_start3A_287 = arith.constant 128 : i32
      %dma_start3A_288 = arith.constant 0 : i32
      %dma_start3A_289 = tpu.memref_slice %arg6[%dma_start3A_287, %dma_start3A_288] : memref<256x256xf32, #tpu.memory_space<vmem>> -> memref<64x256xf32, #tpu.memory_space<vmem>>
      %dma_start3A_290 = tpu.memref_slice %arg5[%mul3A_286] : memref<10496xi32, #tpu.memory_space<vmem>> -> memref<64xi32, #tpu.memory_space<vmem>>
      %dma_start3A_291 = arith.constant 0 : i32
      %dma_start3A_292 = arith.constant 0 : i32
      %dma_start3A_293 = tpu.memref_slice %arg3[%dma_start3A_291, %dma_start3A_292] : memref<20480x256xf32, #tpu.memory_space<hbm>> -> memref<20480x256xf32, #tpu.memory_space<hbm>>
      tpu.enqueue_indirect_dma source(%dma_start3A_293 : memref<20480x256xf32, #tpu.memory_space<hbm>>) target(%dma_start3A_289 : memref<64x256xf32, #tpu.memory_space<vmem>>) offsets(%dma_start3A_290 : memref<64xi32, #tpu.memory_space<vmem>>) semaphore(%arg10 : memref<!tpu.dma_semaphore, #tpu.memory_space<semaphore_mem>>)
      %mul3A_294 = arith.constant 4 : i32
      %mul3A_295 = arith.muli %scan3A_139, %mul3A_294 : i32
      %add3A_296 = arith.constant 3 : i32
      %add3A_297 = arith.addi %mul3A_295, %add3A_296 : i32
      %dma_wait3A_298 = arith.constant 192 : i32
      %dma_wait3A_299 = arith.constant 0 : i32
      %dma_wait3A_300 = tpu.memref_slice %arg6[%dma_wait3A_298, %dma_wait3A_299] : memref<256x256xf32, #tpu.memory_space<vmem>> -> memref<64x256xf32, #tpu.memory_space<vmem>>
      %dma_wait3A_301 = arith.constant 0 : i32
      %dma_wait3A_302 = arith.constant 0 : i32
      %dma_wait3A_303 = tpu.memref_slice %arg3[%dma_wait3A_301, %dma_wait3A_302] : memref<20480x256xf32, #tpu.memory_space<hbm>> -> memref<64x256xf32, #tpu.memory_space<hbm>>
      %dma_wait3A_304 = arith.constant 192 : i32
      %dma_wait3A_305 = arith.constant 0 : i32
      %dma_wait3A_306 = tpu.memref_slice %arg6[%dma_wait3A_304, %dma_wait3A_305] : memref<256x256xf32, #tpu.memory_space<vmem>> -> memref<64x256xf32, #tpu.memory_space<vmem>>
      %dma_wait3A_307 = arith.constant 0 : i32
      %dma_wait3A_308 = arith.constant 0 : i32
      %dma_wait3A_309 = tpu.memref_slice %arg3[%dma_wait3A_307, %dma_wait3A_308] : memref<20480x256xf32, #tpu.memory_space<hbm>> -> memref<64x256xf32, #tpu.memory_space<hbm>>
      tpu.wait_dma2 semaphore(%arg11 : memref<!tpu.dma_semaphore, #tpu.memory_space<semaphore_mem>>) src(%dma_wait3A_309 : memref<64x256xf32, #tpu.memory_space<hbm>>) dst(%dma_wait3A_306 : memref<64x256xf32, #tpu.memory_space<vmem>>)
      %ge3A_310 = arith.constant 1 : i32
      %ge3A_311 = arith.cmpi sge, %scan3A_139, %ge3A_310 : i32
      %convert_element_type3A_312 = arith.extui %ge3A_311 : i1 to i32
      %cond3A_313 = arith.constant 0 : i32
      %cond3A_314 = arith.cmpi ne, %convert_element_type3A_312, %cond3A_313 : i32
      scf.if %cond3A_314 {
        %dma_wait3A_347 = arith.constant 6 : i32
        %dma_wait3A_348 = arith.constant 0 : i32
        %dma_wait3A_349 = tpu.memref_slice %arg7[%dma_wait3A_347, %dma_wait3A_348] : memref<8x256xf32, #tpu.memory_space<vmem>> -> memref<2x256xf32, #tpu.memory_space<vmem>>
        %dma_wait3A_350 = arith.constant 0 : i32
        %dma_wait3A_351 = arith.constant 0 : i32
        %dma_wait3A_352 = tpu.memref_slice %arg4[%dma_wait3A_350, %dma_wait3A_351] : memref<10240x256xf32, #tpu.memory_space<hbm>> -> memref<2x256xf32, #tpu.memory_space<hbm>>
        %dma_wait3A_353 = arith.constant 6 : i32
        %dma_wait3A_354 = arith.constant 0 : i32
        %dma_wait3A_355 = tpu.memref_slice %arg7[%dma_wait3A_353, %dma_wait3A_354] : memref<8x256xf32, #tpu.memory_space<vmem>> -> memref<2x256xf32, #tpu.memory_space<vmem>>
        %dma_wait3A_356 = arith.constant 0 : i32
        %dma_wait3A_357 = arith.constant 0 : i32
        %dma_wait3A_358 = tpu.memref_slice %arg4[%dma_wait3A_356, %dma_wait3A_357] : memref<10240x256xf32, #tpu.memory_space<hbm>> -> memref<2x256xf32, #tpu.memory_space<hbm>>
        tpu.wait_dma2 semaphore(%arg15 : memref<!tpu.dma_semaphore, #tpu.memory_space<semaphore_mem>>) src(%dma_wait3A_358 : memref<2x256xf32, #tpu.memory_space<hbm>>) dst(%dma_wait3A_355 : memref<2x256xf32, #tpu.memory_space<vmem>>)
      } else {
      }
      %scan3A_315 = arith.constant 0 : i32
      %scan3A_316 = arith.constant 0 : i32
      %scan3A_317 = arith.constant 16 : i32
      %scan3A_318 = arith.addi %scan3A_316, %scan3A_317 : i32
      %scan3A_319 = arith.constant 1 : i32
      %scan3A_320 = scf.for %scan3A_347 = %scan3A_316 to %scan3A_318 step %scan3A_319 iter_args(%scan3A_348 = %scan3A_315) -> (i32)  : i32 {
        %mul3A_349 = arith.constant 16 : i32
        %mul3A_350 = arith.muli %scan3A_347, %mul3A_349 : i32
        %get3A = arith.constant 192 : i32
        %get3A_351 = arith.index_cast %get3A : i32 to index
        %get3A_352 = arith.index_cast %mul3A_350 : i32 to index
        %get3A_353 = tpu.vector_load %arg6[%get3A_351, %get3A_352] {strides = array<i32>} : memref<256x256xf32, #tpu.memory_space<vmem>>, vector<1x16xf32>,
        %get3A_354 = vector.shape_cast %get3A_353 : vector<1x16xf32> to vector<16xf32>
        %get3A_355 = arith.constant 224 : i32
        %get3A_356 = arith.index_cast %get3A_355 : i32 to index
        %get3A_357 = arith.index_cast %mul3A_350 : i32 to index
        %get3A_358 = tpu.vector_load %arg6[%get3A_356, %get3A_357] {strides = array<i32>} : memref<256x256xf32, #tpu.memory_space<vmem>>, vector<1x16xf32>,
        %get3A_359 = vector.shape_cast %get3A_358 : vector<1x16xf32> to vector<16xf32>
        %add3A_360 = arith.addf %get3A_354, %get3A_359 : vector<16xf32>
        %get3A_361 = arith.constant 193 : i32
        %get3A_362 = arith.index_cast %get3A_361 : i32 to index
        %get3A_363 = arith.index_cast %mul3A_350 : i32 to index
        %get3A_364 = tpu.vector_load %arg6[%get3A_362, %get3A_363] {strides = array<i32>} : memref<256x256xf32, #tpu.memory_space<vmem>>, vector<1x16xf32>,
        %get3A_365 = vector.shape_cast %get3A_364 : vector<1x16xf32> to vector<16xf32>
        %get3A_366 = arith.constant 225 : i32
        %get3A_367 = arith.index_cast %get3A_366 : i32 to index
        %get3A_368 = arith.index_cast %mul3A_350 : i32 to index
        %get3A_369 = tpu.vector_load %arg6[%get3A_367, %get3A_368] {strides = array<i32>} : memref<256x256xf32, #tpu.memory_space<vmem>>, vector<1x16xf32>,
        %get3A_370 = vector.shape_cast %get3A_369 : vector<1x16xf32> to vector<16xf32>
        %add3A_371 = arith.addf %get3A_365, %get3A_370 : vector<16xf32>
        %max3A = arith.maximumf %add3A_360, %add3A_371 : vector<16xf32>
        %get3A_372 = arith.constant 194 : i32
        %get3A_373 = arith.index_cast %get3A_372 : i32 to index
        %get3A_374 = arith.index_cast %mul3A_350 : i32 to index
        %get3A_375 = tpu.vector_load %arg6[%get3A_373, %get3A_374] {strides = array<i32>} : memref<256x256xf32, #tpu.memory_space<vmem>>, vector<1x16xf32>,
        %get3A_376 = vector.shape_cast %get3A_375 : vector<1x16xf32> to vector<16xf32>
        %get3A_377 = arith.constant 226 : i32
        %get3A_378 = arith.index_cast %get3A_377 : i32 to index
        %get3A_379 = arith.index_cast %mul3A_350 : i32 to index
        %get3A_380 = tpu.vector_load %arg6[%get3A_378, %get3A_379] {strides = array<i32>} : memref<256x256xf32, #tpu.memory_space<vmem>>, vector<1x16xf32>,
        %get3A_381 = vector.shape_cast %get3A_380 : vector<1x16xf32> to vector<16xf32>
        %add3A_382 = arith.addf %get3A_376, %get3A_381 : vector<16xf32>
        %max3A_383 = arith.maximumf %max3A, %add3A_382 : vector<16xf32>
        %get3A_384 = arith.constant 195 : i32
        %get3A_385 = arith.index_cast %get3A_384 : i32 to index
        %get3A_386 = arith.index_cast %mul3A_350 : i32 to index
        %get3A_387 = tpu.vector_load %arg6[%get3A_385, %get3A_386] {strides = array<i32>} : memref<256x256xf32, #tpu.memory_space<vmem>>, vector<1x16xf32>,
        %get3A_388 = vector.shape_cast %get3A_387 : vector<1x16xf32> to vector<16xf32>
        %get3A_389 = arith.constant 227 : i32
        %get3A_390 = arith.index_cast %get3A_389 : i32 to index
        %get3A_391 = arith.index_cast %mul3A_350 : i32 to index
        %get3A_392 = tpu.vector_load %arg6[%get3A_390, %get3A_391] {strides = array<i32>} : memref<256x256xf32, #tpu.memory_space<vmem>>, vector<1x16xf32>,
        %get3A_393 = vector.shape_cast %get3A_392 : vector<1x16xf32> to vector<16xf32>
        %add3A_394 = arith.addf %get3A_388, %get3A_393 : vector<16xf32>
        %max3A_395 = arith.maximumf %max3A_383, %add3A_394 : vector<16xf32>
        %get3A_396 = arith.constant 196 : i32
        %get3A_397 = arith.index_cast %get3A_396 : i32 to index
        %get3A_398 = arith.index_cast %mul3A_350 : i32 to index
        %get3A_399 = tpu.vector_load %arg6[%get3A_397, %get3A_398] {strides = array<i32>} : memref<256x256xf32, #tpu.memory_space<vmem>>, vector<1x16xf32>,
        %get3A_400 = vector.shape_cast %get3A_399 : vector<1x16xf32> to vector<16xf32>
        %get3A_401 = arith.constant 228 : i32
        %get3A_402 = arith.index_cast %get3A_401 : i32 to index
        %get3A_403 = arith.index_cast %mul3A_350 : i32 to index
        %get3A_404 = tpu.vector_load %arg6[%get3A_402, %get3A_403] {strides = array<i32>} : memref<256x256xf32, #tpu.memory_space<vmem>>, vector<1x16xf32>,
        %get3A_405 = vector.shape_cast %get3A_404 : vector<1x16xf32> to vector<16xf32>
        %add3A_406 = arith.addf %get3A_400, %get3A_405 : vector<16xf32>
        %max3A_407 = arith.maximumf %max3A_395, %add3A_406 : vector<16xf32>
        %get3A_408 = arith.constant 197 : i32
        %get3A_409 = arith.index_cast %get3A_408 : i32 to index
        %get3A_410 = arith.index_cast %mul3A_350 : i32 to index
        %get3A_411 = tpu.vector_load %arg6[%get3A_409, %get3A_410] {strides = array<i32>} : memref<256x256xf32, #tpu.memory_space<vmem>>, vector<1x16xf32>,
        %get3A_412 = vector.shape_cast %get3A_411 : vector<1x16xf32> to vector<16xf32>
        %get3A_413 = arith.constant 229 : i32
        %get3A_414 = arith.index_cast %get3A_413 : i32 to index
        %get3A_415 = arith.index_cast %mul3A_350 : i32 to index
        %get3A_416 = tpu.vector_load %arg6[%get3A_414, %get3A_415] {strides = array<i32>} : memref<256x256xf32, #tpu.memory_space<vmem>>, vector<1x16xf32>,
        %get3A_417 = vector.shape_cast %get3A_416 : vector<1x16xf32> to vector<16xf32>
        %add3A_418 = arith.addf %get3A_412, %get3A_417 : vector<16xf32>
        %max3A_419 = arith.maximumf %max3A_407, %add3A_418 : vector<16xf32>
        %get3A_420 = arith.constant 198 : i32
        %get3A_421 = arith.index_cast %get3A_420 : i32 to index
        %get3A_422 = arith.index_cast %mul3A_350 : i32 to index
        %get3A_423 = tpu.vector_load %arg6[%get3A_421, %get3A_422] {strides = array<i32>} : memref<256x256xf32, #tpu.memory_space<vmem>>, vector<1x16xf32>,
        %get3A_424 = vector.shape_cast %get3A_423 : vector<1x16xf32> to vector<16xf32>
        %get3A_425 = arith.constant 230 : i32
        %get3A_426 = arith.index_cast %get3A_425 : i32 to index
        %get3A_427 = arith.index_cast %mul3A_350 : i32 to index
        %get3A_428 = tpu.vector_load %arg6[%get3A_426, %get3A_427] {strides = array<i32>} : memref<256x256xf32, #tpu.memory_space<vmem>>, vector<1x16xf32>,
        %get3A_429 = vector.shape_cast %get3A_428 : vector<1x16xf32> to vector<16xf32>
        %add3A_430 = arith.addf %get3A_424, %get3A_429 : vector<16xf32>
        %max3A_431 = arith.maximumf %max3A_419, %add3A_430 : vector<16xf32>
        %get3A_432 = arith.constant 199 : i32
        %get3A_433 = arith.index_cast %get3A_432 : i32 to index
        %get3A_434 = arith.index_cast %mul3A_350 : i32 to index
        %get3A_435 = tpu.vector_load %arg6[%get3A_433, %get3A_434] {strides = array<i32>} : memref<256x256xf32, #tpu.memory_space<vmem>>, vector<1x16xf32>,
        %get3A_436 = vector.shape_cast %get3A_435 : vector<1x16xf32> to vector<16xf32>
        %get3A_437 = arith.constant 231 : i32
        %get3A_438 = arith.index_cast %get3A_437 : i32 to index
        %get3A_439 = arith.index_cast %mul3A_350 : i32 to index
        %get3A_440 = tpu.vector_load %arg6[%get3A_438, %get3A_439] {strides = array<i32>} : memref<256x256xf32, #tpu.memory_space<vmem>>, vector<1x16xf32>,
        %get3A_441 = vector.shape_cast %get3A_440 : vector<1x16xf32> to vector<16xf32>
        %add3A_442 = arith.addf %get3A_436, %get3A_441 : vector<16xf32>
        %max3A_443 = arith.maximumf %max3A_431, %add3A_442 : vector<16xf32>
        %get3A_444 = arith.constant 200 : i32
        %get3A_445 = arith.index_cast %get3A_444 : i32 to index
        %get3A_446 = arith.index_cast %mul3A_350 : i32 to index
        %get3A_447 = tpu.vector_load %arg6[%get3A_445, %get3A_446] {strides = array<i32>} : memref<256x256xf32, #tpu.memory_space<vmem>>, vector<1x16xf32>,
        %get3A_448 = vector.shape_cast %get3A_447 : vector<1x16xf32> to vector<16xf32>
        %get3A_449 = arith.constant 232 : i32
        %get3A_450 = arith.index_cast %get3A_449 : i32 to index
        %get3A_451 = arith.index_cast %mul3A_350 : i32 to index
        %get3A_452 = tpu.vector_load %arg6[%get3A_450, %get3A_451] {strides = array<i32>} : memref<256x256xf32, #tpu.memory_space<vmem>>, vector<1x16xf32>,
        %get3A_453 = vector.shape_cast %get3A_452 : vector<1x16xf32> to vector<16xf32>
        %add3A_454 = arith.addf %get3A_448, %get3A_453 : vector<16xf32>
        %max3A_455 = arith.maximumf %max3A_443, %add3A_454 : vector<16xf32>
        %get3A_456 = arith.constant 201 : i32
        %get3A_457 = arith.index_cast %get3A_456 : i32 to index
        %get3A_458 = arith.index_cast %mul3A_350 : i32 to index
        %get3A_459 = tpu.vector_load %arg6[%get3A_457, %get3A_458] {strides = array<i32>} : memref<256x256xf32, #tpu.memory_space<vmem>>, vector<1x16xf32>,
        %get3A_460 = vector.shape_cast %get3A_459 : vector<1x16xf32> to vector<16xf32>
        %get3A_461 = arith.constant 233 : i32
        %get3A_462 = arith.index_cast %get3A_461 : i32 to index
        %get3A_463 = arith.index_cast %mul3A_350 : i32 to index
        %get3A_464 = tpu.vector_load %arg6[%get3A_462, %get3A_463] {strides = array<i32>} : memref<256x256xf32, #tpu.memory_space<vmem>>, vector<1x16xf32>,
        %get3A_465 = vector.shape_cast %get3A_464 : vector<1x16xf32> to vector<16xf32>
        %add3A_466 = arith.addf %get3A_460, %get3A_465 : vector<16xf32>
        %max3A_467 = arith.maximumf %max3A_455, %add3A_466 : vector<16xf32>
        %get3A_468 = arith.constant 202 : i32
        %get3A_469 = arith.index_cast %get3A_468 : i32 to index
        %get3A_470 = arith.index_cast %mul3A_350 : i32 to index
        %get3A_471 = tpu.vector_load %arg6[%get3A_469, %get3A_470] {strides = array<i32>} : memref<256x256xf32, #tpu.memory_space<vmem>>, vector<1x16xf32>,
        %get3A_472 = vector.shape_cast %get3A_471 : vector<1x16xf32> to vector<16xf32>
        %get3A_473 = arith.constant 234 : i32
        %get3A_474 = arith.index_cast %get3A_473 : i32 to index
        %get3A_475 = arith.index_cast %mul3A_350 : i32 to index
        %get3A_476 = tpu.vector_load %arg6[%get3A_474, %get3A_475] {strides = array<i32>} : memref<256x256xf32, #tpu.memory_space<vmem>>, vector<1x16xf32>,
        %get3A_477 = vector.shape_cast %get3A_476 : vector<1x16xf32> to vector<16xf32>
        %add3A_478 = arith.addf %get3A_472, %get3A_477 : vector<16xf32>
        %max3A_479 = arith.maximumf %max3A_467, %add3A_478 : vector<16xf32>
        %get3A_480 = arith.constant 203 : i32
        %get3A_481 = arith.index_cast %get3A_480 : i32 to index
        %get3A_482 = arith.index_cast %mul3A_350 : i32 to index
        %get3A_483 = tpu.vector_load %arg6[%get3A_481, %get3A_482] {strides = array<i32>} : memref<256x256xf32, #tpu.memory_space<vmem>>, vector<1x16xf32>,
        %get3A_484 = vector.shape_cast %get3A_483 : vector<1x16xf32> to vector<16xf32>
        %get3A_485 = arith.constant 235 : i32
        %get3A_486 = arith.index_cast %get3A_485 : i32 to index
        %get3A_487 = arith.index_cast %mul3A_350 : i32 to index
        %get3A_488 = tpu.vector_load %arg6[%get3A_486, %get3A_487] {strides = array<i32>} : memref<256x256xf32, #tpu.memory_space<vmem>>, vector<1x16xf32>,
        %get3A_489 = vector.shape_cast %get3A_488 : vector<1x16xf32> to vector<16xf32>
        %add3A_490 = arith.addf %get3A_484, %get3A_489 : vector<16xf32>
        %max3A_491 = arith.maximumf %max3A_479, %add3A_490 : vector<16xf32>
        %get3A_492 = arith.constant 204 : i32
        %get3A_493 = arith.index_cast %get3A_492 : i32 to index
        %get3A_494 = arith.index_cast %mul3A_350 : i32 to index
        %get3A_495 = tpu.vector_load %arg6[%get3A_493, %get3A_494] {strides = array<i32>} : memref<256x256xf32, #tpu.memory_space<vmem>>, vector<1x16xf32>,
        %get3A_496 = vector.shape_cast %get3A_495 : vector<1x16xf32> to vector<16xf32>
        %get3A_497 = arith.constant 236 : i32
        %get3A_498 = arith.index_cast %get3A_497 : i32 to index
        %get3A_499 = arith.index_cast %mul3A_350 : i32 to index
        %get3A_500 = tpu.vector_load %arg6[%get3A_498, %get3A_499] {strides = array<i32>} : memref<256x256xf32, #tpu.memory_space<vmem>>, vector<1x16xf32>,
        %get3A_501 = vector.shape_cast %get3A_500 : vector<1x16xf32> to vector<16xf32>
        %add3A_502 = arith.addf %get3A_496, %get3A_501 : vector<16xf32>
        %max3A_503 = arith.maximumf %max3A_491, %add3A_502 : vector<16xf32>
        %get3A_504 = arith.constant 205 : i32
        %get3A_505 = arith.index_cast %get3A_504 : i32 to index
        %get3A_506 = arith.index_cast %mul3A_350 : i32 to index
        %get3A_507 = tpu.vector_load %arg6[%get3A_505, %get3A_506] {strides = array<i32>} : memref<256x256xf32, #tpu.memory_space<vmem>>, vector<1x16xf32>,
        %get3A_508 = vector.shape_cast %get3A_507 : vector<1x16xf32> to vector<16xf32>
        %get3A_509 = arith.constant 237 : i32
        %get3A_510 = arith.index_cast %get3A_509 : i32 to index
        %get3A_511 = arith.index_cast %mul3A_350 : i32 to index
        %get3A_512 = tpu.vector_load %arg6[%get3A_510, %get3A_511] {strides = array<i32>} : memref<256x256xf32, #tpu.memory_space<vmem>>, vector<1x16xf32>,
        %get3A_513 = vector.shape_cast %get3A_512 : vector<1x16xf32> to vector<16xf32>
        %add3A_514 = arith.addf %get3A_508, %get3A_513 : vector<16xf32>
        %max3A_515 = arith.maximumf %max3A_503, %add3A_514 : vector<16xf32>
        %get3A_516 = arith.constant 206 : i32
        %get3A_517 = arith.index_cast %get3A_516 : i32 to index
        %get3A_518 = arith.index_cast %mul3A_350 : i32 to index
        %get3A_519 = tpu.vector_load %arg6[%get3A_517, %get3A_518] {strides = array<i32>} : memref<256x256xf32, #tpu.memory_space<vmem>>, vector<1x16xf32>,
        %get3A_520 = vector.shape_cast %get3A_519 : vector<1x16xf32> to vector<16xf32>
        %get3A_521 = arith.constant 238 : i32
        %get3A_522 = arith.index_cast %get3A_521 : i32 to index
        %get3A_523 = arith.index_cast %mul3A_350 : i32 to index
        %get3A_524 = tpu.vector_load %arg6[%get3A_522, %get3A_523] {strides = array<i32>} : memref<256x256xf32, #tpu.memory_space<vmem>>, vector<1x16xf32>,
        %get3A_525 = vector.shape_cast %get3A_524 : vector<1x16xf32> to vector<16xf32>
        %add3A_526 = arith.addf %get3A_520, %get3A_525 : vector<16xf32>
        %max3A_527 = arith.maximumf %max3A_515, %add3A_526 : vector<16xf32>
        %get3A_528 = arith.constant 207 : i32
        %get3A_529 = arith.index_cast %get3A_528 : i32 to index
        %get3A_530 = arith.index_cast %mul3A_350 : i32 to index
        %get3A_531 = tpu.vector_load %arg6[%get3A_529, %get3A_530] {strides = array<i32>} : memref<256x256xf32, #tpu.memory_space<vmem>>, vector<1x16xf32>,
        %get3A_532 = vector.shape_cast %get3A_531 : vector<1x16xf32> to vector<16xf32>
        %get3A_533 = arith.constant 239 : i32
        %get3A_534 = arith.index_cast %get3A_533 : i32 to index
        %get3A_535 = arith.index_cast %mul3A_350 : i32 to index
        %get3A_536 = tpu.vector_load %arg6[%get3A_534, %get3A_535] {strides = array<i32>} : memref<256x256xf32, #tpu.memory_space<vmem>>, vector<1x16xf32>,
        %get3A_537 = vector.shape_cast %get3A_536 : vector<1x16xf32> to vector<16xf32>
        %add3A_538 = arith.addf %get3A_532, %get3A_537 : vector<16xf32>
        %max3A_539 = arith.maximumf %max3A_527, %add3A_538 : vector<16xf32>
        %max3A_540 = arith.constant 0.000000e+00 : f32
        %max3A_541 = vector.broadcast %max3A_540 : f32 to vector<16xf32>
        %max3A_542 = arith.maximumf %max3A_539, %max3A_541 : vector<16xf32>
        %swap3A = arith.constant 6 : i32
        %swap3A_543 = arith.index_cast %swap3A : i32 to index
        %swap3A_544 = arith.index_cast %mul3A_350 : i32 to index
        %swap3A_545 = tpu.vector_load %arg7[%swap3A_543, %swap3A_544] {strides = array<i32>} : memref<8x256xf32, #tpu.memory_space<vmem>>, vector<1x16xf32>,
        %swap3A_546 = vector.shape_cast %swap3A_545 : vector<1x16xf32> to vector<16xf32>
        %swap3A_547 = vector.shape_cast %max3A_542 : vector<16xf32> to vector<1x16xf32>
        tpu.vector_store %arg7[%swap3A_543, %swap3A_544], %swap3A_547 {strides = array<i32>} : memref<8x256xf32, #tpu.memory_space<vmem>>, vector<1x16xf32>,
        %get3A_548 = arith.constant 208 : i32
        %get3A_549 = arith.index_cast %get3A_548 : i32 to index
        %get3A_550 = arith.index_cast %mul3A_350 : i32 to index
        %get3A_551 = tpu.vector_load %arg6[%get3A_549, %get3A_550] {strides = array<i32>} : memref<256x256xf32, #tpu.memory_space<vmem>>, vector<1x16xf32>,
        %get3A_552 = vector.shape_cast %get3A_551 : vector<1x16xf32> to vector<16xf32>
        %get3A_553 = arith.constant 240 : i32
        %get3A_554 = arith.index_cast %get3A_553 : i32 to index
        %get3A_555 = arith.index_cast %mul3A_350 : i32 to index
        %get3A_556 = tpu.vector_load %arg6[%get3A_554, %get3A_555] {strides = array<i32>} : memref<256x256xf32, #tpu.memory_space<vmem>>, vector<1x16xf32>,
        %get3A_557 = vector.shape_cast %get3A_556 : vector<1x16xf32> to vector<16xf32>
        %add3A_558 = arith.addf %get3A_552, %get3A_557 : vector<16xf32>
        %get3A_559 = arith.constant 209 : i32
        %get3A_560 = arith.index_cast %get3A_559 : i32 to index
        %get3A_561 = arith.index_cast %mul3A_350 : i32 to index
        %get3A_562 = tpu.vector_load %arg6[%get3A_560, %get3A_561] {strides = array<i32>} : memref<256x256xf32, #tpu.memory_space<vmem>>, vector<1x16xf32>,
        %get3A_563 = vector.shape_cast %get3A_562 : vector<1x16xf32> to vector<16xf32>
        %get3A_564 = arith.constant 241 : i32
        %get3A_565 = arith.index_cast %get3A_564 : i32 to index
        %get3A_566 = arith.index_cast %mul3A_350 : i32 to index
        %get3A_567 = tpu.vector_load %arg6[%get3A_565, %get3A_566] {strides = array<i32>} : memref<256x256xf32, #tpu.memory_space<vmem>>, vector<1x16xf32>,
        %get3A_568 = vector.shape_cast %get3A_567 : vector<1x16xf32> to vector<16xf32>
        %add3A_569 = arith.addf %get3A_563, %get3A_568 : vector<16xf32>
        %max3A_570 = arith.maximumf %add3A_558, %add3A_569 : vector<16xf32>
        %get3A_571 = arith.constant 210 : i32
        %get3A_572 = arith.index_cast %get3A_571 : i32 to index
        %get3A_573 = arith.index_cast %mul3A_350 : i32 to index
        %get3A_574 = tpu.vector_load %arg6[%get3A_572, %get3A_573] {strides = array<i32>} : memref<256x256xf32, #tpu.memory_space<vmem>>, vector<1x16xf32>,
        %get3A_575 = vector.shape_cast %get3A_574 : vector<1x16xf32> to vector<16xf32>
        %get3A_576 = arith.constant 242 : i32
        %get3A_577 = arith.index_cast %get3A_576 : i32 to index
        %get3A_578 = arith.index_cast %mul3A_350 : i32 to index
        %get3A_579 = tpu.vector_load %arg6[%get3A_577, %get3A_578] {strides = array<i32>} : memref<256x256xf32, #tpu.memory_space<vmem>>, vector<1x16xf32>,
        %get3A_580 = vector.shape_cast %get3A_579 : vector<1x16xf32> to vector<16xf32>
        %add3A_581 = arith.addf %get3A_575, %get3A_580 : vector<16xf32>
        %max3A_582 = arith.maximumf %max3A_570, %add3A_581 : vector<16xf32>
        %get3A_583 = arith.constant 211 : i32
        %get3A_584 = arith.index_cast %get3A_583 : i32 to index
        %get3A_585 = arith.index_cast %mul3A_350 : i32 to index
        %get3A_586 = tpu.vector_load %arg6[%get3A_584, %get3A_585] {strides = array<i32>} : memref<256x256xf32, #tpu.memory_space<vmem>>, vector<1x16xf32>,
        %get3A_587 = vector.shape_cast %get3A_586 : vector<1x16xf32> to vector<16xf32>
        %get3A_588 = arith.constant 243 : i32
        %get3A_589 = arith.index_cast %get3A_588 : i32 to index
        %get3A_590 = arith.index_cast %mul3A_350 : i32 to index
        %get3A_591 = tpu.vector_load %arg6[%get3A_589, %get3A_590] {strides = array<i32>} : memref<256x256xf32, #tpu.memory_space<vmem>>, vector<1x16xf32>,
        %get3A_592 = vector.shape_cast %get3A_591 : vector<1x16xf32> to vector<16xf32>
        %add3A_593 = arith.addf %get3A_587, %get3A_592 : vector<16xf32>
        %max3A_594 = arith.maximumf %max3A_582, %add3A_593 : vector<16xf32>
        %get3A_595 = arith.constant 212 : i32
        %get3A_596 = arith.index_cast %get3A_595 : i32 to index
        %get3A_597 = arith.index_cast %mul3A_350 : i32 to index
        %get3A_598 = tpu.vector_load %arg6[%get3A_596, %get3A_597] {strides = array<i32>} : memref<256x256xf32, #tpu.memory_space<vmem>>, vector<1x16xf32>,
        %get3A_599 = vector.shape_cast %get3A_598 : vector<1x16xf32> to vector<16xf32>
        %get3A_600 = arith.constant 244 : i32
        %get3A_601 = arith.index_cast %get3A_600 : i32 to index
        %get3A_602 = arith.index_cast %mul3A_350 : i32 to index
        %get3A_603 = tpu.vector_load %arg6[%get3A_601, %get3A_602] {strides = array<i32>} : memref<256x256xf32, #tpu.memory_space<vmem>>, vector<1x16xf32>,
        %get3A_604 = vector.shape_cast %get3A_603 : vector<1x16xf32> to vector<16xf32>
        %add3A_605 = arith.addf %get3A_599, %get3A_604 : vector<16xf32>
        %max3A_606 = arith.maximumf %max3A_594, %add3A_605 : vector<16xf32>
        %get3A_607 = arith.constant 213 : i32
        %get3A_608 = arith.index_cast %get3A_607 : i32 to index
        %get3A_609 = arith.index_cast %mul3A_350 : i32 to index
        %get3A_610 = tpu.vector_load %arg6[%get3A_608, %get3A_609] {strides = array<i32>} : memref<256x256xf32, #tpu.memory_space<vmem>>, vector<1x16xf32>,
        %get3A_611 = vector.shape_cast %get3A_610 : vector<1x16xf32> to vector<16xf32>
        %get3A_612 = arith.constant 245 : i32
        %get3A_613 = arith.index_cast %get3A_612 : i32 to index
        %get3A_614 = arith.index_cast %mul3A_350 : i32 to index
        %get3A_615 = tpu.vector_load %arg6[%get3A_613, %get3A_614] {strides = array<i32>} : memref<256x256xf32, #tpu.memory_space<vmem>>, vector<1x16xf32>,
        %get3A_616 = vector.shape_cast %get3A_615 : vector<1x16xf32> to vector<16xf32>
        %add3A_617 = arith.addf %get3A_611, %get3A_616 : vector<16xf32>
        %max3A_618 = arith.maximumf %max3A_606, %add3A_617 : vector<16xf32>
        %get3A_619 = arith.constant 214 : i32
        %get3A_620 = arith.index_cast %get3A_619 : i32 to index
        %get3A_621 = arith.index_cast %mul3A_350 : i32 to index
        %get3A_622 = tpu.vector_load %arg6[%get3A_620, %get3A_621] {strides = array<i32>} : memref<256x256xf32, #tpu.memory_space<vmem>>, vector<1x16xf32>,
        %get3A_623 = vector.shape_cast %get3A_622 : vector<1x16xf32> to vector<16xf32>
        %get3A_624 = arith.constant 246 : i32
        %get3A_625 = arith.index_cast %get3A_624 : i32 to index
        %get3A_626 = arith.index_cast %mul3A_350 : i32 to index
        %get3A_627 = tpu.vector_load %arg6[%get3A_625, %get3A_626] {strides = array<i32>} : memref<256x256xf32, #tpu.memory_space<vmem>>, vector<1x16xf32>,
        %get3A_628 = vector.shape_cast %get3A_627 : vector<1x16xf32> to vector<16xf32>
        %add3A_629 = arith.addf %get3A_623, %get3A_628 : vector<16xf32>
        %max3A_630 = arith.maximumf %max3A_618, %add3A_629 : vector<16xf32>
        %get3A_631 = arith.constant 215 : i32
        %get3A_632 = arith.index_cast %get3A_631 : i32 to index
        %get3A_633 = arith.index_cast %mul3A_350 : i32 to index
        %get3A_634 = tpu.vector_load %arg6[%get3A_632, %get3A_633] {strides = array<i32>} : memref<256x256xf32, #tpu.memory_space<vmem>>, vector<1x16xf32>,
        %get3A_635 = vector.shape_cast %get3A_634 : vector<1x16xf32> to vector<16xf32>
        %get3A_636 = arith.constant 247 : i32
        %get3A_637 = arith.index_cast %get3A_636 : i32 to index
        %get3A_638 = arith.index_cast %mul3A_350 : i32 to index
        %get3A_639 = tpu.vector_load %arg6[%get3A_637, %get3A_638] {strides = array<i32>} : memref<256x256xf32, #tpu.memory_space<vmem>>, vector<1x16xf32>,
        %get3A_640 = vector.shape_cast %get3A_639 : vector<1x16xf32> to vector<16xf32>
        %add3A_641 = arith.addf %get3A_635, %get3A_640 : vector<16xf32>
        %max3A_642 = arith.maximumf %max3A_630, %add3A_641 : vector<16xf32>
        %get3A_643 = arith.constant 216 : i32
        %get3A_644 = arith.index_cast %get3A_643 : i32 to index
        %get3A_645 = arith.index_cast %mul3A_350 : i32 to index
        %get3A_646 = tpu.vector_load %arg6[%get3A_644, %get3A_645] {strides = array<i32>} : memref<256x256xf32, #tpu.memory_space<vmem>>, vector<1x16xf32>,
        %get3A_647 = vector.shape_cast %get3A_646 : vector<1x16xf32> to vector<16xf32>
        %get3A_648 = arith.constant 248 : i32
        %get3A_649 = arith.index_cast %get3A_648 : i32 to index
        %get3A_650 = arith.index_cast %mul3A_350 : i32 to index
        %get3A_651 = tpu.vector_load %arg6[%get3A_649, %get3A_650] {strides = array<i32>} : memref<256x256xf32, #tpu.memory_space<vmem>>, vector<1x16xf32>,
        %get3A_652 = vector.shape_cast %get3A_651 : vector<1x16xf32> to vector<16xf32>
        %add3A_653 = arith.addf %get3A_647, %get3A_652 : vector<16xf32>
        %max3A_654 = arith.maximumf %max3A_642, %add3A_653 : vector<16xf32>
        %get3A_655 = arith.constant 217 : i32
        %get3A_656 = arith.index_cast %get3A_655 : i32 to index
        %get3A_657 = arith.index_cast %mul3A_350 : i32 to index
        %get3A_658 = tpu.vector_load %arg6[%get3A_656, %get3A_657] {strides = array<i32>} : memref<256x256xf32, #tpu.memory_space<vmem>>, vector<1x16xf32>,
        %get3A_659 = vector.shape_cast %get3A_658 : vector<1x16xf32> to vector<16xf32>
        %get3A_660 = arith.constant 249 : i32
        %get3A_661 = arith.index_cast %get3A_660 : i32 to index
        %get3A_662 = arith.index_cast %mul3A_350 : i32 to index
        %get3A_663 = tpu.vector_load %arg6[%get3A_661, %get3A_662] {strides = array<i32>} : memref<256x256xf32, #tpu.memory_space<vmem>>, vector<1x16xf32>,
        %get3A_664 = vector.shape_cast %get3A_663 : vector<1x16xf32> to vector<16xf32>
        %add3A_665 = arith.addf %get3A_659, %get3A_664 : vector<16xf32>
        %max3A_666 = arith.maximumf %max3A_654, %add3A_665 : vector<16xf32>
        %get3A_667 = arith.constant 218 : i32
        %get3A_668 = arith.index_cast %get3A_667 : i32 to index
        %get3A_669 = arith.index_cast %mul3A_350 : i32 to index
        %get3A_670 = tpu.vector_load %arg6[%get3A_668, %get3A_669] {strides = array<i32>} : memref<256x256xf32, #tpu.memory_space<vmem>>, vector<1x16xf32>,
        %get3A_671 = vector.shape_cast %get3A_670 : vector<1x16xf32> to vector<16xf32>
        %get3A_672 = arith.constant 250 : i32
        %get3A_673 = arith.index_cast %get3A_672 : i32 to index
        %get3A_674 = arith.index_cast %mul3A_350 : i32 to index
        %get3A_675 = tpu.vector_load %arg6[%get3A_673, %get3A_674] {strides = array<i32>} : memref<256x256xf32, #tpu.memory_space<vmem>>, vector<1x16xf32>,
        %get3A_676 = vector.shape_cast %get3A_675 : vector<1x16xf32> to vector<16xf32>
        %add3A_677 = arith.addf %get3A_671, %get3A_676 : vector<16xf32>
        %max3A_678 = arith.maximumf %max3A_666, %add3A_677 : vector<16xf32>
        %get3A_679 = arith.constant 219 : i32
        %get3A_680 = arith.index_cast %get3A_679 : i32 to index
        %get3A_681 = arith.index_cast %mul3A_350 : i32 to index
        %get3A_682 = tpu.vector_load %arg6[%get3A_680, %get3A_681] {strides = array<i32>} : memref<256x256xf32, #tpu.memory_space<vmem>>, vector<1x16xf32>,
        %get3A_683 = vector.shape_cast %get3A_682 : vector<1x16xf32> to vector<16xf32>
        %get3A_684 = arith.constant 251 : i32
        %get3A_685 = arith.index_cast %get3A_684 : i32 to index
        %get3A_686 = arith.index_cast %mul3A_350 : i32 to index
        %get3A_687 = tpu.vector_load %arg6[%get3A_685, %get3A_686] {strides = array<i32>} : memref<256x256xf32, #tpu.memory_space<vmem>>, vector<1x16xf32>,
        %get3A_688 = vector.shape_cast %get3A_687 : vector<1x16xf32> to vector<16xf32>
        %add3A_689 = arith.addf %get3A_683, %get3A_688 : vector<16xf32>
        %max3A_690 = arith.maximumf %max3A_678, %add3A_689 : vector<16xf32>
        %get3A_691 = arith.constant 220 : i32
        %get3A_692 = arith.index_cast %get3A_691 : i32 to index
        %get3A_693 = arith.index_cast %mul3A_350 : i32 to index
        %get3A_694 = tpu.vector_load %arg6[%get3A_692, %get3A_693] {strides = array<i32>} : memref<256x256xf32, #tpu.memory_space<vmem>>, vector<1x16xf32>,
        %get3A_695 = vector.shape_cast %get3A_694 : vector<1x16xf32> to vector<16xf32>
        %get3A_696 = arith.constant 252 : i32
        %get3A_697 = arith.index_cast %get3A_696 : i32 to index
        %get3A_698 = arith.index_cast %mul3A_350 : i32 to index
        %get3A_699 = tpu.vector_load %arg6[%get3A_697, %get3A_698] {strides = array<i32>} : memref<256x256xf32, #tpu.memory_space<vmem>>, vector<1x16xf32>,
        %get3A_700 = vector.shape_cast %get3A_699 : vector<1x16xf32> to vector<16xf32>
        %add3A_701 = arith.addf %get3A_695, %get3A_700 : vector<16xf32>
        %max3A_702 = arith.maximumf %max3A_690, %add3A_701 : vector<16xf32>
        %get3A_703 = arith.constant 221 : i32
        %get3A_704 = arith.index_cast %get3A_703 : i32 to index
        %get3A_705 = arith.index_cast %mul3A_350 : i32 to index
        %get3A_706 = tpu.vector_load %arg6[%get3A_704, %get3A_705] {strides = array<i32>} : memref<256x256xf32, #tpu.memory_space<vmem>>, vector<1x16xf32>,
        %get3A_707 = vector.shape_cast %get3A_706 : vector<1x16xf32> to vector<16xf32>
        %get3A_708 = arith.constant 253 : i32
        %get3A_709 = arith.index_cast %get3A_708 : i32 to index
        %get3A_710 = arith.index_cast %mul3A_350 : i32 to index
        %get3A_711 = tpu.vector_load %arg6[%get3A_709, %get3A_710] {strides = array<i32>} : memref<256x256xf32, #tpu.memory_space<vmem>>, vector<1x16xf32>,
        %get3A_712 = vector.shape_cast %get3A_711 : vector<1x16xf32> to vector<16xf32>
        %add3A_713 = arith.addf %get3A_707, %get3A_712 : vector<16xf32>
        %max3A_714 = arith.maximumf %max3A_702, %add3A_713 : vector<16xf32>
        %get3A_715 = arith.constant 222 : i32
        %get3A_716 = arith.index_cast %get3A_715 : i32 to index
        %get3A_717 = arith.index_cast %mul3A_350 : i32 to index
        %get3A_718 = tpu.vector_load %arg6[%get3A_716, %get3A_717] {strides = array<i32>} : memref<256x256xf32, #tpu.memory_space<vmem>>, vector<1x16xf32>,
        %get3A_719 = vector.shape_cast %get3A_718 : vector<1x16xf32> to vector<16xf32>
        %get3A_720 = arith.constant 254 : i32
        %get3A_721 = arith.index_cast %get3A_720 : i32 to index
        %get3A_722 = arith.index_cast %mul3A_350 : i32 to index
        %get3A_723 = tpu.vector_load %arg6[%get3A_721, %get3A_722] {strides = array<i32>} : memref<256x256xf32, #tpu.memory_space<vmem>>, vector<1x16xf32>,
        %get3A_724 = vector.shape_cast %get3A_723 : vector<1x16xf32> to vector<16xf32>
        %add3A_725 = arith.addf %get3A_719, %get3A_724 : vector<16xf32>
        %max3A_726 = arith.maximumf %max3A_714, %add3A_725 : vector<16xf32>
        %get3A_727 = arith.constant 223 : i32
        %get3A_728 = arith.index_cast %get3A_727 : i32 to index
        %get3A_729 = arith.index_cast %mul3A_350 : i32 to index
        %get3A_730 = tpu.vector_load %arg6[%get3A_728, %get3A_729] {strides = array<i32>} : memref<256x256xf32, #tpu.memory_space<vmem>>, vector<1x16xf32>,
        %get3A_731 = vector.shape_cast %get3A_730 : vector<1x16xf32> to vector<16xf32>
        %get3A_732 = arith.constant 255 : i32
        %get3A_733 = arith.index_cast %get3A_732 : i32 to index
        %get3A_734 = arith.index_cast %mul3A_350 : i32 to index
        %get3A_735 = tpu.vector_load %arg6[%get3A_733, %get3A_734] {strides = array<i32>} : memref<256x256xf32, #tpu.memory_space<vmem>>, vector<1x16xf32>,
        %get3A_736 = vector.shape_cast %get3A_735 : vector<1x16xf32> to vector<16xf32>
        %add3A_737 = arith.addf %get3A_731, %get3A_736 : vector<16xf32>
        %max3A_738 = arith.maximumf %max3A_726, %add3A_737 : vector<16xf32>
        %max3A_739 = arith.constant 0.000000e+00 : f32
        %max3A_740 = vector.broadcast %max3A_739 : f32 to vector<16xf32>
        %max3A_741 = arith.maximumf %max3A_738, %max3A_740 : vector<16xf32>
        %swap3A_742 = arith.constant 7 : i32
        %swap3A_743 = arith.index_cast %swap3A_742 : i32 to index
        %swap3A_744 = arith.index_cast %mul3A_350 : i32 to index
        %swap3A_745 = tpu.vector_load %arg7[%swap3A_743, %swap3A_744] {strides = array<i32>} : memref<8x256xf32, #tpu.memory_space<vmem>>, vector<1x16xf32>,
        %swap3A_746 = vector.shape_cast %swap3A_745 : vector<1x16xf32> to vector<16xf32>
        %swap3A_747 = vector.shape_cast %max3A_741 : vector<16xf32> to vector<1x16xf32>
        tpu.vector_store %arg7[%swap3A_743, %swap3A_744], %swap3A_747 {strides = array<i32>} : memref<8x256xf32, #tpu.memory_space<vmem>>, vector<1x16xf32>,
        %scan3A_748 = arith.constant 0 : i32
        scf.yield %scan3A_748 : i32
      }
      %scan3A_321 = arith.constant 16 : i32
      %mul3A_322 = arith.constant 2 : i32
      %mul3A_323 = arith.muli %add3A_297, %mul3A_322 : i32
      %add3A_324 = arith.addi %mul3A_2, %mul3A_323 : i32
      %dma_start3A_325 = arith.constant 6 : i32
      %dma_start3A_326 = arith.constant 0 : i32
      %dma_start3A_327 = tpu.memref_slice %arg7[%dma_start3A_325, %dma_start3A_326] : memref<8x256xf32, #tpu.memory_space<vmem>> -> memref<2x256xf32, #tpu.memory_space<vmem>>
      %dma_start3A_328 = arith.constant 0 : i32
      %dma_start3A_329 = tpu.memref_slice %arg4[%add3A_324, %dma_start3A_328] : memref<10240x256xf32, #tpu.memory_space<hbm>> -> memref<2x256xf32, #tpu.memory_space<hbm>>
      %dma_start3A_330 = arith.constant 0 : i32
      %dma_start3A_331 = tpu.memref_slice %arg4[%add3A_324, %dma_start3A_330] : memref<10240x256xf32, #tpu.memory_space<hbm>> -> memref<2x256xf32, #tpu.memory_space<hbm>>
      %dma_start3A_332 = arith.constant 6 : i32
      %dma_start3A_333 = arith.constant 0 : i32
      %dma_start3A_334 = tpu.memref_slice %arg7[%dma_start3A_332, %dma_start3A_333] : memref<8x256xf32, #tpu.memory_space<vmem>> -> memref<2x256xf32, #tpu.memory_space<vmem>>
      tpu.enqueue_dma source(%dma_start3A_334 : memref<2x256xf32, #tpu.memory_space<vmem>>) target(%dma_start3A_331 : memref<2x256xf32, #tpu.memory_space<hbm>>) target_semaphore(%arg15 : memref<!tpu.dma_semaphore, #tpu.memory_space<semaphore_mem>>)
      %add3A_335 = arith.constant 4 : i32
      %add3A_336 = arith.addi %add3A_297, %add3A_335 : i32
      %mul3A_337 = arith.constant 64 : i32
      %mul3A_338 = arith.muli %add3A_336, %mul3A_337 : i32
      %dma_start3A_339 = arith.constant 192 : i32
      %dma_start3A_340 = arith.constant 0 : i32
      %dma_start3A_341 = tpu.memref_slice %arg6[%dma_start3A_339, %dma_start3A_340] : memref<256x256xf32, #tpu.memory_space<vmem>> -> memref<64x256xf32, #tpu.memory_space<vmem>>
      %dma_start3A_342 = tpu.memref_slice %arg5[%mul3A_338] : memref<10496xi32, #tpu.memory_space<vmem>> -> memref<64xi32, #tpu.memory_space<vmem>>
      %dma_start3A_343 = arith.constant 0 : i32
      %dma_start3A_344 = arith.constant 0 : i32
      %dma_start3A_345 = tpu.memref_slice %arg3[%dma_start3A_343, %dma_start3A_344] : memref<20480x256xf32, #tpu.memory_space<hbm>> -> memref<20480x256xf32, #tpu.memory_space<hbm>>
      tpu.enqueue_indirect_dma source(%dma_start3A_345 : memref<20480x256xf32, #tpu.memory_space<hbm>>) target(%dma_start3A_341 : memref<64x256xf32, #tpu.memory_space<vmem>>) offsets(%dma_start3A_342 : memref<64xi32, #tpu.memory_space<vmem>>) semaphore(%arg11 : memref<!tpu.dma_semaphore, #tpu.memory_space<semaphore_mem>>)
      %scan3A_346 = arith.constant 0 : i32
      scf.yield %scan3A_346 : i32
    }
    %scan3A_43 = arith.constant 40 : i32
    %dma_wait3A = arith.constant 0 : i32
    %dma_wait3A_44 = arith.constant 0 : i32
    %dma_wait3A_45 = tpu.memref_slice %arg6[%dma_wait3A, %dma_wait3A_44] : memref<256x256xf32, #tpu.memory_space<vmem>> -> memref<64x256xf32, #tpu.memory_space<vmem>>
    %dma_wait3A_46 = arith.constant 0 : i32
    %dma_wait3A_47 = arith.constant 0 : i32
    %dma_wait3A_48 = tpu.memref_slice %arg3[%dma_wait3A_46, %dma_wait3A_47] : memref<20480x256xf32, #tpu.memory_space<hbm>> -> memref<64x256xf32, #tpu.memory_space<hbm>>
    %dma_wait3A_49 = arith.constant 0 : i32
    %dma_wait3A_50 = arith.constant 0 : i32
    %dma_wait3A_51 = tpu.memref_slice %arg6[%dma_wait3A_49, %dma_wait3A_50] : memref<256x256xf32, #tpu.memory_space<vmem>> -> memref<64x256xf32, #tpu.memory_space<vmem>>
    %dma_wait3A_52 = arith.constant 0 : i32
    %dma_wait3A_53 = arith.constant 0 : i32
    %dma_wait3A_54 = tpu.memref_slice %arg3[%dma_wait3A_52, %dma_wait3A_53] : memref<20480x256xf32, #tpu.memory_space<hbm>> -> memref<64x256xf32, #tpu.memory_space<hbm>>
    tpu.wait_dma2 semaphore(%arg8 : memref<!tpu.dma_semaphore, #tpu.memory_space<semaphore_mem>>) src(%dma_wait3A_54 : memref<64x256xf32, #tpu.memory_space<hbm>>) dst(%dma_wait3A_51 : memref<64x256xf32, #tpu.memory_space<vmem>>)
    %dma_wait3A_55 = arith.constant 0 : i32
    %dma_wait3A_56 = arith.constant 0 : i32
    %dma_wait3A_57 = tpu.memref_slice %arg7[%dma_wait3A_55, %dma_wait3A_56] : memref<8x256xf32, #tpu.memory_space<vmem>> -> memref<2x256xf32, #tpu.memory_space<vmem>>
    %dma_wait3A_58 = arith.constant 0 : i32
    %dma_wait3A_59 = arith.constant 0 : i32
    %dma_wait3A_60 = tpu.memref_slice %arg4[%dma_wait3A_58, %dma_wait3A_59] : memref<10240x256xf32, #tpu.memory_space<hbm>> -> memref<2x256xf32, #tpu.memory_space<hbm>>
    %dma_wait3A_61 = arith.constant 0 : i32
    %dma_wait3A_62 = arith.constant 0 : i32
    %dma_wait3A_63 = tpu.memref_slice %arg7[%dma_wait3A_61, %dma_wait3A_62] : memref<8x256xf32, #tpu.memory_space<vmem>> -> memref<2x256xf32, #tpu.memory_space<vmem>>
    %dma_wait3A_64 = arith.constant 0 : i32
    %dma_wait3A_65 = arith.constant 0 : i32
    %dma_wait3A_66 = tpu.memref_slice %arg4[%dma_wait3A_64, %dma_wait3A_65] : memref<10240x256xf32, #tpu.memory_space<hbm>> -> memref<2x256xf32, #tpu.memory_space<hbm>>
    tpu.wait_dma2 semaphore(%arg12 : memref<!tpu.dma_semaphore, #tpu.memory_space<semaphore_mem>>) src(%dma_wait3A_66 : memref<2x256xf32, #tpu.memory_space<hbm>>) dst(%dma_wait3A_63 : memref<2x256xf32, #tpu.memory_space<vmem>>)
    %dma_wait3A_67 = arith.constant 64 : i32
    %dma_wait3A_68 = arith.constant 0 : i32
    %dma_wait3A_69 = tpu.memref_slice %arg6[%dma_wait3A_67, %dma_wait3A_68] : memref<256x256xf32, #tpu.memory_space<vmem>> -> memref<64x256xf32, #tpu.memory_space<vmem>>
    %dma_wait3A_70 = arith.constant 0 : i32
    %dma_wait3A_71 = arith.constant 0 : i32
    %dma_wait3A_72 = tpu.memref_slice %arg3[%dma_wait3A_70, %dma_wait3A_71] : memref<20480x256xf32, #tpu.memory_space<hbm>> -> memref<64x256xf32, #tpu.memory_space<hbm>>
    %dma_wait3A_73 = arith.constant 64 : i32
    %dma_wait3A_74 = arith.constant 0 : i32
    %dma_wait3A_75 = tpu.memref_slice %arg6[%dma_wait3A_73, %dma_wait3A_74] : memref<256x256xf32, #tpu.memory_space<vmem>> -> memref<64x256xf32, #tpu.memory_space<vmem>>
    %dma_wait3A_76 = arith.constant 0 : i32
    %dma_wait3A_77 = arith.constant 0 : i32
    %dma_wait3A_78 = tpu.memref_slice %arg3[%dma_wait3A_76, %dma_wait3A_77] : memref<20480x256xf32, #tpu.memory_space<hbm>> -> memref<64x256xf32, #tpu.memory_space<hbm>>
    tpu.wait_dma2 semaphore(%arg9 : memref<!tpu.dma_semaphore, #tpu.memory_space<semaphore_mem>>) src(%dma_wait3A_78 : memref<64x256xf32, #tpu.memory_space<hbm>>) dst(%dma_wait3A_75 : memref<64x256xf32, #tpu.memory_space<vmem>>)
    %dma_wait3A_79 = arith.constant 2 : i32
    %dma_wait3A_80 = arith.constant 0 : i32
    %dma_wait3A_81 = tpu.memref_slice %arg7[%dma_wait3A_79, %dma_wait3A_80] : memref<8x256xf32, #tpu.memory_space<vmem>> -> memref<2x256xf32, #tpu.memory_space<vmem>>
    %dma_wait3A_82 = arith.constant 0 : i32
    %dma_wait3A_83 = arith.constant 0 : i32
    %dma_wait3A_84 = tpu.memref_slice %arg4[%dma_wait3A_82, %dma_wait3A_83] : memref<10240x256xf32, #tpu.memory_space<hbm>> -> memref<2x256xf32, #tpu.memory_space<hbm>>
    %dma_wait3A_85 = arith.constant 2 : i32
    %dma_wait3A_86 = arith.constant 0 : i32
    %dma_wait3A_87 = tpu.memref_slice %arg7[%dma_wait3A_85, %dma_wait3A_86] : memref<8x256xf32, #tpu.memory_space<vmem>> -> memref<2x256xf32, #tpu.memory_space<vmem>>
    %dma_wait3A_88 = arith.constant 0 : i32
    %dma_wait3A_89 = arith.constant 0 : i32
    %dma_wait3A_90 = tpu.memref_slice %arg4[%dma_wait3A_88, %dma_wait3A_89] : memref<10240x256xf32, #tpu.memory_space<hbm>> -> memref<2x256xf32, #tpu.memory_space<hbm>>
    tpu.wait_dma2 semaphore(%arg13 : memref<!tpu.dma_semaphore, #tpu.memory_space<semaphore_mem>>) src(%dma_wait3A_90 : memref<2x256xf32, #tpu.memory_space<hbm>>) dst(%dma_wait3A_87 : memref<2x256xf32, #tpu.memory_space<vmem>>)
    %dma_wait3A_91 = arith.constant 128 : i32
    %dma_wait3A_92 = arith.constant 0 : i32
    %dma_wait3A_93 = tpu.memref_slice %arg6[%dma_wait3A_91, %dma_wait3A_92] : memref<256x256xf32, #tpu.memory_space<vmem>> -> memref<64x256xf32, #tpu.memory_space<vmem>>
    %dma_wait3A_94 = arith.constant 0 : i32
    %dma_wait3A_95 = arith.constant 0 : i32
    %dma_wait3A_96 = tpu.memref_slice %arg3[%dma_wait3A_94, %dma_wait3A_95] : memref<20480x256xf32, #tpu.memory_space<hbm>> -> memref<64x256xf32, #tpu.memory_space<hbm>>
    %dma_wait3A_97 = arith.constant 128 : i32
    %dma_wait3A_98 = arith.constant 0 : i32
    %dma_wait3A_99 = tpu.memref_slice %arg6[%dma_wait3A_97, %dma_wait3A_98] : memref<256x256xf32, #tpu.memory_space<vmem>> -> memref<64x256xf32, #tpu.memory_space<vmem>>
    %dma_wait3A_100 = arith.constant 0 : i32
    %dma_wait3A_101 = arith.constant 0 : i32
    %dma_wait3A_102 = tpu.memref_slice %arg3[%dma_wait3A_100, %dma_wait3A_101] : memref<20480x256xf32, #tpu.memory_space<hbm>> -> memref<64x256xf32, #tpu.memory_space<hbm>>
    tpu.wait_dma2 semaphore(%arg10 : memref<!tpu.dma_semaphore, #tpu.memory_space<semaphore_mem>>) src(%dma_wait3A_102 : memref<64x256xf32, #tpu.memory_space<hbm>>) dst(%dma_wait3A_99 : memref<64x256xf32, #tpu.memory_space<vmem>>)
    %dma_wait3A_103 = arith.constant 4 : i32
    %dma_wait3A_104 = arith.constant 0 : i32
    %dma_wait3A_105 = tpu.memref_slice %arg7[%dma_wait3A_103, %dma_wait3A_104] : memref<8x256xf32, #tpu.memory_space<vmem>> -> memref<2x256xf32, #tpu.memory_space<vmem>>
    %dma_wait3A_106 = arith.constant 0 : i32
    %dma_wait3A_107 = arith.constant 0 : i32
    %dma_wait3A_108 = tpu.memref_slice %arg4[%dma_wait3A_106, %dma_wait3A_107] : memref<10240x256xf32, #tpu.memory_space<hbm>> -> memref<2x256xf32, #tpu.memory_space<hbm>>
    %dma_wait3A_109 = arith.constant 4 : i32
    %dma_wait3A_110 = arith.constant 0 : i32
    %dma_wait3A_111 = tpu.memref_slice %arg7[%dma_wait3A_109, %dma_wait3A_110] : memref<8x256xf32, #tpu.memory_space<vmem>> -> memref<2x256xf32, #tpu.memory_space<vmem>>
    %dma_wait3A_112 = arith.constant 0 : i32
    %dma_wait3A_113 = arith.constant 0 : i32
    %dma_wait3A_114 = tpu.memref_slice %arg4[%dma_wait3A_112, %dma_wait3A_113] : memref<10240x256xf32, #tpu.memory_space<hbm>> -> memref<2x256xf32, #tpu.memory_space<hbm>>
    tpu.wait_dma2 semaphore(%arg14 : memref<!tpu.dma_semaphore, #tpu.memory_space<semaphore_mem>>) src(%dma_wait3A_114 : memref<2x256xf32, #tpu.memory_space<hbm>>) dst(%dma_wait3A_111 : memref<2x256xf32, #tpu.memory_space<vmem>>)
    %dma_wait3A_115 = arith.constant 192 : i32
    %dma_wait3A_116 = arith.constant 0 : i32
    %dma_wait3A_117 = tpu.memref_slice %arg6[%dma_wait3A_115, %dma_wait3A_116] : memref<256x256xf32, #tpu.memory_space<vmem>> -> memref<64x256xf32, #tpu.memory_space<vmem>>
    %dma_wait3A_118 = arith.constant 0 : i32
    %dma_wait3A_119 = arith.constant 0 : i32
    %dma_wait3A_120 = tpu.memref_slice %arg3[%dma_wait3A_118, %dma_wait3A_119] : memref<20480x256xf32, #tpu.memory_space<hbm>> -> memref<64x256xf32, #tpu.memory_space<hbm>>
    %dma_wait3A_121 = arith.constant 192 : i32
    %dma_wait3A_122 = arith.constant 0 : i32
    %dma_wait3A_123 = tpu.memref_slice %arg6[%dma_wait3A_121, %dma_wait3A_122] : memref<256x256xf32, #tpu.memory_space<vmem>> -> memref<64x256xf32, #tpu.memory_space<vmem>>
    %dma_wait3A_124 = arith.constant 0 : i32
    %dma_wait3A_125 = arith.constant 0 : i32
    %dma_wait3A_126 = tpu.memref_slice %arg3[%dma_wait3A_124, %dma_wait3A_125] : memref<20480x256xf32, #tpu.memory_space<hbm>> -> memref<64x256xf32, #tpu.memory_space<hbm>>
    tpu.wait_dma2 semaphore(%arg11 : memref<!tpu.dma_semaphore, #tpu.memory_space<semaphore_mem>>) src(%dma_wait3A_126 : memref<64x256xf32, #tpu.memory_space<hbm>>) dst(%dma_wait3A_123 : memref<64x256xf32, #tpu.memory_space<vmem>>)
    %dma_wait3A_127 = arith.constant 6 : i32
    %dma_wait3A_128 = arith.constant 0 : i32
    %dma_wait3A_129 = tpu.memref_slice %arg7[%dma_wait3A_127, %dma_wait3A_128] : memref<8x256xf32, #tpu.memory_space<vmem>> -> memref<2x256xf32, #tpu.memory_space<vmem>>
    %dma_wait3A_130 = arith.constant 0 : i32
    %dma_wait3A_131 = arith.constant 0 : i32
    %dma_wait3A_132 = tpu.memref_slice %arg4[%dma_wait3A_130, %dma_wait3A_131] : memref<10240x256xf32, #tpu.memory_space<hbm>> -> memref<2x256xf32, #tpu.memory_space<hbm>>
    %dma_wait3A_133 = arith.constant 6 : i32
    %dma_wait3A_134 = arith.constant 0 : i32
    %dma_wait3A_135 = tpu.memref_slice %arg7[%dma_wait3A_133, %dma_wait3A_134] : memref<8x256xf32, #tpu.memory_space<vmem>> -> memref<2x256xf32, #tpu.memory_space<vmem>>
    %dma_wait3A_136 = arith.constant 0 : i32
    %dma_wait3A_137 = arith.constant 0 : i32
    %dma_wait3A_138 = tpu.memref_slice %arg4[%dma_wait3A_136, %dma_wait3A_137] : memref<10240x256xf32, #tpu.memory_space<hbm>> -> memref<2x256xf32, #tpu.memory_space<hbm>>
    tpu.wait_dma2 semaphore(%arg15 : memref<!tpu.dma_semaphore, #tpu.memory_space<semaphore_mem>>) src(%dma_wait3A_138 : memref<2x256xf32, #tpu.memory_space<hbm>>) dst(%dma_wait3A_135 : memref<2x256xf32, #tpu.memory_space<vmem>>)
    return
  }
}

module attributes {stable_mosaic.version = 14 : i64} {
  func.func @body(%arg0: i32, %arg1: i32, %arg2: memref<256x1024xf32, #tpu.memory_space<vmem>>, %arg3: memref<256x512xf32, #tpu.memory_space<vmem>>, %arg4: memref<1x256xf32, #tpu.memory_space<vmem>>, %arg5: memref<1024x256xf32, #tpu.memory_space<vmem>>) attributes {dimension_semantics = [#tpu.dimension_semantics<arbitrary>, #tpu.dimension_semantics<arbitrary>], iteration_bounds = array<i64: 2, 10>, scalar_prefetch = 0 : i64, scratch_operands = 0 : i64, tpu.core_type = #tpu.core_type<tc>, window_params = [{transform_indices = @transform_0, window_bounds = array<i64: 256, 1024>}, {pipeline_mode = #tpu.pipeline_mode<synchronous>, transform_indices = @transform_1, window_bounds = array<i64: 256, 512>}, {pipeline_mode = #tpu.pipeline_mode<synchronous>, transform_indices = @transform_2, window_bounds = array<i64: 1, 256>}, {transform_indices = @transform_3, window_bounds = array<i64: 1024, 256>}]} {
    %get3A = arith.constant 0 : index
    %get3A_0 = arith.constant 0 : index
    %get3A_1 = vector.load %arg2[%get3A, %get3A_0] : memref<256x1024xf32, #tpu.memory_space<vmem>>, vector<256x1024xf32>
    %get3A_2 = arith.constant 0 : index
    %get3A_3 = arith.constant 0 : index
    %get3A_4 = vector.load %arg3[%get3A_2, %get3A_3] : memref<256x512xf32, #tpu.memory_space<vmem>>, vector<256x256xf32>
    %get3A_5 = arith.constant 0 : index
    %get3A_6 = arith.constant 256 : index
    %get3A_7 = vector.load %arg3[%get3A_5, %get3A_6] : memref<256x512xf32, #tpu.memory_space<vmem>>, vector<256x256xf32>
    %eq3A = arith.constant 0 : i32
    %eq3A_8 = arith.cmpi eq, %arg0, %eq3A : i32
    %sub3A = arith.subf %get3A_4, %get3A_7 : vector<256x256xf32>
    %select_n3A = arith.select %eq3A_8, %sub3A, %get3A_7 : vector<256x256xf32>
    %eq3A_9 = arith.constant 0 : i32
    %eq3A_10 = arith.cmpi eq, %arg0, %eq3A_9 : i32
    %get3A_11 = arith.constant 0 : index
    %get3A_12 = arith.constant 0 : index
    %get3A_13 = vector.load %arg4[%get3A_11, %get3A_12] : memref<1x256xf32, #tpu.memory_space<vmem>>, vector<1x256xf32>
    %get3A_14 = vector.shape_cast %get3A_13 : vector<1x256xf32> to vector<256xf32>
    %jit3A = arith.constant 0.000000e+00 : f32
    %broadcast_in_dim3A = vector.broadcast %jit3A : f32 to vector<256xf32>
    %select_n3A_15 = arith.select %eq3A_10, %get3A_14, %broadcast_in_dim3A : vector<256xf32>
    %dot_general3A = arith.constant dense<0.000000e+00> : vector<1024x256xf32>
    %dot_general3A_16 = tpu.matmul %get3A_1, %select_n3A, %dot_general3A {dimension_numbers = #tpu.dot_dimension_numbers<[0], [1], [1], [0], [0, 1, 1, 0], [], []>, transpose_lhs_hint = false} : vector<256x1024xf32>, vector<256x256xf32>, vector<1024x256xf32> -> vector<1024x256xf32>
    %broadcast_in_dim3A_17 = vector.shape_cast %select_n3A_15 : vector<256xf32> to vector<1x256xf32>
    %add3A = vector.broadcast %broadcast_in_dim3A_17 : vector<1x256xf32> to vector<1024x256xf32>
    %add3A_18 = arith.addf %dot_general3A_16, %add3A : vector<1024x256xf32>
    %swap3A = arith.constant 0 : index
    %swap3A_19 = arith.constant 0 : index
    %swap3A_20 = vector.load %arg5[%swap3A, %swap3A_19] : memref<1024x256xf32, #tpu.memory_space<vmem>>, vector<1024x256xf32>
    tpu.vector_store %arg5[%swap3A, %swap3A_19], %add3A_18 {strides = array<i32>} : memref<1024x256xf32, #tpu.memory_space<vmem>>, vector<1024x256xf32>,
    return
  }
  func.func @transform_0(%arg0: i32, %arg1: i32) -> (i32, i32) {
    %c0_i32 = arith.constant 0 : i32
    %c0_i32_0 = arith.constant 0 : i32
    return %c0_i32, %arg1 : i32, i32
  }
  func.func @transform_1(%arg0: i32, %arg1: i32) -> (i32, i32) {
    %c0_i32 = arith.constant 0 : i32
    %c0_i32_0 = arith.constant 0 : i32
    %c0_i32_1 = arith.constant 0 : i32
    return %c0_i32, %c0_i32_0 : i32, i32
  }
  func.func @transform_2(%arg0: i32, %arg1: i32) -> (i32, i32) {
    %c0_i32 = arith.constant 0 : i32
    %c0_i32_0 = arith.constant 0 : i32
    %c0_i32_1 = arith.constant 0 : i32
    return %c0_i32, %c0_i32_0 : i32, i32
  }
  func.func @transform_3(%arg0: i32, %arg1: i32) -> (i32, i32) {
    %mul3A = arith.constant 10 : i32
    %mul3A_0 = arith.muli %arg0, %mul3A : i32
    %add3A = arith.addi %mul3A_0, %arg1 : i32
    %c0_i32 = arith.constant 0 : i32
    %c0_i32_1 = arith.constant 0 : i32
    return %add3A, %c0_i32 : i32, i32
  }
}

</mosaic_0001>

<sc_bundles>
// kernel: kernel.4.cloned.1.call-start
scs
__scs_entry_jumppad:
0x0: {  	(pc) =	sbr.rel $0x88, $3  }
0x1: {  	(tag) =	ssettag $0x0;
	lr =	simm.s32 $0x1  }
0x2: {  	[smem:$0x3F9D] =	sst lr;
	_ =	strace $0xD0000000  }
0x3: {  	_ = 	snop  }
0x4: {  	_ = 	snop  }
0x5: {  	_ = 	snop  }
0x6: {  	_ = 	snop  }
0x7: {  	_ = 	snop  }
__scs_overlays_trampoline_lowered:
0x8: {  	[smem:$0x3FAC] =	sst s0  }
0x9: {  	[smem:$0x3FAD] =	sst s1  }
0xa: {  	[smem:$0x3FAE] =	sst s2  }
0xb: {  	[smem:$0x3FAF] =	sst s3  }
0xc: {  	[smem:$0x3FB0] =	sst s4  }
0xd: {  	[smem:$0x3FB1] =	sst s5  }
0xe: {  	[smem:$0x3FB2] =	sst s6  }
0xf: {  	[smem:$0x3FB3] =	sst s7  }
0x10: {  	[smem:$0x3FB4] =	sst s8  }
0x11: {  	[smem:$0x3FB5] =	sst s9;
	s0 =	simm.s32 @!p0 $0x0  }
0x12: {  	s1 =	sld [smem:$0x3F9B];
	s0 =	simm.s32 @p0 $0x1  }
0x13: {  	[smem:$0x3FB6] =	sst s0;
	s0 =	simm.s32 @!p1 $0x0  }
0x14: {  	s2 =	sld [smem:$0x3F9A];
	s0 =	simm.s32 @p1 $0x1  }
0x15: {  	[smem:$0x3FB7] =	sst s0;
	s0 =	simm.s32 @!p2 $0x0  }
0x16: {  	s3 =	sld [smem:$0x3FDB];
	s0 =	simm.s32 @p2 $0x1  }
0x17: {  	s4 =	simm.s32 $0x1BF5;
	[smem:$0x3FB9] =	sst s0  }
0x18: {  	s0 =	sld [smem:$0x3F9C];
	_ =	swait.ge [sflag:s4], $0x0  }
0x19: {  	s7 =	sld [smem:$0x3F9D]  }
0x1a: {  	s8 =	sadd.s32 $0xFFFFE003, lr  }
0x1b: {  	s9 =	sadd.s32 $0xFFFFFEF7, lr;
	s5 =	simm.s32 $0xFFFFFFFF;
	p2 =	slt.u32 s8, $0xFFFFF086  }
0x1c: {  	p1 =	slt.u32 s9, $0xF7A;
	s5 =	simm.s32 @!p2 $0x0  }
0x1d: {  	s5 =	simm.s32 @p1 $0x1;
	p0 =	seq.s32 s7, s2  }
0x1e: {  	s7 =	smul.u32 @!p0 $0xF7A, s2;
	p2 =	seq.s32 @!p0 s5, $0x0  }
0x1f: {  	s9 =	smul.u32 $0xF7A, s1;
	s8 =	simm.s32 @!p0 $0x1BF5;
	p2 =	por !p2, p0  }
0x20: {  	[sflag:s8] =	ssyncset.s32 @!p0 $0xFFFFF086;
	s6 =	sadd.s32 @!p0 s3, s7;
	s7 =	simm.s32 @!p0 $0x108  }
0x21: {  	s3 =	sadd.s32 s3, s9;
	s6 =	sadd.s32 @!p0 $0x88, s6;
	s7 =	simm.s32 @p2 $0x1082  }
0x22: {  	[simem:s7], [sflag:s8] =	dma.local @!p0 [hbm:s6], $0xF7A  }
0x23: {  	s9 =	sor.u32 $0xD0000000, s2;
	s6 =	simm.s32 $0x108;
	_ =	swait.ge @!p0 [sflag:s8], $0x0  }
0x24: {  	s3 =	sadd.s32 $0x88, s3;
	s6 =	simm.s32 @!p1 $0x1082;
	[sflag:s4] =	ssyncset.s32 $0xFFFFF086  }
0x25: {  	[simem:s6], [sflag:s4] =	dma.local [hbm:s3], $0xF7A  }
0x26: {  	[smem:$0x3F9D] =	sst s1;
	(tag) =	ssettag s2;
	_ =	strace s9  }
0x27: {  	s1 =	sld [smem:$0x3FAD]  }
0x28: {  	s2 =	sld [smem:$0x3FAE]  }
0x29: {  	s4 =	sld [smem:$0x3FB0]  }
0x2a: {  	p0 =	seq.s32 s5, $0x0;
	s5 =	sld [smem:$0x3FB1]  }
0x2b: {  	s6 =	sld [smem:$0x3FB2]  }
0x2c: {  	s7 =	sld [smem:$0x3FB3]  }
0x2d: {  	s3 =	simm.s32 $0x108;
	s8 =	sld [smem:$0x3FB4]  }
0x2e: {  	s3 =	simm.s32 @!p0 $0x1082;
	s9 =	sld [smem:$0x3FB5]  }
0x2f: {  	lr =	sadd.s32 s0, s3;
	s0 =	sld [smem:$0x3FAC]  }
0x30: {  	s3 =	sld [smem:$0x3FAF]  }
0x31: {  	[smem:$0x3FB8] =	sst s10  }
0x32: {  	s10 =	sld [smem:$0x3FB6];
	_ =	sdelay $0x3  }
0x33: {  	p0 =	seq.s32 s10, $0x1;
	s10 =	sld [smem:$0x3FB8];
	_ =	sdelay $0x3  }
0x34: {  	[smem:$0x3FB8] =	sst s10  }
0x35: {  	s10 =	sld [smem:$0x3FB7];
	_ =	sdelay $0x3  }
0x36: {  	p1 =	seq.s32 s10, $0x1;
	s10 =	sld [smem:$0x3FB8];
	_ =	sdelay $0x3  }
0x37: {  	[smem:$0x3FB8] =	sst s10  }
0x38: {  	s10 =	sld [smem:$0x3FB9]  }
0x39: {  	_ = 	snop;
	(pc) =	sbr.ind lr, $3  }
0x3a: {  	_ = 	snop  }
0x3b: {  	_ = 	snop  }
0x3c: {  	p2 =	seq.s32 s10, $0x1;
	s10 =	sld [smem:$0x3FB8]  }
0x3d: {  	_ =	shalt  }
0x3e: {  	_ =	shalt  }
0x3f: {  	_ =	shalt  }
0x40: {  	_ =	shalt  }
0x41: {  	_ =	shalt  }
0x42: {  	_ =	shalt  }
0x43: {  	_ =	shalt  }
0x44: {  	_ =	shalt  }
0x45: {  	_ =	shalt  }
0x46: {  	_ =	shalt  }
0x47: {  	_ =	shalt  }
0x48: {  	_ =	shalt  }
0x49: {  	_ =	shalt  }
0x4a: {  	_ =	shalt  }
0x4b: {  	_ =	shalt  }
0x4c: {  	_ =	shalt  }
0x4d: {  	_ =	shalt  }
0x4e: {  	_ =	shalt  }
0x4f: {  	_ =	shalt  }
0x50: {  	_ =	shalt  }
0x51: {  	_ =	shalt  }
0x52: {  	_ =	shalt  }
0x53: {  	_ =	shalt  }
0x54: {  	_ =	shalt  }
0x55: {  	_ =	shalt  }
0x56: {  	_ =	shalt  }
0x57: {  	_ =	shalt  }
0x58: {  	_ =	shalt  }
0x59: {  	_ =	shalt  }
0x5a: {  	_ =	shalt  }
0x5b: {  	_ =	shalt  }
0x5c: {  	_ =	shalt  }
0x5d: {  	_ =	shalt  }
0x5e: {  	_ =	shalt  }
0x5f: {  	_ =	shalt  }
0x60: {  	_ =	shalt  }
0x61: {  	_ =	shalt  }
0x62: {  	_ =	shalt  }
0x63: {  	_ =	shalt  }
0x64: {  	_ =	shalt  }
0x65: {  	_ =	shalt  }
0x66: {  	_ =	shalt  }
0x67: {  	_ =	shalt  }
0x68: {  	_ =	shalt  }
0x69: {  	_ =	shalt  }
0x6a: {  	_ =	shalt  }
0x6b: {  	_ =	shalt  }
0x6c: {  	_ =	shalt  }
0x6d: {  	_ =	shalt  }
0x6e: {  	_ =	shalt  }
0x6f: {  	_ =	shalt  }
0x70: {  	_ =	shalt  }
0x71: {  	_ =	shalt  }
0x72: {  	_ =	shalt  }
0x73: {  	_ =	shalt  }
0x74: {  	_ =	shalt  }
0x75: {  	_ =	shalt  }
0x76: {  	_ =	shalt  }
0x77: {  	_ =	shalt  }
0x78: {  	_ =	shalt  }
0x79: {  	_ =	shalt  }
0x7a: {  	_ =	shalt  }
0x7b: {  	_ =	shalt  }
0x7c: {  	_ =	shalt  }
0x7d: {  	_ =	shalt  }
0x7e: {  	_ =	shalt  }
0x7f: {  	_ =	shalt  }
0x80: {  	_ =	shalt  }
0x81: {  	_ =	shalt  }
0x82: {  	_ =	shalt  }
0x83: {  	_ =	shalt  }
0x84: {  	_ =	shalt  }
0x85: {  	_ =	shalt  }
0x86: {  	_ =	shalt  }
0x87: {  	_ =	shalt  }
.Lfunc_end0:
.L_simem_size_0:
called_computation_lowered:
.L_overlay_start_0:
0x88: {  	s2 =	sld [smem:$0x3FD9]  }
0x89: {  	s3 =	sld [smem:$0x3FFE];
	_ =	sdelay $0x1  }
0x8a: {  	s1 =	srdreg.scid  }
0x8b: {  	s0 =	sand.u32 $0x1, s1  }
0x8c: {  	s17 =	sshll.u32 s0, $0xA;
	s2 =	sadd.s32 s3, s2  }
0x8d: {  	s2 =	sadd.s32 s2, s17  }
0x8e: {  	[smem:$0x3FC4] =	sst s2  }
0x8f: {  	_ = 	snop  }
0x90: {  	s2 =	sld [smem:$0x3FD0];
	(tm) =	ssettm $0x1  }
0x91: {  	s18 =	sld [smem:$0x3FFB];
	_ =	sdelay $0x3  }
0x92: {  	_ =	strace s18  }
0x93: {  	s3 =	sld [smem:$0x3FFC];
	_ =	sdelay $0x3  }
0x94: {  	_ =	strace s3  }
0x95: {  	s3 =	sld [smem:$0x3FFD];
	_ =	sdelay $0x3  }
0x96: {  	_ =	strace s3  }
0x97: {  	_ =	strace $0x8FFFFFFF  }
0x98: {  	s19 =	sld [smem:$0x3FDB];
	_ =	sdelay $0x1  }
0x99: {  	s4 =	simm.s32 $_scs_section_size  }
0x9a: {  	s5 =	simm.s32 $_size__tile_overlayer_lowered;
	s6 =	simm.s32 $_tile_overlayer_lowered  }
0x9b: {  	s22 =	simm.s32 $0x1BFF;
	s21 =	sshll.u32 s6, $0x1;
	s3 =	sadd.s32 s4, s19  }
0x9c: {  	s7 =	simm.s32 $0x0;
	s20 =	sshll.u32 s5, $0x1;
	s5 =	sadd.s32 s21, s3  }
0x9d: {  	[timem:s7], [sflag:s22] =	dma.local [hbm:s5], s20  }
0x9e: {  	_ =	swait.ge [sflag:s22], s20  }
0x9f: {  	s4 =	ssub.s32 $0x0, s20;
	[sflag:s22] =	ssyncset.done $0x0  }
0xa0: {  	[sflag:s22] =	ssyncadd.s32 s4;
	_ =	sdelay $0x1  }
0xa1: {  	s23 =	simm.s32 $0x1B8B  }
0xa2: {  	_ =	swait.ge [sflag:s23], $0x1  }
0xa3: {  	[sflag:s23] =	ssyncset.done $0x0  }
0xa4: {  	s25 =	simm.s32 $0x1B8E;
	s24 =	sld [smem:$0x3FFE];
	[sflag:s23] =	ssyncadd.s32 $0xFFFFFFFF  }
0xa5: {  	s26 =	simm.s32 $execute0_lowered;
	[smem:$0x3FD2] =	sst s25  }
0xa6: {  	s5 =	sshll.u32 s26, $0x1;
	_ =	strace $0x80000046;
	[dreg:$0x1] =	wrdreg $0xFFFFFFFF  }
0xa7: {  	s28 =	simm.s32 $_size_execute0_lowered;
	s3 =	sadd.s32 s3, s5;
	[dreg:$0x0] =	wrdreg $0x0  }
0xa8: {  	s5 =	sshll.u32 s28, $0x1;
	[dreg:$0x2] =	wrdreg s3  }
0xa9: {  	[dreg:$0x3] =	wrdreg s5  }
0xaa: {  	[dreg:$0x4] =	wrdreg $0xC0  }
0xab: {  	_ =	task [dreg:s7], $0x5FFFF  }
0xac: {  	[dreg:$0x1] =	wrdreg $0xFFFFFFFF  }
0xad: {  	[dreg:$0x0] =	wrdreg $0x60  }
0xae: {  	[dreg:$0x2] =	wrdreg s2  }
0xaf: {  	[dreg:$0x3] =	wrdreg s24  }
0xb0: {  	[dreg:$0x4] =	wrdreg $0x9  }
0xb1: {  	_ =	task.clear_ibuf [dreg:s7], $0x5FFFF;
	_ =	strace $0x90000046  }
0xb2: {  	s29 =	simm.s32 $0x9;
	_ =	strace $0x80000048  }
0xb3: {  	_ =	swait.ge [sflag:s29], $0x1  }
0xb4: {  	[sflag:s29] =	ssyncadd.s32 $0xFFFFFFFF  }
0xb5: {  	_ =	strace $0x90000048  }
0xb6: {  	_ =	sfence  }
0xb7: {  	s30 =	sld [smem:$0x0];
	_ =	sdelay $0x2  }
0xb8: {  	s31 =	sshll.u32 s1, $0xD;
	s1 =	sshrl.u32 s1, $0x2  }
0xb9: {  	s3 =	sand.u32 $0x4000, s31;
	s1 =	sadd.s32 s1, s30  }
0xba: {  	s0 =	sor.u32 s3, s0;
	s1 =	sshll.u32 s1, $0x11  }
0xbb: {  	s0 =	sor.u32 s1, s0  }
0xbc: {  	s0 =	sadd.s32 $0x8F2B, s0  }
0xbd: {  	[sflag:s0] =	ssyncadd.remote.s32 $0x1  }
0xbe: {  	_ =	sfence.sel $0xFFFF  }
0xbf: {  	[dreg:$0x0] =	wrdreg $0xFFFFFFFF;
	(pc) =	sbr.abs _section_cstart, $3  }
0xc0: {  	[dreg:$0x1] =	wrdreg $0xFFFFFFFF  }
0xc1: {  	_ =	task.clear_ibuf [dreg:s7], $0x2FFFF;
	_ =	strace $0x9FFFFFFF  }
0xc2: {  	(tm) =	ssettm $0x7FFFFFFF  }
0xc3: {  	_ =	shalt  }
tec
execute0_lowered:
.L_overlay_start_1:
0x0: {  	(tag) =	ssettag $0x1  }
0x1: {  	s0 =	rddreg [dreg:$0x0]  }
0x2: {  	s1 =	rddreg [dreg:$0x1];
	s3 =	srdreg.scid  }
0x3: {  	s4 =	stileid.u32;
	s2 =	simm.s32 $0x0;
	s13 =	simm.s32 $0xE100  }
0x4: {  	s14 =	simm.s32 $0xE900;
	s15 =	simm.s32 $0xF100;
	s16 =	simm.s32 $0xF900  }
0x5: {  	s17 =	simm.s32 $0x10100;
	s18 =	simm.s32 $0x10900;
	s19 =	simm.s32 $0x11100  }
0x6: {  	s20 =	simm.s32 $0x11900;
	s21 =	simm.s32 $0x12100;
	s22 =	simm.s32 $0x1  }
0x7: {  	s23 =	simm.s32 $0x2;
	s24 =	simm.s32 $0x3;
	s25 =	simm.s32 $0x4  }
0x8: {  	s3 =	sand.u32 $0x1, s3;
	s4 =	sshll.u32 s4, $0x1;
	[smem:$0x7FF] =	sst s2  }
0x9: {  	s8 =	sadd.s32 $0xA1640, s1;
	s9 =	sadd.s32 $0xA1660, s1;
	s10 =	sor.u32 s3, s4  }
0xa: {  	s5 =	ssub.s32 $0x2, s3;
	_ =	strace $0x80000047;
	s7 =	smul.u32 $0x500, s10  }
0xb: {  	s3 =	sadd.s32 $0x1600, s1;
	s4 =	sadd.s32 $0xA1600, s1;
	s6 =	sshrl.u32 s5, $0x1  }
0xc: {  	v2 =	vlaneseq.u32;
	s11 =	smul.u32 $0x2800, s10;
	s5 =	ssub.s32 s5, s6;
	s0 =	sadd.s32 s0, s7  }
0xd: {  	vm0 =	vmmov $0xffff;
	v1 =	vshrl.u32 v2, $0x3;
	s6 =	smul.u32 $0x28, s10;
	s31 =	smax.u32 s5, $0x1;
	[dreg:$0x3] =	wrdreg s0  }
0xe: {  	v0 =	vand.u32 $0x7, v2;
	v2 =	vor.u32 $0x8, v2;
	v1 =	vmul.u32 $0x8, v1;
	s7 =	sadd.s32 $0xA1620, s1;
	s5 =	simm.s32 $0x0;
	[dreg:$0x4] =	wrdreg s31  }
.LBB2_1:
0xf: {  	[dreg:$0x5] =	wrdreg s5  }
0x10: {  	s0 =	rddreg [dreg:$0x3];
	s12 =	simm.s32 $0x9  }
0x11: {  	[tilespmem:s2], [sflag:$0x9] =	stream.linear.gather [hbm4b:s0+s2], $0x2900, $0x38;
	[tilespmem:$0x13100] =	vst v63  }
0x12: {  	_ =	swait.ge [sflag:s12], $0x2900  }
0x13: {  	[sflag:s12] =	ssyncset.done $0x0  }
0x14: {  	[sflag:s12] =	ssyncadd.s32 $0xFFFFD700  }
0x15: {  	v3 =	vld [tilespmem:$0x0];
	_ =	sdelay $0x4  }
0x16: {  	v4 =	vshll.u32 v3, $0x1  }
0x17: {  	v3 =	vand.u32 $0x7, v3;
	v4 =	vand.u32 $0xFFFFFFF0, v4  }
0x18: {  	v3 =	vor.u32 v3, v4  }
0x19: {  	v4 =	vperm.xlane v3, v0;
	_ =	sdelay $0x1  }
0x1a: {  	v3 =	vperm.xlane v3, v2;
	v4 =	vadd.s32 v1, v4;
	_ =	sdelay $0x1  }
0x1b: {  	v3 =	vadd.s32 v1, v3;
	_ =	sdelay $0x1  }
0x1c: {  	s26 =	simm.s32 $0x2900  }
0x1d: {  	[tilespmem:s26], [sflag:$0x1] =	stream.indirect_vreg.gather [hbm4b:s3+s2], $0x80, v4, vm0, $0xb8;
	[tilespmem:$0x13100] =	vst v63  }
0x1e: {  	s28 =	simm.s32 $0x3100  }
0x1f: {  	[tilespmem:s28], [sflag:$0x1] =	stream.indirect_vreg.gather [hbm4b:s3+s2], $0x80, v3, vm0, $0xb8;
	[tilespmem:$0x13100] =	vst v63  }
0x20: {  	v3 =	vld [tilespmem:$0x10];
	_ =	sdelay $0x4  }
0x21: {  	v49 =	vshll.u32 v3, $0x1  }
0x22: {  	v3 =	vand.u32 $0x7, v3;
	v4 =	vand.u32 $0xFFFFFFF0, v49  }
0x23: {  	v3 =	vor.u32 v3, v4  }
0x24: {  	v4 =	vperm.xlane v3, v0;
	_ =	sdelay $0x1  }
0x25: {  	v3 =	vperm.xlane v3, v2;
	v4 =	vadd.s32 v1, v4;
	_ =	sdelay $0x1  }
0x26: {  	v3 =	vadd.s32 v1, v3;
	_ =	sdelay $0x1  }
0x27: {  	s29 =	simm.s32 $0x3900  }
0x28: {  	[tilespmem:s29], [sflag:$0x1] =	stream.indirect_vreg.gather [hbm4b:s3+s2], $0x80, v4, vm0, $0xb8;
	[tilespmem:$0x13100] =	vst v63  }
0x29: {  	s30 =	simm.s32 $0x4100  }
0x2a: {  	[tilespmem:s30], [sflag:$0x1] =	stream.indirect_vreg.gather [hbm4b:s3+s2], $0x80, v3, vm0, $0xb8;
	[tilespmem:$0x13100] =	vst v63  }
0x2b: {  	v3 =	vld [tilespmem:$0x20];
	_ =	sdelay $0x4  }
0x2c: {  	v50 =	vshll.u32 v3, $0x1  }
0x2d: {  	v3 =	vand.u32 $0x7, v3;
	v4 =	vand.u32 $0xFFFFFFF0, v50  }
0x2e: {  	v3 =	vor.u32 v3, v4  }
0x2f: {  	v4 =	vperm.xlane v3, v0;
	_ =	sdelay $0x1  }
0x30: {  	v3 =	vperm.xlane v3, v2;
	v4 =	vadd.s32 v1, v4;
	_ =	sdelay $0x1  }
0x31: {  	v3 =	vadd.s32 v1, v3;
	_ =	sdelay $0x1  }
0x32: {  	s31 =	simm.s32 $0x4900  }
0x33: {  	[tilespmem:s31], [sflag:$0x1] =	stream.indirect_vreg.gather [hbm4b:s3+s2], $0x80, v4, vm0, $0xb8;
	[tilespmem:$0x13100] =	vst v63  }
0x34: {  	s1 =	simm.s32 $0x5100  }
0x35: {  	[tilespmem:s1], [sflag:$0x1] =	stream.indirect_vreg.gather [hbm4b:s3+s2], $0x80, v3, vm0, $0xb8;
	[tilespmem:$0x13100] =	vst v63  }
0x36: {  	v3 =	vld [tilespmem:$0x30];
	_ =	sdelay $0x4  }
0x37: {  	v51 =	vshll.u32 v3, $0x1  }
0x38: {  	v3 =	vand.u32 $0x7, v3;
	v4 =	vand.u32 $0xFFFFFFF0, v51  }
0x39: {  	v3 =	vor.u32 v3, v4  }
0x3a: {  	v4 =	vperm.xlane v3, v0;
	_ =	sdelay $0x1  }
0x3b: {  	v3 =	vperm.xlane v3, v2;
	v4 =	vadd.s32 v1, v4;
	_ =	sdelay $0x1  }
0x3c: {  	v3 =	vadd.s32 v1, v3;
	_ =	sdelay $0x1  }
0x3d: {  	s5 =	simm.s32 $0x5900  }
0x3e: {  	[tilespmem:s5], [sflag:$0x1] =	stream.indirect_vreg.gather [hbm4b:s3+s2], $0x80, v4, vm0, $0xb8;
	[tilespmem:$0x13100] =	vst v63  }
0x3f: {  	s10 =	simm.s32 $0x6100  }
0x40: {  	[tilespmem:s10], [sflag:$0x1] =	stream.indirect_vreg.gather [hbm4b:s3+s2], $0x80, v3, vm0, $0xb8;
	[tilespmem:$0x13100] =	vst v63  }
0x41: {  	v3 =	vld [tilespmem:$0x40];
	_ =	sdelay $0x4  }
0x42: {  	v52 =	vshll.u32 v3, $0x1  }
0x43: {  	v3 =	vand.u32 $0x7, v3;
	v4 =	vand.u32 $0xFFFFFFF0, v52  }
0x44: {  	v3 =	vor.u32 v3, v4  }
0x45: {  	v4 =	vperm.xlane v3, v0;
	_ =	sdelay $0x1  }
0x46: {  	v3 =	vperm.xlane v3, v2;
	v4 =	vadd.s32 v1, v4;
	_ =	sdelay $0x1  }
0x47: {  	v3 =	vadd.s32 v1, v3;
	_ =	sdelay $0x1  }
0x48: {  	s12 =	simm.s32 $0x6900  }
0x49: {  	[tilespmem:s12], [sflag:$0x2] =	stream.indirect_vreg.gather [hbm4b:s3+s2], $0x80, v4, vm0, $0xb8;
	[tilespmem:$0x13100] =	vst v63  }
0x4a: {  	s26 =	simm.s32 $0x7100  }
0x4b: {  	[tilespmem:s26], [sflag:$0x2] =	stream.indirect_vreg.gather [hbm4b:s3+s2], $0x80, v3, vm0, $0xb8;
	[tilespmem:$0x13100] =	vst v63  }
0x4c: {  	v3 =	vld [tilespmem:$0x50];
	_ =	sdelay $0x4  }
0x4d: {  	v53 =	vshll.u32 v3, $0x1  }
0x4e: {  	v3 =	vand.u32 $0x7, v3;
	v4 =	vand.u32 $0xFFFFFFF0, v53  }
0x4f: {  	v3 =	vor.u32 v3, v4  }
0x50: {  	v4 =	vperm.xlane v3, v0;
	_ =	sdelay $0x1  }
0x51: {  	v3 =	vperm.xlane v3, v2;
	v4 =	vadd.s32 v1, v4;
	_ =	sdelay $0x1  }
0x52: {  	v3 =	vadd.s32 v1, v3;
	_ =	sdelay $0x1  }
0x53: {  	s28 =	simm.s32 $0x7900  }
0x54: {  	[tilespmem:s28], [sflag:$0x2] =	stream.indirect_vreg.gather [hbm4b:s3+s2], $0x80, v4, vm0, $0xb8;
	[tilespmem:$0x13100] =	vst v63  }
0x55: {  	s29 =	simm.s32 $0x8100  }
0x56: {  	[tilespmem:s29], [sflag:$0x2] =	stream.indirect_vreg.gather [hbm4b:s3+s2], $0x80, v3, vm0, $0xb8;
	[tilespmem:$0x13100] =	vst v63  }
0x57: {  	v3 =	vld [tilespmem:$0x60];
	_ =	sdelay $0x4  }
0x58: {  	v54 =	vshll.u32 v3, $0x1  }
0x59: {  	v3 =	vand.u32 $0x7, v3;
	v4 =	vand.u32 $0xFFFFFFF0, v54  }
0x5a: {  	v3 =	vor.u32 v3, v4  }
0x5b: {  	v4 =	vperm.xlane v3, v0;
	_ =	sdelay $0x1  }
0x5c: {  	v3 =	vperm.xlane v3, v2;
	v4 =	vadd.s32 v1, v4;
	_ =	sdelay $0x1  }
0x5d: {  	v3 =	vadd.s32 v1, v3;
	_ =	sdelay $0x1  }
0x5e: {  	s30 =	simm.s32 $0x8900  }
0x5f: {  	[tilespmem:s30], [sflag:$0x2] =	stream.indirect_vreg.gather [hbm4b:s3+s2], $0x80, v4, vm0, $0xb8;
	[tilespmem:$0x13100] =	vst v63  }
0x60: {  	s31 =	simm.s32 $0x9100  }
0x61: {  	[tilespmem:s31], [sflag:$0x2] =	stream.indirect_vreg.gather [hbm4b:s3+s2], $0x80, v3, vm0, $0xb8;
	[tilespmem:$0x13100] =	vst v63  }
0x62: {  	v3 =	vld [tilespmem:$0x70];
	_ =	sdelay $0x4  }
0x63: {  	v55 =	vshll.u32 v3, $0x1  }
0x64: {  	v3 =	vand.u32 $0x7, v3;
	v4 =	vand.u32 $0xFFFFFFF0, v55  }
0x65: {  	v3 =	vor.u32 v3, v4  }
0x66: {  	v4 =	vperm.xlane v3, v0;
	_ =	sdelay $0x1  }
0x67: {  	v3 =	vperm.xlane v3, v2;
	v4 =	vadd.s32 v1, v4;
	_ =	sdelay $0x1  }
0x68: {  	v3 =	vadd.s32 v1, v3;
	_ =	sdelay $0x1  }
0x69: {  	s1 =	simm.s32 $0x9900  }
0x6a: {  	[tilespmem:s1], [sflag:$0x2] =	stream.indirect_vreg.gather [hbm4b:s3+s2], $0x80, v4, vm0, $0xb8;
	[tilespmem:$0x13100] =	vst v63  }
0x6b: {  	s5 =	simm.s32 $0xA100  }
0x6c: {  	[tilespmem:s5], [sflag:$0x2] =	stream.indirect_vreg.gather [hbm4b:s3+s2], $0x80, v3, vm0, $0xb8;
	[tilespmem:$0x13100] =	vst v63  }
0x6d: {  	v3 =	vld [tilespmem:$0x80];
	_ =	sdelay $0x4  }
0x6e: {  	v56 =	vshll.u32 v3, $0x1  }
0x6f: {  	v3 =	vand.u32 $0x7, v3;
	v4 =	vand.u32 $0xFFFFFFF0, v56  }
0x70: {  	v3 =	vor.u32 v3, v4  }
0x71: {  	v4 =	vperm.xlane v3, v0;
	_ =	sdelay $0x1  }
0x72: {  	v3 =	vperm.xlane v3, v2;
	v4 =	vadd.s32 v1, v4;
	_ =	sdelay $0x1  }
0x73: {  	v3 =	vadd.s32 v1, v3;
	_ =	sdelay $0x1  }
0x74: {  	s10 =	simm.s32 $0xA900  }
0x75: {  	[tilespmem:s10], [sflag:$0x3] =	stream.indirect_vreg.gather [hbm4b:s3+s2], $0x80, v4, vm0, $0xb8;
	[tilespmem:$0x13100] =	vst v63  }
0x76: {  	s12 =	simm.s32 $0xB100  }
0x77: {  	[tilespmem:s12], [sflag:$0x3] =	stream.indirect_vreg.gather [hbm4b:s3+s2], $0x80, v3, vm0, $0xb8;
	[tilespmem:$0x13100] =	vst v63  }
0x78: {  	v3 =	vld [tilespmem:$0x90];
	_ =	sdelay $0x4  }
0x79: {  	v57 =	vshll.u32 v3, $0x1  }
0x7a: {  	v3 =	vand.u32 $0x7, v3;
	v4 =	vand.u32 $0xFFFFFFF0, v57  }
0x7b: {  	v3 =	vor.u32 v3, v4  }
0x7c: {  	v4 =	vperm.xlane v3, v0;
	_ =	sdelay $0x1  }
0x7d: {  	v3 =	vperm.xlane v3, v2;
	v4 =	vadd.s32 v1, v4;
	_ =	sdelay $0x1  }
0x7e: {  	v3 =	vadd.s32 v1, v3;
	_ =	sdelay $0x1  }
0x7f: {  	s26 =	simm.s32 $0xB900  }
0x80: {  	[tilespmem:s26], [sflag:$0x3] =	stream.indirect_vreg.gather [hbm4b:s3+s2], $0x80, v4, vm0, $0xb8;
	[tilespmem:$0x13100] =	vst v63  }
0x81: {  	s28 =	simm.s32 $0xC100  }
0x82: {  	[tilespmem:s28], [sflag:$0x3] =	stream.indirect_vreg.gather [hbm4b:s3+s2], $0x80, v3, vm0, $0xb8;
	[tilespmem:$0x13100] =	vst v63  }
0x83: {  	v3 =	vld [tilespmem:$0xA0];
	_ =	sdelay $0x4  }
0x84: {  	v58 =	vshll.u32 v3, $0x1  }
0x85: {  	v3 =	vand.u32 $0x7, v3;
	v4 =	vand.u32 $0xFFFFFFF0, v58  }
0x86: {  	v3 =	vor.u32 v3, v4  }
0x87: {  	v4 =	vperm.xlane v3, v0;
	_ =	sdelay $0x1  }
0x88: {  	v3 =	vperm.xlane v3, v2;
	v4 =	vadd.s32 v1, v4;
	_ =	sdelay $0x1  }
0x89: {  	v3 =	vadd.s32 v1, v3;
	_ =	sdelay $0x1  }
0x8a: {  	s29 =	simm.s32 $0xC900  }
0x8b: {  	[tilespmem:s29], [sflag:$0x3] =	stream.indirect_vreg.gather [hbm4b:s3+s2], $0x80, v4, vm0, $0xb8;
	[tilespmem:$0x13100] =	vst v63  }
0x8c: {  	s30 =	simm.s32 $0xD100  }
0x8d: {  	[tilespmem:s30], [sflag:$0x3] =	stream.indirect_vreg.gather [hbm4b:s3+s2], $0x80, v3, vm0, $0xb8;
	[tilespmem:$0x13100] =	vst v63  }
0x8e: {  	v3 =	vld [tilespmem:$0xB0];
	_ =	sdelay $0x4  }
0x8f: {  	v59 =	vshll.u32 v3, $0x1  }
0x90: {  	v3 =	vand.u32 $0x7, v3;
	v4 =	vand.u32 $0xFFFFFFF0, v59  }
0x91: {  	v3 =	vor.u32 v3, v4  }
0x92: {  	v4 =	vperm.xlane v3, v0;
	_ =	sdelay $0x1  }
0x93: {  	v3 =	vperm.xlane v3, v2;
	v4 =	vadd.s32 v1, v4;
	_ =	sdelay $0x1  }
0x94: {  	v3 =	vadd.s32 v1, v3;
	_ =	sdelay $0x1  }
0x95: {  	s31 =	simm.s32 $0xD900  }
0x96: {  	[tilespmem:s31], [sflag:$0x3] =	stream.indirect_vreg.gather [hbm4b:s3+s2], $0x80, v4, vm0, $0xb8;
	[tilespmem:$0x13100] =	vst v63  }
0x97: {  	_ = 	snop  }
0x98: {  	[tilespmem:s13], [sflag:$0x3] =	stream.indirect_vreg.gather [hbm4b:s3+s2], $0x80, v3, vm0, $0xb8;
	[tilespmem:$0x13100] =	vst v63  }
0x99: {  	v3 =	vld [tilespmem:$0xC0];
	_ =	sdelay $0x4  }
0x9a: {  	v60 =	vshll.u32 v3, $0x1  }
0x9b: {  	v3 =	vand.u32 $0x7, v3;
	v4 =	vand.u32 $0xFFFFFFF0, v60  }
0x9c: {  	v3 =	vor.u32 v3, v4  }
0x9d: {  	v4 =	vperm.xlane v3, v0;
	_ =	sdelay $0x1  }
0x9e: {  	v3 =	vperm.xlane v3, v2;
	v4 =	vadd.s32 v1, v4;
	_ =	sdelay $0x1  }
0x9f: {  	v3 =	vadd.s32 v1, v3;
	_ =	sdelay $0x2  }
0xa0: {  	[tilespmem:s14], [sflag:$0x4] =	stream.indirect_vreg.gather [hbm4b:s3+s2], $0x80, v4, vm0, $0xb8;
	[tilespmem:$0x13100] =	vst v63  }
0xa1: {  	_ = 	snop  }
0xa2: {  	[tilespmem:s15], [sflag:$0x4] =	stream.indirect_vreg.gather [hbm4b:s3+s2], $0x80, v3, vm0, $0xb8;
	[tilespmem:$0x13100] =	vst v63  }
0xa3: {  	v3 =	vld [tilespmem:$0xD0];
	_ =	sdelay $0x4  }
0xa4: {  	v61 =	vshll.u32 v3, $0x1  }
0xa5: {  	v3 =	vand.u32 $0x7, v3;
	v4 =	vand.u32 $0xFFFFFFF0, v61  }
0xa6: {  	v3 =	vor.u32 v3, v4  }
0xa7: {  	v4 =	vperm.xlane v3, v0;
	_ =	sdelay $0x1  }
0xa8: {  	v3 =	vperm.xlane v3, v2;
	v4 =	vadd.s32 v1, v4;
	_ =	sdelay $0x1  }
0xa9: {  	v3 =	vadd.s32 v1, v3;
	_ =	sdelay $0x2  }
0xaa: {  	[tilespmem:s16], [sflag:$0x4] =	stream.indirect_vreg.gather [hbm4b:s3+s2], $0x80, v4, vm0, $0xb8;
	[tilespmem:$0x13100] =	vst v63  }
0xab: {  	_ = 	snop  }
0xac: {  	[tilespmem:s17], [sflag:$0x4] =	stream.indirect_vreg.gather [hbm4b:s3+s2], $0x80, v3, vm0, $0xb8;
	[tilespmem:$0x13100] =	vst v63  }
0xad: {  	v3 =	vld [tilespmem:$0xE0];
	_ =	sdelay $0x4  }
0xae: {  	v62 =	vshll.u32 v3, $0x1  }
0xaf: {  	v3 =	vand.u32 $0x7, v3;
	v4 =	vand.u32 $0xFFFFFFF0, v62  }
0xb0: {  	v3 =	vor.u32 v3, v4  }
0xb1: {  	v4 =	vperm.xlane v3, v0;
	_ =	sdelay $0x1  }
0xb2: {  	v3 =	vperm.xlane v3, v2;
	v4 =	vadd.s32 v1, v4;
	_ =	sdelay $0x1  }
0xb3: {  	v3 =	vadd.s32 v1, v3;
	_ =	sdelay $0x2  }
0xb4: {  	[tilespmem:s18], [sflag:$0x4] =	stream.indirect_vreg.gather [hbm4b:s3+s2], $0x80, v4, vm0, $0xb8;
	[tilespmem:$0x13100] =	vst v63  }
0xb5: {  	_ = 	snop  }
0xb6: {  	[tilespmem:s19], [sflag:$0x4] =	stream.indirect_vreg.gather [hbm4b:s3+s2], $0x80, v3, vm0, $0xb8;
	[tilespmem:$0x13100] =	vst v63  }
0xb7: {  	v3 =	vld [tilespmem:$0xF0];
	_ =	sdelay $0x4  }
0xb8: {  	v63 =	vshll.u32 v3, $0x1  }
0xb9: {  	v3 =	vand.u32 $0x7, v3;
	v4 =	vand.u32 $0xFFFFFFF0, v63  }
0xba: {  	v3 =	vor.u32 v3, v4  }
0xbb: {  	v4 =	vperm.xlane v3, v0;
	_ =	sdelay $0x1  }
0xbc: {  	v3 =	vperm.xlane v3, v2;
	v4 =	vadd.s32 v1, v4;
	_ =	sdelay $0x1  }
0xbd: {  	v3 =	vadd.s32 v1, v3;
	_ =	sdelay $0x2  }
0xbe: {  	[tilespmem:s20], [sflag:$0x4] =	stream.indirect_vreg.gather [hbm4b:s3+s2], $0x80, v4, vm0, $0xb8;
	[tilespmem:$0x13100] =	vst v63  }
0xbf: {  	s26 =	simm.s32 $0x0  }
0xc0: {  	[tilespmem:s21], [sflag:$0x4] =	stream.indirect_vreg.gather [hbm4b:s3+s2], $0x80, v3, vm0, $0xb8;
	[tilespmem:$0x13100] =	vst v63  }
.LBB2_2:
0xc1: {  	_ =	swait.ge [sflag:s22], $0x4000  }
0xc2: {  	p0 =	seq.s32 s26, $0x0;
	[sflag:s22] =	ssyncset.done $0x0  }
0xc3: {  	s1 =	simm.s32 @!p0 $0x5;
	[sflag:s22] =	ssyncadd.s32 $0xFFFFC000  }
0xc4: {  	s0 =	simm.s32 $0x0;
	_ =	swait.ge @!p0 [sflag:s1], $0x200  }
0xc5: {  	s28 =	sand.u32 $0x70, s0;
	s29 =	sand.u32 $0x400, s0;
	[sflag:s1] =	ssyncset.done @!p0 $0x0  }
0xc6: {  	s28 =	sor.u32 s28, s29;
	[sflag:s1] =	ssyncadd.s32 @!p0 $0xFFFFFE00  }
0xc7: {  	v3 =	vld [tilespmem:s28+$0x4480]  }
0xc8: {  	v12 =	vld [tilespmem:s28+$0x3480]  }
0xc9: {  	v49 =	vld [tilespmem:s28+$0x5480]  }
0xca: {  	v4 =	vld [tilespmem:s28+$0x4400]  }
0xcb: {  	v15 =	vld [tilespmem:s28+$0x3400]  }
0xcc: {  	v16 =	vld [tilespmem:s28+$0x5400]  }
0xcd: {  	v5 =	vld [tilespmem:s28+$0x4380]  }
0xce: {  	v17 =	vld [tilespmem:s28+$0x3380]  }
0xcf: {  	v19 =	vld [tilespmem:s28+$0x5380]  }
0xd0: {  	v6 =	vld [tilespmem:s28+$0x4300]  }
0xd1: {  	v18 =	vld [tilespmem:s28+$0x3300]  }
0xd2: {  	v20 =	vld [tilespmem:s28+$0x5300]  }
0xd3: {  	v7 =	vld [tilespmem:s28+$0x4280]  }
0xd4: {  	v22 =	vld [tilespmem:s28+$0x3280]  }
0xd5: {  	v24 =	vld [tilespmem:s28+$0x5280]  }
0xd6: {  	v8 =	vld [tilespmem:s28+$0x4200]  }
0xd7: {  	v23 =	vld [tilespmem:s28+$0x3200]  }
0xd8: {  	v25 =	vld [tilespmem:s28+$0x5200]  }
0xd9: {  	v9 =	vld [tilespmem:s28+$0x4180]  }
0xda: {  	v26 =	vld [tilespmem:s28+$0x3180]  }
0xdb: {  	v29 =	vld [tilespmem:s28+$0x5180]  }
0xdc: {  	v10 =	vld [tilespmem:s28+$0x4100]  }
0xdd: {  	v27 =	vld [tilespmem:s28+$0x3100]  }
0xde: {  	s12 =	sor.u32 s0, s0;
	v30 =	vld [tilespmem:s28+$0x5100]  }
0xdf: {  	s1 =	sor.u32 $0x380, s12;
	v11 =	vld [tilespmem:s28+$0x3C80]  }
0xe0: {  	v32 =	vld [tilespmem:s1+$0x2900]  }
0xe1: {  	v34 =	vld [tilespmem:s28+$0x4C80]  }
0xe2: {  	v13 =	vld [tilespmem:s28+$0x3C00]  }
0xe3: {  	v33 =	vld [tilespmem:s28+$0x2C00]  }
0xe4: {  	v35 =	vld [tilespmem:s28+$0x4C00]  }
0xe5: {  	v14 =	vld [tilespmem:s28+$0x3B80]  }
0xe6: {  	v38 =	vld [tilespmem:s28+$0x2B80]  }
0xe7: {  	v40 =	vld [tilespmem:s28+$0x4B80]  }
0xe8: {  	v21 =	vld [tilespmem:s28+$0x3B00]  }
0xe9: {  	v39 =	vld [tilespmem:s28+$0x2B00]  }
0xea: {  	v41 =	vld [tilespmem:s28+$0x4B00]  }
0xeb: {  	v28 =	vld [tilespmem:s28+$0x3A80]  }
0xec: {  	v31 =	vld [tilespmem:s28+$0x2A80]  }
0xed: {  	s31 =	sor.u32 s29, s0;
	v36 =	vld [tilespmem:s28+$0x4A80]  }
0xee: {  	s29 =	sor.u32 $0x80, s31;
	v37 =	vld [tilespmem:s28+$0x3A00]  }
0xef: {  	v42 =	vld [tilespmem:s29+$0x2900]  }
0xf0: {  	v46 =	vld [tilespmem:s28+$0x2A00]  }
0xf1: {  	v47 =	vld [tilespmem:s28+$0x4A00]  }
0xf2: {  	v43 =	vld [tilespmem:s28+$0x3900]  }
0xf3: {  	v44 =	vld [tilespmem:s28+$0x5900]  }
0xf4: {  	v45 =	vld [tilespmem:s28+$0x3980]  }
0xf5: {  	s30 =	simm.s32 $0x10;
	v48 =	vld [tilespmem:s28+$0x4900];
	v12 =	vadd.f32 v49, v12  }
.LBB2_3:
0xf6: {  	p1 =	sne.s32 s30, $0xF0;
	v49 =	vld [tilespmem:s28+$0x2900];
	v17 =	vadd.f32 v19, v17;
	v15 =	vadd.f32 v16, v15  }
0xf7: {  	v19 =	vadd.f32 v24, v22;
	v18 =	vadd.f32 v20, v18;
	v16 =	vld [tilespmem:s28+$0x4980]  }
0xf8: {  	v20 =	vadd.f32 v29, v26;
	v22 =	vadd.f32 v25, v23;
	v23 =	vld [tilespmem:s28+$0x5980]  }
0xf9: {  	v24 =	vadd.f32 v34, v32;
	v25 =	vadd.f32 v30, v27;
	v26 =	vld [tilespmem:s28+$0x5A00]  }
0xfa: {  	v27 =	vadd.f32 v40, v38;
	v29 =	vadd.f32 v35, v33;
	v30 =	vld [tilespmem:s28+$0x5A80]  }
0xfb: {  	v32 =	vadd.f32 v47, v46;
	v33 =	vadd.f32 v41, v39;
	v34 =	vld [tilespmem:s28+$0x5B00]  }
0xfc: {  	v35 =	vadd.f32 v48, v49;
	v16 =	vadd.f32 v16, v42;
	v38 =	vld [tilespmem:s28+$0x5B80]  }
0xfd: {  	v39 =	vadd.f32 v44, v43;
	v23 =	vadd.f32 v23, v45;
	v40 =	vld [tilespmem:s28+$0x5C00]  }
0xfe: {  	v31 =	vadd.f32 v36, v31;
	v16 =	vmax.f32 v35, v16;
	v26 =	vadd.f32 v26, v37;
	v35 =	vld [tilespmem:s28+$0x5C80]  }
0xff: {  	v16 =	vmax.f32 v16, v32;
	v23 =	vmax.f32 v39, v23;
	v28 =	vadd.f32 v30, v28;
	v30 =	vld [tilespmem:s28+$0x6100]  }
0x100: {  	v16 =	vmax.f32 v16, v31;
	v23 =	vmax.f32 v23, v26;
	v21 =	vadd.f32 v34, v21;
	v26 =	vld [tilespmem:s28+$0x6180]  }
0x101: {  	v16 =	vmax.f32 v16, v33;
	v23 =	vmax.f32 v23, v28;
	v14 =	vadd.f32 v38, v14;
	v28 =	vld [tilespmem:s28+$0x6200]  }
0x102: {  	v16 =	vmax.f32 v16, v27;
	v21 =	vmax.f32 v23, v21;
	v13 =	vadd.f32 v40, v13;
	v23 =	vld [tilespmem:s28+$0x6280]  }
0x103: {  	v16 =	vmax.f32 v16, v29;
	v14 =	vmax.f32 v21, v14;
	v11 =	vadd.f32 v35, v11;
	v21 =	vld [tilespmem:s28+$0x6300]  }
0x104: {  	v16 =	vmax.f32 v16, v24;
	v13 =	vmax.f32 v14, v13;
	v10 =	vadd.f32 v30, v10;
	v14 =	vld [tilespmem:s28+$0x6380]  }
0x105: {  	v16 =	vmax.f32 v16, v25;
	v11 =	vmax.f32 v13, v11;
	v9 =	vadd.f32 v26, v9;
	v13 =	vld [tilespmem:s28+$0x6400]  }
0x106: {  	v16 =	vmax.f32 v16, v20;
	v10 =	vmax.f32 v11, v10;
	v8 =	vadd.f32 v28, v8;
	v11 =	vld [tilespmem:s28+$0x6480]  }
0x107: {  	v16 =	vmax.f32 v16, v22;
	v9 =	vmax.f32 v10, v9;
	v7 =	vadd.f32 v23, v7  }
0x108: {  	v10 =	vmax.f32 v16, v19;
	v8 =	vmax.f32 v9, v8;
	v6 =	vadd.f32 v21, v6  }
0x109: {  	v9 =	vmax.f32 v10, v18;
	v7 =	vmax.f32 v8, v7;
	v5 =	vadd.f32 v14, v5  }
0x10a: {  	v8 =	vmax.f32 v9, v17;
	v6 =	vmax.f32 v7, v6;
	v4 =	vadd.f32 v13, v4  }
0x10b: {  	v7 =	vmax.f32 v8, v15;
	v5 =	vmax.f32 v6, v5;
	v3 =	vadd.f32 v11, v3  }
0x10c: {  	v6 =	vmax.f32 v7, v12;
	v4 =	vmax.f32 v5, v4  }
0x10d: {  	s0 =	sadd.s32 $0x80, s0;
	v5 =	vmax.f32 v6, $0.0e+00;
	v3 =	vmax.f32 v4, v3  }
0x10e: {  	s31 =	sand.u32 $0x70, s30;
	s1 =	sand.u32 $0x400, s0;
	[tilespmem:s28+$0x12900] =	vst v5;
	v3 =	vmax.f32 v3, $0.0e+00  }
0x10f: {  	s28 =	sor.u32 s31, s1;
	[tilespmem:s29+$0x12900] =	vst v3  }
0x110: {  	v3 =	vld [tilespmem:s28+$0x4480]  }
0x111: {  	v12 =	vld [tilespmem:s28+$0x3480]  }
0x112: {  	v49 =	vld [tilespmem:s28+$0x5480]  }
0x113: {  	v4 =	vld [tilespmem:s28+$0x4400]  }
0x114: {  	v15 =	vld [tilespmem:s28+$0x3400]  }
0x115: {  	v16 =	vld [tilespmem:s28+$0x5400]  }
0x116: {  	v5 =	vld [tilespmem:s28+$0x4380]  }
0x117: {  	v17 =	vld [tilespmem:s28+$0x3380]  }
0x118: {  	v19 =	vld [tilespmem:s28+$0x5380]  }
0x119: {  	v6 =	vld [tilespmem:s28+$0x4300]  }
0x11a: {  	v18 =	vld [tilespmem:s28+$0x3300]  }
0x11b: {  	v20 =	vld [tilespmem:s28+$0x5300]  }
0x11c: {  	v7 =	vld [tilespmem:s28+$0x4280]  }
0x11d: {  	v22 =	vld [tilespmem:s28+$0x3280]  }
0x11e: {  	v24 =	vld [tilespmem:s28+$0x5280]  }
0x11f: {  	v8 =	vld [tilespmem:s28+$0x4200]  }
0x120: {  	v23 =	vld [tilespmem:s28+$0x3200]  }
0x121: {  	v25 =	vld [tilespmem:s28+$0x5200]  }
0x122: {  	v9 =	vld [tilespmem:s28+$0x4180]  }
0x123: {  	v26 =	vld [tilespmem:s28+$0x3180]  }
0x124: {  	v29 =	vld [tilespmem:s28+$0x5180]  }
0x125: {  	v10 =	vld [tilespmem:s28+$0x4100]  }
0x126: {  	v27 =	vld [tilespmem:s28+$0x3100]  }
0x127: {  	s29 =	sor.u32 s0, s30;
	v30 =	vld [tilespmem:s28+$0x5100]  }
0x128: {  	s29 =	sor.u32 $0x380, s29;
	v11 =	vld [tilespmem:s28+$0x3C80]  }
0x129: {  	v32 =	vld [tilespmem:s29+$0x2900]  }
0x12a: {  	v34 =	vld [tilespmem:s28+$0x4C80]  }
0x12b: {  	v13 =	vld [tilespmem:s28+$0x3C00]  }
0x12c: {  	v33 =	vld [tilespmem:s28+$0x2C00]  }
0x12d: {  	v35 =	vld [tilespmem:s28+$0x4C00]  }
0x12e: {  	v14 =	vld [tilespmem:s28+$0x3B80]  }
0x12f: {  	v38 =	vld [tilespmem:s28+$0x2B80]  }
0x130: {  	v40 =	vld [tilespmem:s28+$0x4B80]  }
0x131: {  	v21 =	vld [tilespmem:s28+$0x3B00]  }
0x132: {  	v39 =	vld [tilespmem:s28+$0x2B00]  }
0x133: {  	v41 =	vld [tilespmem:s28+$0x4B00]  }
0x134: {  	v28 =	vld [tilespmem:s28+$0x3A80]  }
0x135: {  	v31 =	vld [tilespmem:s28+$0x2A80]  }
0x136: {  	s1 =	sor.u32 s1, s30;
	v36 =	vld [tilespmem:s28+$0x4A80]  }
0x137: {  	s29 =	sor.u32 $0x80, s1;
	v37 =	vld [tilespmem:s28+$0x3A00]  }
0x138: {  	v42 =	vld [tilespmem:s29+$0x2900]  }
0x139: {  	v46 =	vld [tilespmem:s28+$0x2A00]  }
.Ltmp0:
0x13a: {  	v47 =	vld [tilespmem:s28+$0x4A00];
	(pc) =	sbr.rel @p1 .LBB2_3-.Ltmp0, $4  }
0x13b: {  	v43 =	vld [tilespmem:s28+$0x3900]  }
0x13c: {  	v44 =	vld [tilespmem:s28+$0x5900]  }
0x13d: {  	v45 =	vld [tilespmem:s28+$0x3980]  }
0x13e: {  	s30 =	sadd.s32 $0x10, s30;
	v12 =	vadd.f32 v49, v12;
	v48 =	vld [tilespmem:s28+$0x4900]  }
0x13f: {  	v49 =	vld [tilespmem:s28+$0x2900];
	v17 =	vadd.f32 v19, v17;
	v15 =	vadd.f32 v16, v15  }
0x140: {  	v16 =	vld [tilespmem:s28+$0x4980];
	v19 =	vadd.f32 v24, v22;
	v18 =	vadd.f32 v20, v18  }
0x141: {  	v20 =	vadd.f32 v29, v26;
	v22 =	vadd.f32 v25, v23;
	v60 =	vld [tilespmem:s28+$0x5980]  }
0x142: {  	v24 =	vadd.f32 v34, v32;
	v25 =	vadd.f32 v30, v27;
	v61 =	vld [tilespmem:s28+$0x5A00]  }
0x143: {  	v62 =	vadd.f32 v40, v38;
	v63 =	vadd.f32 v35, v33;
	v50 =	vld [tilespmem:s28+$0x5A80]  }
0x144: {  	v51 =	vadd.f32 v47, v46;
	v52 =	vadd.f32 v41, v39;
	v53 =	vld [tilespmem:s28+$0x5B00]  }
0x145: {  	v55 =	vld [tilespmem:s28+$0x5B80];
	v54 =	vadd.f32 v48, v49;
	v16 =	vadd.f32 v16, v42  }
0x146: {  	v57 =	vld [tilespmem:s28+$0x5C00];
	v56 =	vadd.f32 v44, v43;
	v23 =	vadd.f32 v60, v45  }
0x147: {  	v31 =	vadd.f32 v36, v31;
	v58 =	vld [tilespmem:s28+$0x5C80];
	v26 =	vadd.f32 v61, v37;
	v16 =	vmax.f32 v54, v16  }
0x148: {  	v59 =	vld [tilespmem:s28+$0x6100];
	v28 =	vadd.f32 v50, v28;
	v23 =	vmax.f32 v56, v23;
	v16 =	vmax.f32 v16, v51  }
0x149: {  	v21 =	vadd.f32 v53, v21;
	v60 =	vld [tilespmem:s28+$0x6180];
	v23 =	vmax.f32 v23, v26;
	v16 =	vmax.f32 v16, v31  }
0x14a: {  	v14 =	vadd.f32 v55, v14;
	v61 =	vld [tilespmem:s28+$0x6200];
	v23 =	vmax.f32 v23, v28;
	v16 =	vmax.f32 v16, v52  }
0x14b: {  	v13 =	vadd.f32 v57, v13;
	v21 =	vmax.f32 v23, v21;
	v16 =	vmax.f32 v16, v62;
	v62 =	vld [tilespmem:s28+$0x6280]  }
0x14c: {  	v11 =	vadd.f32 v58, v11;
	v14 =	vmax.f32 v21, v14;
	v16 =	vmax.f32 v16, v63;
	v63 =	vld [tilespmem:s28+$0x6300]  }
0x14d: {  	v10 =	vadd.f32 v59, v10;
	v13 =	vmax.f32 v14, v13;
	v14 =	vld [tilespmem:s28+$0x6380];
	v16 =	vmax.f32 v16, v24  }
0x14e: {  	v9 =	vadd.f32 v60, v9;
	v11 =	vmax.f32 v13, v11;
	v13 =	vld [tilespmem:s28+$0x6400];
	v16 =	vmax.f32 v16, v25  }
0x14f: {  	v8 =	vadd.f32 v61, v8;
	v10 =	vmax.f32 v11, v10;
	v11 =	vld [tilespmem:s28+$0x6480];
	v16 =	vmax.f32 v16, v20  }
0x150: {  	v9 =	vmax.f32 v10, v9;
	v16 =	vmax.f32 v16, v22;
	v7 =	vadd.f32 v62, v7  }
0x151: {  	v8 =	vmax.f32 v9, v8;
	v10 =	vmax.f32 v16, v19;
	v6 =	vadd.f32 v63, v6  }
0x152: {  	v5 =	vadd.f32 v14, v5;
	v9 =	vmax.f32 v10, v18;
	v7 =	vmax.f32 v8, v7  }
0x153: {  	v4 =	vadd.f32 v13, v4;
	v8 =	vmax.f32 v9, v17;
	v6 =	vmax.f32 v7, v6  }
0x154: {  	v3 =	vadd.f32 v11, v3;
	v7 =	vmax.f32 v8, v15;
	v5 =	vmax.f32 v6, v5  }
0x155: {  	v6 =	vmax.f32 v7, v12;
	v4 =	vmax.f32 v5, v4  }
0x156: {  	s0 =	sadd.s32 s6, s26;
	v5 =	vmax.f32 v6, $0.0e+00;
	v3 =	vmax.f32 v4, v3  }
0x157: {  	s0 =	sshll.u32 s0, $0x8;
	[tilespmem:s28+$0x12900] =	vst v5;
	v3 =	vmax.f32 v3, $0.0e+00  }
0x158: {  	s1 =	simm.s32 $0x12900;
	s0 =	sadd.s32 s4, s0;
	[tilespmem:s29+$0x12900] =	vst v3;
	s29 =	sshll.u32 s26, $0x8  }
0x159: {  	[hbm4b:s0+s2] =	stream.linear.scatter [tilespmem:s1], [sflag:$0x5], $0x100, $0x38;
	[tilespmem:$0x13100] =	vst v63  }
0x15a: {  	s5 =	simm.s32 $0x12D00;
	s0 =	sadd.s32 $0x80, s0;
	s28 =	sand.u32 $0x3FFFFF00, s29  }
0x15b: {  	[hbm4b:s0+s2] =	stream.linear.scatter [tilespmem:s5], [sflag:$0x5], $0x100, $0x38;
	[tilespmem:$0x13100] =	vst v63  }
0x15c: {  	v3 =	vld [tilespmem:s28+$0x100];
	_ =	sdelay $0x4  }
0x15d: {  	v4 =	vshll.u32 v3, $0x1  }
0x15e: {  	v3 =	vand.u32 $0x7, v3;
	v4 =	vand.u32 $0xFFFFFFF0, v4  }
0x15f: {  	v3 =	vor.u32 v3, v4  }
0x160: {  	v4 =	vperm.xlane v3, v0;
	_ =	sdelay $0x1  }
0x161: {  	v3 =	vperm.xlane v3, v2;
	v4 =	vadd.s32 v1, v4;
	_ =	sdelay $0x1  }
0x162: {  	v3 =	vadd.s32 v1, v3;
	_ =	sdelay $0x1  }
0x163: {  	s10 =	simm.s32 $0x2900  }
0x164: {  	[tilespmem:s10], [sflag:$0x1] =	stream.indirect_vreg.gather [hbm4b:s3+s2], $0x80, v4, vm0, $0xb8;
	[tilespmem:$0x13100] =	vst v63  }
0x165: {  	s12 =	simm.s32 $0x3100  }
0x166: {  	[tilespmem:s12], [sflag:$0x1] =	stream.indirect_vreg.gather [hbm4b:s3+s2], $0x80, v3, vm0, $0xb8;
	[tilespmem:$0x13100] =	vst v63  }
0x167: {  	v3 =	vld [tilespmem:s28+$0x110];
	_ =	sdelay $0x4  }
0x168: {  	v4 =	vshll.u32 v3, $0x1  }
0x169: {  	v3 =	vand.u32 $0x7, v3;
	v4 =	vand.u32 $0xFFFFFFF0, v4  }
0x16a: {  	v3 =	vor.u32 v3, v4  }
0x16b: {  	v4 =	vperm.xlane v3, v0;
	_ =	sdelay $0x1  }
0x16c: {  	v3 =	vperm.xlane v3, v2;
	v4 =	vadd.s32 v1, v4;
	_ =	sdelay $0x1  }
0x16d: {  	v3 =	vadd.s32 v1, v3;
	_ =	sdelay $0x1  }
0x16e: {  	s31 =	simm.s32 $0x3900  }
0x16f: {  	[tilespmem:s31], [sflag:$0x1] =	stream.indirect_vreg.gather [hbm4b:s3+s2], $0x80, v4, vm0, $0xb8;
	[tilespmem:$0x13100] =	vst v63  }
0x170: {  	s1 =	simm.s32 $0x4100  }
0x171: {  	[tilespmem:s1], [sflag:$0x1] =	stream.indirect_vreg.gather [hbm4b:s3+s2], $0x80, v3, vm0, $0xb8;
	[tilespmem:$0x13100] =	vst v63  }
0x172: {  	v3 =	vld [tilespmem:s28+$0x120];
	_ =	sdelay $0x4  }
0x173: {  	v4 =	vshll.u32 v3, $0x1  }
0x174: {  	v3 =	vand.u32 $0x7, v3;
	v4 =	vand.u32 $0xFFFFFFF0, v4  }
0x175: {  	v3 =	vor.u32 v3, v4  }
0x176: {  	v4 =	vperm.xlane v3, v0;
	_ =	sdelay $0x1  }
0x177: {  	v3 =	vperm.xlane v3, v2;
	v4 =	vadd.s32 v1, v4;
	_ =	sdelay $0x1  }
0x178: {  	v3 =	vadd.s32 v1, v3;
	_ =	sdelay $0x1  }
0x179: {  	s5 =	simm.s32 $0x4900  }
0x17a: {  	[tilespmem:s5], [sflag:$0x1] =	stream.indirect_vreg.gather [hbm4b:s3+s2], $0x80, v4, vm0, $0xb8;
	[tilespmem:$0x13100] =	vst v63  }
0x17b: {  	s10 =	simm.s32 $0x5100  }
0x17c: {  	[tilespmem:s10], [sflag:$0x1] =	stream.indirect_vreg.gather [hbm4b:s3+s2], $0x80, v3, vm0, $0xb8;
	[tilespmem:$0x13100] =	vst v63  }
0x17d: {  	v3 =	vld [tilespmem:s28+$0x130];
	_ =	sdelay $0x4  }
0x17e: {  	v4 =	vshll.u32 v3, $0x1  }
0x17f: {  	v3 =	vand.u32 $0x7, v3;
	v4 =	vand.u32 $0xFFFFFFF0, v4  }
0x180: {  	v3 =	vor.u32 v3, v4  }
0x181: {  	v4 =	vperm.xlane v3, v0;
	_ =	sdelay $0x1  }
0x182: {  	v3 =	vperm.xlane v3, v2;
	v4 =	vadd.s32 v1, v4;
	_ =	sdelay $0x1  }
0x183: {  	v3 =	vadd.s32 v1, v3;
	_ =	sdelay $0x1  }
0x184: {  	s12 =	simm.s32 $0x5900  }
0x185: {  	[tilespmem:s12], [sflag:$0x1] =	stream.indirect_vreg.gather [hbm4b:s3+s2], $0x80, v4, vm0, $0xb8;
	[tilespmem:$0x13100] =	vst v63  }
0x186: {  	s31 =	simm.s32 $0x6100  }
0x187: {  	[tilespmem:s31], [sflag:$0x1] =	stream.indirect_vreg.gather [hbm4b:s3+s2], $0x80, v3, vm0, $0xb8;
	[tilespmem:$0x13100] =	vst v63  }
0x188: {  	_ =	swait.ge [sflag:s23], $0x4000  }
0x189: {  	[sflag:s23] =	ssyncset.done $0x0  }
0x18a: {  	s1 =	simm.s32 @!p0 $0x6;
	[sflag:s23] =	ssyncadd.s32 $0xFFFFC000  }
0x18b: {  	s0 =	simm.s32 $0x0;
	_ =	swait.ge @!p0 [sflag:s1], $0x200  }
0x18c: {  	s30 =	sand.u32 $0x70, s0;
	s31 =	sand.u32 $0x400, s0;
	[sflag:s1] =	ssyncset.done @!p0 $0x0  }
0x18d: {  	s30 =	sor.u32 s30, s31;
	[sflag:s1] =	ssyncadd.s32 @!p0 $0xFFFFFE00  }
0x18e: {  	v3 =	vld [tilespmem:s30+$0x8480]  }
0x18f: {  	v4 =	vld [tilespmem:s30+$0x8400]  }
0x190: {  	v5 =	vld [tilespmem:s30+$0x8380]  }
0x191: {  	v6 =	vld [tilespmem:s30+$0x8300]  }
0x192: {  	v7 =	vld [tilespmem:s30+$0x8280]  }
0x193: {  	v8 =	vld [tilespmem:s30+$0x8200]  }
0x194: {  	v9 =	vld [tilespmem:s30+$0x8180]  }
0x195: {  	v10 =	vld [tilespmem:s30+$0x8100]  }
0x196: {  	v11 =	vld [tilespmem:s30+$0x7C80]  }
0x197: {  	v12 =	vld [tilespmem:s30+$0x7C00]  }
0x198: {  	v13 =	vld [tilespmem:s30+$0x7B80]  }
0x199: {  	v14 =	vld [tilespmem:s30+$0x7B00]  }
0x19a: {  	v15 =	vld [tilespmem:s30+$0x7A80]  }
0x19b: {  	v16 =	vld [tilespmem:s30+$0x7A00]  }
0x19c: {  	v17 =	vld [tilespmem:s30+$0x7900]  }
0x19d: {  	s1 =	simm.s32 $0x10;
	v18 =	vld [tilespmem:s30+$0x9900]  }
.LBB2_5:
0x19e: {  	p1 =	sne.s32 s1, $0xF0;
	v19 =	vld [tilespmem:s30+$0x7980]  }
0x19f: {  	v20 =	vld [tilespmem:s30+$0x9980]  }
0x1a0: {  	v21 =	vld [tilespmem:s30+$0x9A00]  }
0x1a1: {  	v22 =	vld [tilespmem:s30+$0x9A80]  }
0x1a2: {  	v23 =	vld [tilespmem:s30+$0x9B00]  }
0x1a3: {  	v24 =	vld [tilespmem:s30+$0x9B80]  }
0x1a4: {  	v17 =	vadd.f32 v18, v17;
	v18 =	vadd.f32 v20, v19;
	v19 =	vld [tilespmem:s30+$0x9C00]  }
0x1a5: {  	v16 =	vadd.f32 v21, v16;
	v20 =	vld [tilespmem:s30+$0x9C80]  }
0x1a6: {  	v17 =	vmax.f32 v17, v18;
	v15 =	vadd.f32 v22, v15;
	v18 =	vld [tilespmem:s30+$0xA100]  }
0x1a7: {  	v16 =	vmax.f32 v17, v16;
	v14 =	vadd.f32 v23, v14;
	v17 =	vld [tilespmem:s30+$0xA180]  }
0x1a8: {  	v15 =	vmax.f32 v16, v15;
	v13 =	vadd.f32 v24, v13;
	v16 =	vld [tilespmem:s30+$0xA200]  }
0x1a9: {  	v14 =	vmax.f32 v15, v14;
	v12 =	vadd.f32 v19, v12;
	v15 =	vld [tilespmem:s30+$0xA280]  }
0x1aa: {  	v13 =	vmax.f32 v14, v13;
	v11 =	vadd.f32 v20, v11;
	v14 =	vld [tilespmem:s30+$0xA300]  }
0x1ab: {  	v12 =	vmax.f32 v13, v12;
	v10 =	vadd.f32 v18, v10;
	v13 =	vld [tilespmem:s30+$0xA380]  }
0x1ac: {  	v11 =	vmax.f32 v12, v11;
	v9 =	vadd.f32 v17, v9;
	v12 =	vld [tilespmem:s30+$0xA400]  }
0x1ad: {  	v10 =	vmax.f32 v11, v10;
	v8 =	vadd.f32 v16, v8;
	v11 =	vld [tilespmem:s30+$0xA480]  }
0x1ae: {  	v16 =	vld [tilespmem:s30+$0x6900];
	v9 =	vmax.f32 v10, v9;
	v7 =	vadd.f32 v15, v7  }
0x1af: {  	v10 =	vld [tilespmem:s30+$0x8900];
	v8 =	vmax.f32 v9, v8;
	v6 =	vadd.f32 v14, v6  }
0x1b0: {  	v9 =	vld [tilespmem:s30+$0x6980];
	v7 =	vmax.f32 v8, v7;
	v5 =	vadd.f32 v13, v5  }
0x1b1: {  	v8 =	vld [tilespmem:s30+$0x8980];
	v6 =	vmax.f32 v7, v6;
	v4 =	vadd.f32 v12, v4  }
0x1b2: {  	v7 =	vld [tilespmem:s30+$0x6A00];
	v5 =	vmax.f32 v6, v5;
	v3 =	vadd.f32 v11, v3  }
0x1b3: {  	v6 =	vld [tilespmem:s30+$0x8A00];
	v4 =	vmax.f32 v5, v4  }
0x1b4: {  	v5 =	vadd.f32 v10, v16;
	v10 =	vld [tilespmem:s30+$0x6A80];
	v3 =	vmax.f32 v4, v3  }
0x1b5: {  	v4 =	vld [tilespmem:s30+$0x8A80];
	v3 =	vmax.f32 v3, $0.0e+00  }
0x1b6: {  	v8 =	vadd.f32 v8, v9;
	v9 =	vld [tilespmem:s30+$0x6B00];
	[tilespmem:s30+$0x12A80] =	vst v3  }
0x1b7: {  	v3 =	vld [tilespmem:s30+$0x8B00]  }
0x1b8: {  	v5 =	vmax.f32 v5, v8;
	v6 =	vadd.f32 v6, v7;
	v7 =	vld [tilespmem:s30+$0x6B80]  }
0x1b9: {  	v8 =	vld [tilespmem:s30+$0x8B80]  }
0x1ba: {  	v5 =	vmax.f32 v5, v6;
	v4 =	vadd.f32 v4, v10;
	v6 =	vld [tilespmem:s30+$0x6C00]  }
0x1bb: {  	v10 =	vld [tilespmem:s30+$0x8C00]  }
0x1bc: {  	v4 =	vmax.f32 v5, v4;
	v3 =	vadd.f32 v3, v9;
	v5 =	vld [tilespmem:s30+$0x6C80]  }
0x1bd: {  	v9 =	vld [tilespmem:s30+$0x8C80]  }
0x1be: {  	v3 =	vmax.f32 v4, v3;
	v4 =	vadd.f32 v8, v7;
	v7 =	vld [tilespmem:s30+$0x7100]  }
0x1bf: {  	v8 =	vld [tilespmem:s30+$0x9100]  }
0x1c0: {  	v3 =	vmax.f32 v3, v4;
	v4 =	vadd.f32 v10, v6;
	v6 =	vld [tilespmem:s30+$0x7180]  }
0x1c1: {  	v10 =	vld [tilespmem:s30+$0x9180]  }
0x1c2: {  	v3 =	vmax.f32 v3, v4;
	v4 =	vadd.f32 v9, v5;
	v5 =	vld [tilespmem:s30+$0x7200]  }
0x1c3: {  	v9 =	vld [tilespmem:s30+$0x9200]  }
0x1c4: {  	v3 =	vmax.f32 v3, v4;
	v4 =	vadd.f32 v8, v7;
	v7 =	vld [tilespmem:s30+$0x7280]  }
0x1c5: {  	v8 =	vld [tilespmem:s30+$0x9280]  }
0x1c6: {  	v3 =	vmax.f32 v3, v4;
	v4 =	vadd.f32 v10, v6;
	v6 =	vld [tilespmem:s30+$0x7300]  }
0x1c7: {  	v10 =	vld [tilespmem:s30+$0x9300]  }
0x1c8: {  	v3 =	vmax.f32 v3, v4;
	v4 =	vadd.f32 v9, v5;
	v5 =	vld [tilespmem:s30+$0x7380]  }
0x1c9: {  	v9 =	vld [tilespmem:s30+$0x9380]  }
0x1ca: {  	v3 =	vmax.f32 v3, v4;
	v4 =	vadd.f32 v8, v7;
	v7 =	vld [tilespmem:s30+$0x7400]  }
0x1cb: {  	s0 =	sadd.s32 $0x80, s0;
	v8 =	vld [tilespmem:s30+$0x9400]  }
0x1cc: {  	s31 =	sand.u32 $0x70, s1;
	s5 =	sand.u32 $0x400, s0;
	v4 =	vmax.f32 v3, v4;
	v6 =	vadd.f32 v10, v6;
	v10 =	vld [tilespmem:s30+$0x7480]  }
0x1cd: {  	s5 =	sor.u32 s31, s5;
	v11 =	vld [tilespmem:s30+$0x9480]  }
0x1ce: {  	v3 =	vld [tilespmem:s5+$0x8480];
	v6 =	vmax.f32 v4, v6;
	v9 =	vadd.f32 v9, v5  }
0x1cf: {  	v4 =	vld [tilespmem:s5+$0x8400]  }
0x1d0: {  	v5 =	vld [tilespmem:s5+$0x8380];
	v9 =	vmax.f32 v6, v9;
	v8 =	vadd.f32 v8, v7  }
0x1d1: {  	v6 =	vld [tilespmem:s5+$0x8300]  }
0x1d2: {  	v7 =	vld [tilespmem:s5+$0x8280];
	v12 =	vmax.f32 v9, v8;
	v10 =	vadd.f32 v11, v10  }
0x1d3: {  	v8 =	vld [tilespmem:s5+$0x8200]  }
0x1d4: {  	v9 =	vld [tilespmem:s5+$0x8180];
	v11 =	vmax.f32 v12, v10  }
0x1d5: {  	v10 =	vld [tilespmem:s5+$0x8100];
	v12 =	vmax.f32 v11, $0.0e+00  }
0x1d6: {  	v11 =	vld [tilespmem:s5+$0x7C80];
	[tilespmem:s30+$0x12A00] =	vst v12;
	s30 =	smov.u32 s5  }
0x1d7: {  	v12 =	vld [tilespmem:s30+$0x7C00]  }
0x1d8: {  	v13 =	vld [tilespmem:s30+$0x7B80]  }
.Ltmp1:
0x1d9: {  	v14 =	vld [tilespmem:s30+$0x7B00];
	(pc) =	sbr.rel @p1 .LBB2_5-.Ltmp1, $4  }
0x1da: {  	v15 =	vld [tilespmem:s30+$0x7A80]  }
0x1db: {  	v16 =	vld [tilespmem:s30+$0x7A00]  }
0x1dc: {  	v17 =	vld [tilespmem:s30+$0x7900]  }
0x1dd: {  	s1 =	sadd.s32 $0x10, s1;
	v18 =	vld [tilespmem:s30+$0x9900]  }
0x1de: {  	v19 =	vld [tilespmem:s30+$0x7980]  }
0x1df: {  	v20 =	vld [tilespmem:s30+$0x9980]  }
0x1e0: {  	v21 =	vld [tilespmem:s30+$0x9A00]  }
0x1e1: {  	v22 =	vld [tilespmem:s30+$0x9A80]  }
0x1e2: {  	v23 =	vld [tilespmem:s30+$0x9B00]  }
0x1e3: {  	v24 =	vld [tilespmem:s30+$0x9B80]  }
0x1e4: {  	v25 =	vld [tilespmem:s30+$0x9C00]  }
0x1e5: {  	v60 =	vld [tilespmem:s30+$0x7180]  }
0x1e6: {  	v61 =	vld [tilespmem:s30+$0x9180]  }
0x1e7: {  	v62 =	vld [tilespmem:s30+$0x7200]  }
0x1e8: {  	v63 =	vld [tilespmem:s30+$0x9200]  }
0x1e9: {  	v17 =	vadd.f32 v18, v17;
	v18 =	vadd.f32 v20, v19;
	v19 =	vld [tilespmem:s30+$0x9C80]  }
0x1ea: {  	v16 =	vadd.f32 v21, v16;
	v20 =	vld [tilespmem:s30+$0xA100]  }
0x1eb: {  	v15 =	vadd.f32 v22, v15;
	v17 =	vmax.f32 v17, v18;
	v18 =	vld [tilespmem:s30+$0xA180]  }
0x1ec: {  	v14 =	vadd.f32 v23, v14;
	v16 =	vmax.f32 v17, v16;
	v17 =	vld [tilespmem:s30+$0xA200]  }
0x1ed: {  	v15 =	vmax.f32 v16, v15;
	v16 =	vld [tilespmem:s30+$0xA280]  }
0x1ee: {  	v14 =	vmax.f32 v15, v14;
	v15 =	vld [tilespmem:s30+$0xA300]  }
0x1ef: {  	v13 =	vadd.f32 v24, v13;
	v11 =	vadd.f32 v19, v11;
	v19 =	vld [tilespmem:s30+$0x7100]  }
0x1f0: {  	v12 =	vadd.f32 v25, v12;
	v10 =	vadd.f32 v20, v10;
	v20 =	vld [tilespmem:s30+$0x9100]  }
0x1f1: {  	v13 =	vmax.f32 v14, v13;
	v14 =	vld [tilespmem:s30+$0xA380]  }
0x1f2: {  	v12 =	vmax.f32 v13, v12;
	v13 =	vld [tilespmem:s30+$0xA400]  }
0x1f3: {  	v9 =	vadd.f32 v18, v9;
	v18 =	vld [tilespmem:s30+$0x8C80]  }
0x1f4: {  	v11 =	vmax.f32 v12, v11;
	v12 =	vld [tilespmem:s30+$0xA480]  }
0x1f5: {  	v8 =	vadd.f32 v17, v8;
	v17 =	vld [tilespmem:s30+$0x6C80]  }
0x1f6: {  	v10 =	vmax.f32 v11, v10;
	v11 =	vld [tilespmem:s30+$0x6900]  }
0x1f7: {  	v7 =	vadd.f32 v16, v7;
	v16 =	vld [tilespmem:s30+$0x8C00]  }
0x1f8: {  	v9 =	vmax.f32 v10, v9;
	v10 =	vld [tilespmem:s30+$0x8900]  }
0x1f9: {  	v6 =	vadd.f32 v15, v6;
	v15 =	vld [tilespmem:s30+$0x6C00]  }
0x1fa: {  	v8 =	vmax.f32 v9, v8;
	v9 =	vld [tilespmem:s30+$0x6980]  }
0x1fb: {  	v5 =	vadd.f32 v14, v5;
	v14 =	vld [tilespmem:s30+$0x8B80]  }
0x1fc: {  	v7 =	vmax.f32 v8, v7;
	v8 =	vld [tilespmem:s30+$0x8980]  }
0x1fd: {  	v4 =	vadd.f32 v13, v4;
	v6 =	vmax.f32 v7, v6;
	v7 =	vld [tilespmem:s30+$0x6A00]  }
0x1fe: {  	v3 =	vadd.f32 v12, v3;
	v12 =	vld [tilespmem:s30+$0x6B00];
	v5 =	vmax.f32 v6, v5  }
0x1ff: {  	v6 =	vld [tilespmem:s30+$0x8A00];
	v4 =	vmax.f32 v5, v4  }
0x200: {  	v5 =	vld [tilespmem:s30+$0x6A80];
	v3 =	vmax.f32 v4, v3  }
0x201: {  	v4 =	vld [tilespmem:s30+$0x8A80];
	v3 =	vmax.f32 v3, $0.0e+00  }
0x202: {  	[tilespmem:s30+$0x12A80] =	vst v3;
	v3 =	vld [tilespmem:s30+$0x8B00]  }
0x203: {  	v13 =	vld [tilespmem:s30+$0x6B80]  }
0x204: {  	v10 =	vadd.f32 v10, v11;
	v11 =	vld [tilespmem:s30+$0x9380];
	v8 =	vadd.f32 v8, v9  }
0x205: {  	v9 =	vld [tilespmem:s30+$0x7280];
	v6 =	vadd.f32 v6, v7  }
0x206: {  	v7 =	vld [tilespmem:s30+$0x9280];
	v8 =	vmax.f32 v10, v8;
	v4 =	vadd.f32 v4, v5  }
0x207: {  	v10 =	vld [tilespmem:s30+$0x7380];
	v6 =	vmax.f32 v8, v6;
	v3 =	vadd.f32 v3, v12  }
0x208: {  	v5 =	vld [tilespmem:s30+$0x7300];
	v4 =	vmax.f32 v6, v4;
	v6 =	vadd.f32 v14, v13  }
0x209: {  	v8 =	vld [tilespmem:s30+$0x9300];
	v3 =	vmax.f32 v4, v3;
	v4 =	vadd.f32 v16, v15  }
0x20a: {  	v12 =	vld [tilespmem:s30+$0x7400];
	v3 =	vmax.f32 v3, v6;
	v6 =	vadd.f32 v18, v17  }
0x20b: {  	v13 =	vld [tilespmem:s30+$0x9400];
	v3 =	vmax.f32 v3, v4;
	v4 =	vadd.f32 v20, v19  }
0x20c: {  	v14 =	vld [tilespmem:s30+$0x7480];
	v3 =	vmax.f32 v3, v6;
	v6 =	vadd.f32 v61, v60  }
0x20d: {  	v15 =	vld [tilespmem:s30+$0x9480];
	v3 =	vmax.f32 v3, v4;
	v4 =	vadd.f32 v63, v62  }
0x20e: {  	v3 =	vmax.f32 v3, v6;
	v6 =	vadd.f32 v7, v9  }
0x20f: {  	v3 =	vmax.f32 v3, v4;
	v4 =	vadd.f32 v8, v5  }
0x210: {  	v5 =	vadd.f32 v11, v10;
	v3 =	vmax.f32 v3, v6  }
0x211: {  	v3 =	vmax.f32 v3, v4;
	v4 =	vadd.f32 v13, v12  }
0x212: {  	v3 =	vmax.f32 v3, v5;
	v5 =	vadd.f32 v15, v14  }
0x213: {  	v3 =	vmax.f32 v3, v4  }
0x214: {  	v3 =	vmax.f32 v3, v5  }
0x215: {  	s29 =	sadd.s32 s11, s29;
	v3 =	vmax.f32 v3, $0.0e+00  }
0x216: {  	s1 =	simm.s32 $0x12A00;
	s0 =	sadd.s32 s29, s7;
	[tilespmem:s30+$0x12A00] =	vst v3  }
0x217: {  	[hbm4b:s0+s2] =	stream.linear.scatter [tilespmem:s1], [sflag:$0x6], $0x100, $0x38;
	[tilespmem:$0x13100] =	vst v63  }
0x218: {  	s5 =	simm.s32 $0x12E00;
	s0 =	sadd.s32 $0x80, s0  }
0x219: {  	[hbm4b:s0+s2] =	stream.linear.scatter [tilespmem:s5], [sflag:$0x6], $0x100, $0x38;
	[tilespmem:$0x13100] =	vst v63  }
0x21a: {  	v3 =	vld [tilespmem:s28+$0x140];
	_ =	sdelay $0x4  }
0x21b: {  	v4 =	vshll.u32 v3, $0x1  }
0x21c: {  	v3 =	vand.u32 $0x7, v3;
	v4 =	vand.u32 $0xFFFFFFF0, v4  }
0x21d: {  	v3 =	vor.u32 v3, v4  }
0x21e: {  	v4 =	vperm.xlane v3, v0;
	_ =	sdelay $0x1  }
0x21f: {  	v3 =	vperm.xlane v3, v2;
	v4 =	vadd.s32 v1, v4;
	_ =	sdelay $0x1  }
0x220: {  	v3 =	vadd.s32 v1, v3;
	_ =	sdelay $0x1  }
0x221: {  	s10 =	simm.s32 $0x6900  }
0x222: {  	[tilespmem:s10], [sflag:$0x2] =	stream.indirect_vreg.gather [hbm4b:s3+s2], $0x80, v4, vm0, $0xb8;
	[tilespmem:$0x13100] =	vst v63  }
0x223: {  	s12 =	simm.s32 $0x7100  }
0x224: {  	[tilespmem:s12], [sflag:$0x2] =	stream.indirect_vreg.gather [hbm4b:s3+s2], $0x80, v3, vm0, $0xb8;
	[tilespmem:$0x13100] =	vst v63  }
0x225: {  	v3 =	vld [tilespmem:s28+$0x150];
	_ =	sdelay $0x4  }
0x226: {  	v4 =	vshll.u32 v3, $0x1  }
0x227: {  	v3 =	vand.u32 $0x7, v3;
	v4 =	vand.u32 $0xFFFFFFF0, v4  }
0x228: {  	v3 =	vor.u32 v3, v4  }
0x229: {  	v4 =	vperm.xlane v3, v0;
	_ =	sdelay $0x1  }
0x22a: {  	v3 =	vperm.xlane v3, v2;
	v4 =	vadd.s32 v1, v4;
	_ =	sdelay $0x1  }
0x22b: {  	v3 =	vadd.s32 v1, v3;
	_ =	sdelay $0x1  }
0x22c: {  	s31 =	simm.s32 $0x7900  }
0x22d: {  	[tilespmem:s31], [sflag:$0x2] =	stream.indirect_vreg.gather [hbm4b:s3+s2], $0x80, v4, vm0, $0xb8;
	[tilespmem:$0x13100] =	vst v63  }
0x22e: {  	s1 =	simm.s32 $0x8100  }
0x22f: {  	[tilespmem:s1], [sflag:$0x2] =	stream.indirect_vreg.gather [hbm4b:s3+s2], $0x80, v3, vm0, $0xb8;
	[tilespmem:$0x13100] =	vst v63  }
0x230: {  	v3 =	vld [tilespmem:s28+$0x160];
	_ =	sdelay $0x4  }
0x231: {  	v4 =	vshll.u32 v3, $0x1  }
0x232: {  	v3 =	vand.u32 $0x7, v3;
	v4 =	vand.u32 $0xFFFFFFF0, v4  }
0x233: {  	v3 =	vor.u32 v3, v4  }
0x234: {  	v4 =	vperm.xlane v3, v0;
	_ =	sdelay $0x1  }
0x235: {  	v3 =	vperm.xlane v3, v2;
	v4 =	vadd.s32 v1, v4;
	_ =	sdelay $0x1  }
0x236: {  	v3 =	vadd.s32 v1, v3;
	_ =	sdelay $0x1  }
0x237: {  	s5 =	simm.s32 $0x8900  }
0x238: {  	[tilespmem:s5], [sflag:$0x2] =	stream.indirect_vreg.gather [hbm4b:s3+s2], $0x80, v4, vm0, $0xb8;
	[tilespmem:$0x13100] =	vst v63  }
0x239: {  	s10 =	simm.s32 $0x9100  }
0x23a: {  	[tilespmem:s10], [sflag:$0x2] =	stream.indirect_vreg.gather [hbm4b:s3+s2], $0x80, v3, vm0, $0xb8;
	[tilespmem:$0x13100] =	vst v63  }
0x23b: {  	v3 =	vld [tilespmem:s28+$0x170];
	_ =	sdelay $0x4  }
0x23c: {  	v4 =	vshll.u32 v3, $0x1  }
0x23d: {  	v3 =	vand.u32 $0x7, v3;
	v4 =	vand.u32 $0xFFFFFFF0, v4  }
0x23e: {  	v3 =	vor.u32 v3, v4  }
0x23f: {  	v4 =	vperm.xlane v3, v0;
	_ =	sdelay $0x1  }
0x240: {  	v3 =	vperm.xlane v3, v2;
	v4 =	vadd.s32 v1, v4;
	_ =	sdelay $0x1  }
0x241: {  	v3 =	vadd.s32 v1, v3;
	_ =	sdelay $0x1  }
0x242: {  	s12 =	simm.s32 $0x9900  }
0x243: {  	[tilespmem:s12], [sflag:$0x2] =	stream.indirect_vreg.gather [hbm4b:s3+s2], $0x80, v4, vm0, $0xb8;
	[tilespmem:$0x13100] =	vst v63  }
0x244: {  	s31 =	simm.s32 $0xA100  }
0x245: {  	[tilespmem:s31], [sflag:$0x2] =	stream.indirect_vreg.gather [hbm4b:s3+s2], $0x80, v3, vm0, $0xb8;
	[tilespmem:$0x13100] =	vst v63  }
0x246: {  	_ =	swait.ge [sflag:s24], $0x4000  }
0x247: {  	[sflag:s24] =	ssyncset.done $0x0  }
0x248: {  	s1 =	simm.s32 @!p0 $0x7;
	[sflag:s24] =	ssyncadd.s32 $0xFFFFC000  }
0x249: {  	s0 =	simm.s32 $0x0;
	_ =	swait.ge @!p0 [sflag:s1], $0x200  }
0x24a: {  	s30 =	sand.u32 $0x400, s0;
	s5 =	sand.u32 $0x70, s0;
	[sflag:s1] =	ssyncset.done @!p0 $0x0  }
0x24b: {  	s30 =	sor.u32 s5, s30;
	[sflag:s1] =	ssyncadd.s32 @!p0 $0xFFFFFE00  }
0x24c: {  	v3 =	vld [tilespmem:s30+$0xC480]  }
0x24d: {  	v4 =	vld [tilespmem:s30+$0xC400]  }
0x24e: {  	v5 =	vld [tilespmem:s30+$0xC380]  }
0x24f: {  	v6 =	vld [tilespmem:s30+$0xC300]  }
0x250: {  	v7 =	vld [tilespmem:s30+$0xC280]  }
0x251: {  	v8 =	vld [tilespmem:s30+$0xC200]  }
0x252: {  	v9 =	vld [tilespmem:s30+$0xC180]  }
0x253: {  	v10 =	vld [tilespmem:s30+$0xC100]  }
0x254: {  	v11 =	vld [tilespmem:s30+$0xBC80]  }
0x255: {  	v12 =	vld [tilespmem:s30+$0xBC00]  }
0x256: {  	v13 =	vld [tilespmem:s30+$0xBB80]  }
0x257: {  	v14 =	vld [tilespmem:s30+$0xBB00]  }
0x258: {  	v15 =	vld [tilespmem:s30+$0xBA80]  }
0x259: {  	v16 =	vld [tilespmem:s30+$0xBA00]  }
0x25a: {  	v17 =	vld [tilespmem:s30+$0xB900]  }
0x25b: {  	s1 =	simm.s32 $0x10;
	v18 =	vld [tilespmem:s30+$0xD900]  }
.LBB2_7:
0x25c: {  	p1 =	sne.s32 s1, $0xF0;
	v19 =	vld [tilespmem:s30+$0xB980]  }
0x25d: {  	v20 =	vld [tilespmem:s30+$0xD980]  }
0x25e: {  	v21 =	vld [tilespmem:s30+$0xDA00]  }
0x25f: {  	v22 =	vld [tilespmem:s30+$0xDA80]  }
0x260: {  	v23 =	vld [tilespmem:s30+$0xDB00]  }
0x261: {  	v24 =	vld [tilespmem:s30+$0xDB80]  }
0x262: {  	v17 =	vadd.f32 v18, v17;
	v18 =	vadd.f32 v20, v19;
	v19 =	vld [tilespmem:s30+$0xDC00]  }
0x263: {  	v16 =	vadd.f32 v21, v16;
	v20 =	vld [tilespmem:s30+$0xDC80]  }
0x264: {  	v17 =	vmax.f32 v17, v18;
	v15 =	vadd.f32 v22, v15;
	v18 =	vld [tilespmem:s30+$0xE100]  }
0x265: {  	v16 =	vmax.f32 v17, v16;
	v14 =	vadd.f32 v23, v14;
	v17 =	vld [tilespmem:s30+$0xE180]  }
0x266: {  	v15 =	vmax.f32 v16, v15;
	v13 =	vadd.f32 v24, v13;
	v16 =	vld [tilespmem:s30+$0xE200]  }
0x267: {  	v14 =	vmax.f32 v15, v14;
	v12 =	vadd.f32 v19, v12;
	v15 =	vld [tilespmem:s30+$0xE280]  }
0x268: {  	v13 =	vmax.f32 v14, v13;
	v11 =	vadd.f32 v20, v11;
	v14 =	vld [tilespmem:s30+$0xE300]  }
0x269: {  	v12 =	vmax.f32 v13, v12;
	v10 =	vadd.f32 v18, v10;
	v13 =	vld [tilespmem:s30+$0xE380]  }
0x26a: {  	v11 =	vmax.f32 v12, v11;
	v9 =	vadd.f32 v17, v9;
	v12 =	vld [tilespmem:s30+$0xE400]  }
0x26b: {  	v10 =	vmax.f32 v11, v10;
	v8 =	vadd.f32 v16, v8;
	v11 =	vld [tilespmem:s30+$0xE480]  }
0x26c: {  	v16 =	vld [tilespmem:s30+$0xA900];
	v9 =	vmax.f32 v10, v9;
	v7 =	vadd.f32 v15, v7  }
0x26d: {  	v10 =	vld [tilespmem:s30+$0xC900];
	v8 =	vmax.f32 v9, v8;
	v6 =	vadd.f32 v14, v6  }
0x26e: {  	v9 =	vld [tilespmem:s30+$0xA980];
	v7 =	vmax.f32 v8, v7;
	v5 =	vadd.f32 v13, v5  }
0x26f: {  	v8 =	vld [tilespmem:s30+$0xC980];
	v6 =	vmax.f32 v7, v6;
	v4 =	vadd.f32 v12, v4  }
0x270: {  	v7 =	vld [tilespmem:s30+$0xAA00];
	v5 =	vmax.f32 v6, v5;
	v3 =	vadd.f32 v11, v3  }
0x271: {  	v6 =	vld [tilespmem:s30+$0xCA00];
	v4 =	vmax.f32 v5, v4  }
0x272: {  	v5 =	vadd.f32 v10, v16;
	v10 =	vld [tilespmem:s30+$0xAA80];
	v3 =	vmax.f32 v4, v3  }
0x273: {  	v4 =	vld [tilespmem:s30+$0xCA80];
	v3 =	vmax.f32 v3, $0.0e+00  }
0x274: {  	v8 =	vadd.f32 v8, v9;
	v9 =	vld [tilespmem:s30+$0xAB00];
	[tilespmem:s30+$0x12B80] =	vst v3  }
0x275: {  	v3 =	vld [tilespmem:s30+$0xCB00]  }
0x276: {  	v5 =	vmax.f32 v5, v8;
	v6 =	vadd.f32 v6, v7;
	v7 =	vld [tilespmem:s30+$0xAB80]  }
0x277: {  	v8 =	vld [tilespmem:s30+$0xCB80]  }
0x278: {  	v5 =	vmax.f32 v5, v6;
	v4 =	vadd.f32 v4, v10;
	v6 =	vld [tilespmem:s30+$0xAC00]  }
0x279: {  	v10 =	vld [tilespmem:s30+$0xCC00]  }
0x27a: {  	v4 =	vmax.f32 v5, v4;
	v3 =	vadd.f32 v3, v9;
	v5 =	vld [tilespmem:s30+$0xAC80]  }
0x27b: {  	v9 =	vld [tilespmem:s30+$0xCC80]  }
0x27c: {  	v3 =	vmax.f32 v4, v3;
	v4 =	vadd.f32 v8, v7;
	v7 =	vld [tilespmem:s30+$0xB100]  }
0x27d: {  	v8 =	vld [tilespmem:s30+$0xD100]  }
0x27e: {  	v3 =	vmax.f32 v3, v4;
	v4 =	vadd.f32 v10, v6;
	v6 =	vld [tilespmem:s30+$0xB180]  }
0x27f: {  	v10 =	vld [tilespmem:s30+$0xD180]  }
0x280: {  	v3 =	vmax.f32 v3, v4;
	v4 =	vadd.f32 v9, v5;
	v5 =	vld [tilespmem:s30+$0xB200]  }
0x281: {  	v9 =	vld [tilespmem:s30+$0xD200]  }
0x282: {  	v3 =	vmax.f32 v3, v4;
	v4 =	vadd.f32 v8, v7;
	v7 =	vld [tilespmem:s30+$0xB280]  }
0x283: {  	v8 =	vld [tilespmem:s30+$0xD280]  }
0x284: {  	v3 =	vmax.f32 v3, v4;
	v4 =	vadd.f32 v10, v6;
	v6 =	vld [tilespmem:s30+$0xB300]  }
0x285: {  	v10 =	vld [tilespmem:s30+$0xD300]  }
0x286: {  	v3 =	vmax.f32 v3, v4;
	v4 =	vadd.f32 v9, v5;
	v5 =	vld [tilespmem:s30+$0xB380]  }
0x287: {  	v9 =	vld [tilespmem:s30+$0xD380]  }
0x288: {  	v3 =	vmax.f32 v3, v4;
	v4 =	vadd.f32 v8, v7;
	v7 =	vld [tilespmem:s30+$0xB400]  }
0x289: {  	s0 =	sadd.s32 $0x80, s0;
	v8 =	vld [tilespmem:s30+$0xD400]  }
0x28a: {  	s5 =	sand.u32 $0x70, s1;
	s31 =	sand.u32 $0x400, s0;
	v4 =	vmax.f32 v3, v4;
	v6 =	vadd.f32 v10, v6;
	v10 =	vld [tilespmem:s30+$0xB480]  }
0x28b: {  	s5 =	sor.u32 s5, s31;
	v11 =	vld [tilespmem:s30+$0xD480]  }
0x28c: {  	v3 =	vld [tilespmem:s5+$0xC480];
	v6 =	vmax.f32 v4, v6;
	v9 =	vadd.f32 v9, v5  }
0x28d: {  	v4 =	vld [tilespmem:s5+$0xC400]  }
0x28e: {  	v5 =	vld [tilespmem:s5+$0xC380];
	v9 =	vmax.f32 v6, v9;
	v8 =	vadd.f32 v8, v7  }
0x28f: {  	v6 =	vld [tilespmem:s5+$0xC300]  }
0x290: {  	v7 =	vld [tilespmem:s5+$0xC280];
	v12 =	vmax.f32 v9, v8;
	v10 =	vadd.f32 v11, v10  }
0x291: {  	v8 =	vld [tilespmem:s5+$0xC200]  }
0x292: {  	v9 =	vld [tilespmem:s5+$0xC180];
	v11 =	vmax.f32 v12, v10  }
0x293: {  	v10 =	vld [tilespmem:s5+$0xC100];
	v12 =	vmax.f32 v11, $0.0e+00  }
0x294: {  	v11 =	vld [tilespmem:s5+$0xBC80];
	[tilespmem:s30+$0x12B00] =	vst v12;
	s30 =	smov.u32 s5  }
0x295: {  	v12 =	vld [tilespmem:s30+$0xBC00]  }
0x296: {  	v13 =	vld [tilespmem:s30+$0xBB80]  }
.Ltmp2:
0x297: {  	v14 =	vld [tilespmem:s30+$0xBB00];
	(pc) =	sbr.rel @p1 .LBB2_7-.Ltmp2, $4  }
0x298: {  	v15 =	vld [tilespmem:s30+$0xBA80]  }
0x299: {  	v16 =	vld [tilespmem:s30+$0xBA00]  }
0x29a: {  	v17 =	vld [tilespmem:s30+$0xB900]  }
0x29b: {  	s1 =	sadd.s32 $0x10, s1;
	v18 =	vld [tilespmem:s30+$0xD900]  }
0x29c: {  	v19 =	vld [tilespmem:s30+$0xB980]  }
0x29d: {  	v20 =	vld [tilespmem:s30+$0xD980]  }
0x29e: {  	v21 =	vld [tilespmem:s30+$0xDA00]  }
0x29f: {  	v22 =	vld [tilespmem:s30+$0xDA80]  }
0x2a0: {  	v23 =	vld [tilespmem:s30+$0xDB00]  }
0x2a1: {  	v24 =	vld [tilespmem:s30+$0xDB80]  }
0x2a2: {  	v25 =	vld [tilespmem:s30+$0xDC00]  }
0x2a3: {  	v17 =	vadd.f32 v18, v17;
	v18 =	vadd.f32 v20, v19;
	v19 =	vld [tilespmem:s30+$0xDC80]  }
0x2a4: {  	v20 =	vld [tilespmem:s30+$0xE100]  }
0x2a5: {  	v16 =	vadd.f32 v21, v16;
	v21 =	vld [tilespmem:s30+$0xB180]  }
0x2a6: {  	v15 =	vadd.f32 v22, v15;
	v22 =	vld [tilespmem:s30+$0xD180]  }
0x2a7: {  	v14 =	vadd.f32 v23, v14;
	v23 =	vld [tilespmem:s30+$0xB200]  }
0x2a8: {  	v13 =	vadd.f32 v24, v13;
	v24 =	vld [tilespmem:s30+$0xD200]  }
0x2a9: {  	v17 =	vmax.f32 v17, v18;
	v18 =	vld [tilespmem:s30+$0xE180]  }
0x2aa: {  	v16 =	vmax.f32 v17, v16;
	v17 =	vld [tilespmem:s30+$0xE200]  }
0x2ab: {  	v15 =	vmax.f32 v16, v15;
	v16 =	vld [tilespmem:s30+$0xE280]  }
0x2ac: {  	v14 =	vmax.f32 v15, v14;
	v15 =	vld [tilespmem:s30+$0xE300]  }
0x2ad: {  	v11 =	vadd.f32 v19, v11;
	v19 =	vld [tilespmem:s30+$0xB100]  }
0x2ae: {  	v12 =	vadd.f32 v25, v12;
	v10 =	vadd.f32 v20, v10;
	v20 =	vld [tilespmem:s30+$0xD100]  }
0x2af: {  	v13 =	vmax.f32 v14, v13;
	v14 =	vld [tilespmem:s30+$0xE380]  }
0x2b0: {  	v12 =	vmax.f32 v13, v12;
	v13 =	vld [tilespmem:s30+$0xE400]  }
0x2b1: {  	v9 =	vadd.f32 v18, v9;
	v18 =	vld [tilespmem:s30+$0xCC80]  }
0x2b2: {  	v11 =	vmax.f32 v12, v11;
	v12 =	vld [tilespmem:s30+$0xE480]  }
0x2b3: {  	v8 =	vadd.f32 v17, v8;
	v17 =	vld [tilespmem:s30+$0xAC80]  }
0x2b4: {  	v10 =	vmax.f32 v11, v10;
	v11 =	vld [tilespmem:s30+$0xA900]  }
0x2b5: {  	v7 =	vadd.f32 v16, v7;
	v16 =	vld [tilespmem:s30+$0xCC00]  }
0x2b6: {  	v9 =	vmax.f32 v10, v9;
	v10 =	vld [tilespmem:s30+$0xC900]  }
0x2b7: {  	v6 =	vadd.f32 v15, v6;
	v15 =	vld [tilespmem:s30+$0xAC00]  }
0x2b8: {  	v8 =	vmax.f32 v9, v8;
	v9 =	vld [tilespmem:s30+$0xA980]  }
0x2b9: {  	v5 =	vadd.f32 v14, v5;
	v14 =	vld [tilespmem:s30+$0xCB80]  }
0x2ba: {  	v7 =	vmax.f32 v8, v7;
	v8 =	vld [tilespmem:s30+$0xC980]  }
0x2bb: {  	v4 =	vadd.f32 v13, v4;
	v6 =	vmax.f32 v7, v6;
	v7 =	vld [tilespmem:s30+$0xAA00]  }
0x2bc: {  	v3 =	vadd.f32 v12, v3;
	v12 =	vld [tilespmem:s30+$0xAB00];
	v5 =	vmax.f32 v6, v5  }
0x2bd: {  	v6 =	vld [tilespmem:s30+$0xCA00];
	v4 =	vmax.f32 v5, v4  }
0x2be: {  	v5 =	vld [tilespmem:s30+$0xAA80];
	v3 =	vmax.f32 v4, v3  }
0x2bf: {  	v4 =	vld [tilespmem:s30+$0xCA80];
	v3 =	vmax.f32 v3, $0.0e+00  }
0x2c0: {  	[tilespmem:s30+$0x12B80] =	vst v3;
	v3 =	vld [tilespmem:s30+$0xCB00]  }
0x2c1: {  	v13 =	vld [tilespmem:s30+$0xAB80]  }
0x2c2: {  	v10 =	vadd.f32 v10, v11;
	v11 =	vld [tilespmem:s30+$0xD380];
	v8 =	vadd.f32 v8, v9  }
0x2c3: {  	v9 =	vld [tilespmem:s30+$0xB280];
	v6 =	vadd.f32 v6, v7  }
0x2c4: {  	v7 =	vld [tilespmem:s30+$0xD280];
	v8 =	vmax.f32 v10, v8;
	v4 =	vadd.f32 v4, v5  }
0x2c5: {  	v10 =	vld [tilespmem:s30+$0xB380];
	v6 =	vmax.f32 v8, v6;
	v3 =	vadd.f32 v3, v12  }
0x2c6: {  	v5 =	vld [tilespmem:s30+$0xB300];
	v4 =	vmax.f32 v6, v4;
	v6 =	vadd.f32 v14, v13  }
0x2c7: {  	v8 =	vld [tilespmem:s30+$0xD300];
	v3 =	vmax.f32 v4, v3;
	v4 =	vadd.f32 v16, v15  }
0x2c8: {  	v12 =	vld [tilespmem:s30+$0xB400];
	v3 =	vmax.f32 v3, v6;
	v6 =	vadd.f32 v18, v17  }
0x2c9: {  	v13 =	vld [tilespmem:s30+$0xD400];
	v3 =	vmax.f32 v3, v4;
	v4 =	vadd.f32 v20, v19  }
0x2ca: {  	v14 =	vld [tilespmem:s30+$0xB480];
	v3 =	vmax.f32 v3, v6;
	v6 =	vadd.f32 v22, v21  }
0x2cb: {  	v15 =	vld [tilespmem:s30+$0xD480];
	v3 =	vmax.f32 v3, v4;
	v4 =	vadd.f32 v24, v23  }
0x2cc: {  	v3 =	vmax.f32 v3, v6;
	v6 =	vadd.f32 v7, v9  }
0x2cd: {  	v3 =	vmax.f32 v3, v4;
	v4 =	vadd.f32 v8, v5  }
0x2ce: {  	v5 =	vadd.f32 v11, v10;
	v3 =	vmax.f32 v3, v6  }
0x2cf: {  	v3 =	vmax.f32 v3, v4;
	v4 =	vadd.f32 v13, v12  }
0x2d0: {  	v3 =	vmax.f32 v3, v5;
	v5 =	vadd.f32 v15, v14  }
0x2d1: {  	v3 =	vmax.f32 v3, v4  }
0x2d2: {  	v3 =	vmax.f32 v3, v5  }
0x2d3: {  	v3 =	vmax.f32 v3, $0.0e+00  }
0x2d4: {  	s0 =	sadd.s32 s29, s8;
	s1 =	simm.s32 $0x12B00;
	[tilespmem:s30+$0x12B00] =	vst v3  }
0x2d5: {  	[hbm4b:s0+s2] =	stream.linear.scatter [tilespmem:s1], [sflag:$0x7], $0x100, $0x38;
	[tilespmem:$0x13100] =	vst v63  }
0x2d6: {  	s12 =	simm.s32 $0x12F00;
	s0 =	sadd.s32 $0x80, s0  }
0x2d7: {  	[hbm4b:s0+s2] =	stream.linear.scatter [tilespmem:s12], [sflag:$0x7], $0x100, $0x38;
	[tilespmem:$0x13100] =	vst v63  }
0x2d8: {  	v3 =	vld [tilespmem:s28+$0x180];
	_ =	sdelay $0x4  }
0x2d9: {  	v4 =	vshll.u32 v3, $0x1  }
0x2da: {  	v3 =	vand.u32 $0x7, v3;
	v4 =	vand.u32 $0xFFFFFFF0, v4  }
0x2db: {  	v3 =	vor.u32 v3, v4  }
0x2dc: {  	v4 =	vperm.xlane v3, v0;
	_ =	sdelay $0x1  }
0x2dd: {  	v3 =	vperm.xlane v3, v2;
	v4 =	vadd.s32 v1, v4;
	_ =	sdelay $0x1  }
0x2de: {  	v3 =	vadd.s32 v1, v3;
	_ =	sdelay $0x1  }
0x2df: {  	s1 =	simm.s32 $0xA900  }
0x2e0: {  	[tilespmem:s1], [sflag:$0x3] =	stream.indirect_vreg.gather [hbm4b:s3+s2], $0x80, v4, vm0, $0xb8;
	[tilespmem:$0x13100] =	vst v63  }
0x2e1: {  	s5 =	simm.s32 $0xB100  }
0x2e2: {  	[tilespmem:s5], [sflag:$0x3] =	stream.indirect_vreg.gather [hbm4b:s3+s2], $0x80, v3, vm0, $0xb8;
	[tilespmem:$0x13100] =	vst v63  }
0x2e3: {  	v3 =	vld [tilespmem:s28+$0x190];
	_ =	sdelay $0x4  }
0x2e4: {  	v4 =	vshll.u32 v3, $0x1  }
0x2e5: {  	v3 =	vand.u32 $0x7, v3;
	v4 =	vand.u32 $0xFFFFFFF0, v4  }
0x2e6: {  	v3 =	vor.u32 v3, v4  }
0x2e7: {  	v4 =	vperm.xlane v3, v0;
	_ =	sdelay $0x1  }
0x2e8: {  	v3 =	vperm.xlane v3, v2;
	v4 =	vadd.s32 v1, v4;
	_ =	sdelay $0x1  }
0x2e9: {  	v3 =	vadd.s32 v1, v3;
	_ =	sdelay $0x1  }
0x2ea: {  	s10 =	simm.s32 $0xB900  }
0x2eb: {  	[tilespmem:s10], [sflag:$0x3] =	stream.indirect_vreg.gather [hbm4b:s3+s2], $0x80, v4, vm0, $0xb8;
	[tilespmem:$0x13100] =	vst v63  }
0x2ec: {  	s12 =	simm.s32 $0xC100  }
0x2ed: {  	[tilespmem:s12], [sflag:$0x3] =	stream.indirect_vreg.gather [hbm4b:s3+s2], $0x80, v3, vm0, $0xb8;
	[tilespmem:$0x13100] =	vst v63  }
0x2ee: {  	v3 =	vld [tilespmem:s28+$0x1A0];
	_ =	sdelay $0x4  }
0x2ef: {  	v4 =	vshll.u32 v3, $0x1  }
0x2f0: {  	v3 =	vand.u32 $0x7, v3;
	v4 =	vand.u32 $0xFFFFFFF0, v4  }
0x2f1: {  	v3 =	vor.u32 v3, v4  }
0x2f2: {  	v4 =	vperm.xlane v3, v0;
	_ =	sdelay $0x1  }
0x2f3: {  	v3 =	vperm.xlane v3, v2;
	v4 =	vadd.s32 v1, v4;
	_ =	sdelay $0x1  }
0x2f4: {  	v3 =	vadd.s32 v1, v3;
	_ =	sdelay $0x1  }
0x2f5: {  	s1 =	simm.s32 $0xC900  }
0x2f6: {  	[tilespmem:s1], [sflag:$0x3] =	stream.indirect_vreg.gather [hbm4b:s3+s2], $0x80, v4, vm0, $0xb8;
	[tilespmem:$0x13100] =	vst v63  }
0x2f7: {  	s5 =	simm.s32 $0xD100  }
0x2f8: {  	[tilespmem:s5], [sflag:$0x3] =	stream.indirect_vreg.gather [hbm4b:s3+s2], $0x80, v3, vm0, $0xb8;
	[tilespmem:$0x13100] =	vst v63  }
0x2f9: {  	v3 =	vld [tilespmem:s28+$0x1B0];
	_ =	sdelay $0x4  }
0x2fa: {  	v4 =	vshll.u32 v3, $0x1  }
0x2fb: {  	v3 =	vand.u32 $0x7, v3;
	v4 =	vand.u32 $0xFFFFFFF0, v4  }
0x2fc: {  	v3 =	vor.u32 v3, v4  }
0x2fd: {  	v4 =	vperm.xlane v3, v0;
	_ =	sdelay $0x1  }
0x2fe: {  	v3 =	vperm.xlane v3, v2;
	v4 =	vadd.s32 v1, v4;
	_ =	sdelay $0x1  }
0x2ff: {  	v3 =	vadd.s32 v1, v3;
	_ =	sdelay $0x1  }
0x300: {  	s10 =	simm.s32 $0xD900  }
0x301: {  	[tilespmem:s10], [sflag:$0x3] =	stream.indirect_vreg.gather [hbm4b:s3+s2], $0x80, v4, vm0, $0xb8;
	[tilespmem:$0x13100] =	vst v63  }
0x302: {  	_ = 	snop  }
0x303: {  	[tilespmem:s13], [sflag:$0x3] =	stream.indirect_vreg.gather [hbm4b:s3+s2], $0x80, v3, vm0, $0xb8;
	[tilespmem:$0x13100] =	vst v63  }
0x304: {  	_ =	swait.ge [sflag:s25], $0x4000  }
0x305: {  	[sflag:s25] =	ssyncset.done $0x0  }
0x306: {  	s0 =	simm.s32 @!p0 $0x8;
	[sflag:s25] =	ssyncadd.s32 $0xFFFFC000  }
0x307: {  	s30 =	simm.s32 $0x0;
	_ =	swait.ge @!p0 [sflag:s0], $0x200  }
0x308: {  	s12 =	sand.u32 $0x70, s30;
	s5 =	sand.u32 $0x400, s30;
	[sflag:s0] =	ssyncset.done @!p0 $0x0  }
0x309: {  	s31 =	sor.u32 s12, s5;
	[sflag:s0] =	ssyncadd.s32 @!p0 $0xFFFFFE00  }
0x30a: {  	v3 =	vld [tilespmem:s31+$0x10480]  }
0x30b: {  	v12 =	vld [tilespmem:s31+$0xF480]  }
0x30c: {  	v13 =	vld [tilespmem:s31+$0x11480]  }
0x30d: {  	v4 =	vld [tilespmem:s31+$0x10400]  }
0x30e: {  	v48 =	vld [tilespmem:s31+$0xF400]  }
0x30f: {  	v49 =	vld [tilespmem:s31+$0x11400]  }
0x310: {  	v5 =	vld [tilespmem:s31+$0x10380]  }
0x311: {  	v15 =	vld [tilespmem:s31+$0xF380]  }
0x312: {  	v50 =	vld [tilespmem:s31+$0x11380]  }
0x313: {  	v6 =	vld [tilespmem:s31+$0x10300]  }
0x314: {  	v17 =	vld [tilespmem:s31+$0xF300]  }
0x315: {  	v19 =	vld [tilespmem:s31+$0x11300]  }
0x316: {  	v7 =	vld [tilespmem:s31+$0x10280]  }
0x317: {  	v20 =	vld [tilespmem:s31+$0xF280]  }
0x318: {  	v22 =	vld [tilespmem:s31+$0x11280]  }
0x319: {  	v8 =	vld [tilespmem:s31+$0x10200]  }
0x31a: {  	v21 =	vld [tilespmem:s31+$0xF200]  }
0x31b: {  	v23 =	vld [tilespmem:s31+$0x11200]  }
0x31c: {  	v9 =	vld [tilespmem:s31+$0x10180]  }
0x31d: {  	v25 =	vld [tilespmem:s31+$0xF180]  }
0x31e: {  	v27 =	vld [tilespmem:s31+$0x11180]  }
0x31f: {  	v10 =	vld [tilespmem:s31+$0x10100]  }
0x320: {  	v26 =	vld [tilespmem:s31+$0xF100]  }
0x321: {  	v28 =	vld [tilespmem:s31+$0x11100]  }
0x322: {  	v11 =	vld [tilespmem:s31+$0xFC80]  }
0x323: {  	v30 =	vld [tilespmem:s31+$0xEC80]  }
0x324: {  	v33 =	vld [tilespmem:s31+$0x10C80]  }
0x325: {  	v14 =	vld [tilespmem:s31+$0xFC00]  }
0x326: {  	v31 =	vld [tilespmem:s31+$0xEC00]  }
0x327: {  	v34 =	vld [tilespmem:s31+$0x10C00]  }
0x328: {  	v16 =	vld [tilespmem:s31+$0xFB80]  }
0x329: {  	v36 =	vld [tilespmem:s31+$0xEB80]  }
0x32a: {  	v38 =	vld [tilespmem:s31+$0x10B80]  }
0x32b: {  	v18 =	vld [tilespmem:s31+$0xFB00]  }
0x32c: {  	v37 =	vld [tilespmem:s31+$0xEB00]  }
0x32d: {  	v39 =	vld [tilespmem:s31+$0x10B00]  }
0x32e: {  	v24 =	vld [tilespmem:s31+$0xFA80]  }
0x32f: {  	v29 =	vld [tilespmem:s31+$0xEA80]  }
0x330: {  	v32 =	vld [tilespmem:s31+$0x10A80]  }
0x331: {  	v35 =	vld [tilespmem:s31+$0xFA00]  }
0x332: {  	v43 =	vld [tilespmem:s31+$0xEA00]  }
0x333: {  	v44 =	vld [tilespmem:s31+$0x10A00]  }
0x334: {  	v40 =	vld [tilespmem:s31+$0xF900]  }
0x335: {  	v41 =	vld [tilespmem:s31+$0x11900]  }
0x336: {  	v42 =	vld [tilespmem:s31+$0xF980]  }
0x337: {  	v45 =	vld [tilespmem:s31+$0x10900]  }
0x338: {  	v46 =	vld [tilespmem:s31+$0xE900];
	v12 =	vadd.f32 v13, v12  }
0x339: {  	s1 =	simm.s32 $0x10;
	s0 =	simm.s32 $0x0;
	v47 =	vld [tilespmem:s31+$0xE980];
	v15 =	vadd.f32 v50, v15;
	v13 =	vadd.f32 v49, v48  }
.LBB2_9:
0x33a: {  	p0 =	sne.s32 s1, $0xF0;
	v48 =	vld [tilespmem:s31+$0x10980];
	v20 =	vadd.f32 v22, v20;
	v17 =	vadd.f32 v19, v17  }
0x33b: {  	v19 =	vadd.f32 v27, v25;
	v21 =	vadd.f32 v23, v21;
	v22 =	vld [tilespmem:s31+$0x11980]  }
0x33c: {  	v23 =	vadd.f32 v33, v30;
	v25 =	vadd.f32 v28, v26;
	v26 =	vld [tilespmem:s31+$0x11A00]  }
0x33d: {  	v27 =	vadd.f32 v38, v36;
	v28 =	vadd.f32 v34, v31;
	v30 =	vld [tilespmem:s31+$0x11A80]  }
0x33e: {  	v31 =	vadd.f32 v44, v43;
	v33 =	vadd.f32 v39, v37;
	v34 =	vld [tilespmem:s31+$0x11B00]  }
0x33f: {  	v36 =	vadd.f32 v45, v46;
	v37 =	vadd.f32 v48, v47;
	v38 =	vld [tilespmem:s31+$0x11B80]  }
0x340: {  	v39 =	vadd.f32 v41, v40;
	v22 =	vadd.f32 v22, v42;
	v40 =	vld [tilespmem:s31+$0x11C00]  }
0x341: {  	v29 =	vadd.f32 v32, v29;
	v36 =	vmax.f32 v36, v37;
	v26 =	vadd.f32 v26, v35;
	v32 =	vld [tilespmem:s31+$0x11C80]  }
0x342: {  	v31 =	vmax.f32 v36, v31;
	v22 =	vmax.f32 v39, v22;
	v24 =	vadd.f32 v30, v24;
	v30 =	vld [tilespmem:s31+$0x12100]  }
0x343: {  	v29 =	vmax.f32 v31, v29;
	v22 =	vmax.f32 v22, v26;
	v18 =	vadd.f32 v34, v18;
	v26 =	vld [tilespmem:s31+$0x12180]  }
0x344: {  	v29 =	vmax.f32 v29, v33;
	v22 =	vmax.f32 v22, v24;
	v16 =	vadd.f32 v38, v16;
	v24 =	vld [tilespmem:s31+$0x12200]  }
0x345: {  	v27 =	vmax.f32 v29, v27;
	v18 =	vmax.f32 v22, v18;
	v14 =	vadd.f32 v40, v14;
	v22 =	vld [tilespmem:s31+$0x12280]  }
0x346: {  	v27 =	vmax.f32 v27, v28;
	v16 =	vmax.f32 v18, v16;
	v11 =	vadd.f32 v32, v11;
	v18 =	vld [tilespmem:s31+$0x12300]  }
0x347: {  	v23 =	vmax.f32 v27, v23;
	v14 =	vmax.f32 v16, v14;
	v10 =	vadd.f32 v30, v10;
	v16 =	vld [tilespmem:s31+$0x12380]  }
0x348: {  	v23 =	vmax.f32 v23, v25;
	v11 =	vmax.f32 v14, v11;
	v9 =	vadd.f32 v26, v9;
	v14 =	vld [tilespmem:s31+$0x12400]  }
0x349: {  	v19 =	vmax.f32 v23, v19;
	v10 =	vmax.f32 v11, v10;
	v8 =	vadd.f32 v24, v8;
	v11 =	vld [tilespmem:s31+$0x12480]  }
0x34a: {  	v19 =	vmax.f32 v19, v21;
	v9 =	vmax.f32 v10, v9;
	v7 =	vadd.f32 v22, v7  }
0x34b: {  	v10 =	vmax.f32 v19, v20;
	v8 =	vmax.f32 v9, v8;
	v6 =	vadd.f32 v18, v6  }
0x34c: {  	v9 =	vmax.f32 v10, v17;
	v7 =	vmax.f32 v8, v7;
	v5 =	vadd.f32 v16, v5  }
0x34d: {  	v8 =	vmax.f32 v9, v15;
	v6 =	vmax.f32 v7, v6;
	v4 =	vadd.f32 v14, v4  }
0x34e: {  	v7 =	vmax.f32 v8, v13;
	v5 =	vmax.f32 v6, v5;
	v3 =	vadd.f32 v11, v3  }
0x34f: {  	v6 =	vmax.f32 v7, v12;
	v4 =	vmax.f32 v5, v4  }
0x350: {  	s5 =	sor.u32 s0, s30;
	s0 =	sadd.s32 $0x80, s0;
	s30 =	smov.u32 s1;
	v5 =	vmax.f32 v6, $0.0e+00;
	v3 =	vmax.f32 v4, v3  }
0x351: {  	s10 =	sand.u32 $0x70, s1;
	s12 =	sand.u32 $0x400, s0;
	s5 =	sor.u32 $0x380, s5;
	[tilespmem:s31+$0x12C00] =	vst v5;
	v3 =	vmax.f32 v3, $0.0e+00  }
0x352: {  	s31 =	sor.u32 s10, s12;
	[tilespmem:s5+$0x12900] =	vst v3  }
0x353: {  	v3 =	vld [tilespmem:s31+$0x10480]  }
0x354: {  	v12 =	vld [tilespmem:s31+$0xF480]  }
0x355: {  	v13 =	vld [tilespmem:s31+$0x11480]  }
0x356: {  	v4 =	vld [tilespmem:s31+$0x10400]  }
0x357: {  	v48 =	vld [tilespmem:s31+$0xF400]  }
0x358: {  	v49 =	vld [tilespmem:s31+$0x11400]  }
0x359: {  	v5 =	vld [tilespmem:s31+$0x10380]  }
0x35a: {  	v15 =	vld [tilespmem:s31+$0xF380]  }
0x35b: {  	v50 =	vld [tilespmem:s31+$0x11380]  }
0x35c: {  	v6 =	vld [tilespmem:s31+$0x10300]  }
0x35d: {  	v17 =	vld [tilespmem:s31+$0xF300]  }
0x35e: {  	v19 =	vld [tilespmem:s31+$0x11300]  }
0x35f: {  	v7 =	vld [tilespmem:s31+$0x10280]  }
0x360: {  	v20 =	vld [tilespmem:s31+$0xF280]  }
0x361: {  	v22 =	vld [tilespmem:s31+$0x11280]  }
0x362: {  	v8 =	vld [tilespmem:s31+$0x10200]  }
0x363: {  	v21 =	vld [tilespmem:s31+$0xF200]  }
0x364: {  	v23 =	vld [tilespmem:s31+$0x11200]  }
0x365: {  	v9 =	vld [tilespmem:s31+$0x10180]  }
0x366: {  	v25 =	vld [tilespmem:s31+$0xF180]  }
0x367: {  	v27 =	vld [tilespmem:s31+$0x11180]  }
0x368: {  	v10 =	vld [tilespmem:s31+$0x10100]  }
0x369: {  	v26 =	vld [tilespmem:s31+$0xF100]  }
0x36a: {  	v28 =	vld [tilespmem:s31+$0x11100]  }
0x36b: {  	v11 =	vld [tilespmem:s31+$0xFC80]  }
0x36c: {  	v30 =	vld [tilespmem:s31+$0xEC80]  }
0x36d: {  	v33 =	vld [tilespmem:s31+$0x10C80]  }
0x36e: {  	v14 =	vld [tilespmem:s31+$0xFC00]  }
0x36f: {  	v31 =	vld [tilespmem:s31+$0xEC00]  }
0x370: {  	v34 =	vld [tilespmem:s31+$0x10C00]  }
0x371: {  	v16 =	vld [tilespmem:s31+$0xFB80]  }
0x372: {  	v36 =	vld [tilespmem:s31+$0xEB80]  }
0x373: {  	v38 =	vld [tilespmem:s31+$0x10B80]  }
0x374: {  	v18 =	vld [tilespmem:s31+$0xFB00]  }
0x375: {  	v37 =	vld [tilespmem:s31+$0xEB00]  }
0x376: {  	v39 =	vld [tilespmem:s31+$0x10B00]  }
0x377: {  	v24 =	vld [tilespmem:s31+$0xFA80]  }
0x378: {  	v29 =	vld [tilespmem:s31+$0xEA80]  }
0x379: {  	v32 =	vld [tilespmem:s31+$0x10A80]  }
0x37a: {  	v35 =	vld [tilespmem:s31+$0xFA00]  }
0x37b: {  	v43 =	vld [tilespmem:s31+$0xEA00]  }
0x37c: {  	v44 =	vld [tilespmem:s31+$0x10A00]  }
0x37d: {  	v40 =	vld [tilespmem:s31+$0xF900]  }
.Ltmp3:
0x37e: {  	v41 =	vld [tilespmem:s31+$0x11900];
	(pc) =	sbr.rel @p0 .LBB2_9-.Ltmp3, $4  }
0x37f: {  	v42 =	vld [tilespmem:s31+$0xF980]  }
0x380: {  	v45 =	vld [tilespmem:s31+$0x10900]  }
0x381: {  	v12 =	vadd.f32 v13, v12;
	v46 =	vld [tilespmem:s31+$0xE900]  }
0x382: {  	s1 =	sadd.s32 $0x10, s1;
	v13 =	vadd.f32 v49, v48;
	v15 =	vadd.f32 v50, v15;
	v47 =	vld [tilespmem:s31+$0xE980]  }
0x383: {  	v48 =	vld [tilespmem:s31+$0x10980];
	v20 =	vadd.f32 v22, v20;
	v17 =	vadd.f32 v19, v17  }
0x384: {  	v19 =	vadd.f32 v27, v25;
	v21 =	vadd.f32 v23, v21;
	v50 =	vld [tilespmem:s31+$0x11980]  }
0x385: {  	v51 =	vadd.f32 v33, v30;
	v52 =	vadd.f32 v28, v26;
	v53 =	vld [tilespmem:s31+$0x11A00]  }
0x386: {  	v54 =	vadd.f32 v38, v36;
	v55 =	vadd.f32 v34, v31;
	v56 =	vld [tilespmem:s31+$0x11A80]  }
0x387: {  	v57 =	vadd.f32 v44, v43;
	v58 =	vadd.f32 v39, v37;
	v59 =	vld [tilespmem:s31+$0x11B00]  }
0x388: {  	v62 =	vld [tilespmem:s31+$0x11B80];
	v60 =	vadd.f32 v45, v46;
	v61 =	vadd.f32 v48, v47  }
0x389: {  	v63 =	vadd.f32 v41, v40;
	v44 =	vld [tilespmem:s31+$0x11C00];
	v22 =	vadd.f32 v50, v42  }
0x38a: {  	v29 =	vadd.f32 v32, v29;
	v45 =	vld [tilespmem:s31+$0x11C80];
	v26 =	vadd.f32 v53, v35;
	v36 =	vmax.f32 v60, v61  }
0x38b: {  	v46 =	vld [tilespmem:s31+$0x12100];
	v24 =	vadd.f32 v56, v24;
	v22 =	vmax.f32 v63, v22;
	v31 =	vmax.f32 v36, v57  }
0x38c: {  	v18 =	vadd.f32 v59, v18;
	v47 =	vld [tilespmem:s31+$0x12180];
	v22 =	vmax.f32 v22, v26;
	v29 =	vmax.f32 v31, v29  }
0x38d: {  	v16 =	vadd.f32 v62, v16;
	v48 =	vld [tilespmem:s31+$0x12200];
	v22 =	vmax.f32 v22, v24;
	v29 =	vmax.f32 v29, v58  }
0x38e: {  	v49 =	vld [tilespmem:s31+$0x12280];
	v14 =	vadd.f32 v44, v14;
	v18 =	vmax.f32 v22, v18;
	v27 =	vmax.f32 v29, v54  }
0x38f: {  	v50 =	vld [tilespmem:s31+$0x12300];
	v11 =	vadd.f32 v45, v11;
	v16 =	vmax.f32 v18, v16;
	v27 =	vmax.f32 v27, v55  }
0x390: {  	v10 =	vadd.f32 v46, v10;
	v14 =	vmax.f32 v16, v14;
	v23 =	vmax.f32 v27, v51;
	v51 =	vld [tilespmem:s31+$0x12380]  }
0x391: {  	v9 =	vadd.f32 v47, v9;
	v11 =	vmax.f32 v14, v11;
	v23 =	vmax.f32 v23, v52;
	v52 =	vld [tilespmem:s31+$0x12400]  }
0x392: {  	v53 =	vld [tilespmem:s31+$0x12480];
	v8 =	vadd.f32 v48, v8;
	v10 =	vmax.f32 v11, v10;
	v19 =	vmax.f32 v23, v19  }
0x393: {  	v7 =	vadd.f32 v49, v7;
	v9 =	vmax.f32 v10, v9;
	v19 =	vmax.f32 v19, v21  }
0x394: {  	v6 =	vadd.f32 v50, v6;
	v8 =	vmax.f32 v9, v8;
	v54 =	vmax.f32 v19, v20  }
0x395: {  	v7 =	vmax.f32 v8, v7;
	v55 =	vmax.f32 v54, v17;
	v5 =	vadd.f32 v51, v5  }
0x396: {  	v6 =	vmax.f32 v7, v6;
	v56 =	vmax.f32 v55, v15;
	v4 =	vadd.f32 v52, v4  }
0x397: {  	v3 =	vadd.f32 v53, v3;
	v57 =	vmax.f32 v56, v13;
	v5 =	vmax.f32 v6, v5  }
0x398: {  	v58 =	vmax.f32 v57, v12;
	v4 =	vmax.f32 v5, v4  }
0x399: {  	s0 =	sor.u32 s0, s30;
	v59 =	vmax.f32 v58, $0.0e+00;
	v3 =	vmax.f32 v4, v3  }
0x39a: {  	s0 =	sor.u32 $0x380, s0;
	[tilespmem:s31+$0x12C00] =	vst v59;
	v3 =	vmax.f32 v3, $0.0e+00  }
0x39b: {  	s30 =	sadd.s32 s29, s9;
	s1 =	simm.s32 $0x12C00;
	[tilespmem:s0+$0x12900] =	vst v3  }
0x39c: {  	[hbm4b:s30+s2] =	stream.linear.scatter [tilespmem:s1], [sflag:$0x8], $0x100, $0x38;
	[tilespmem:$0x13100] =	vst v63  }
0x39d: {  	s31 =	simm.s32 $0x13000;
	s0 =	sadd.s32 $0x80, s30  }
0x39e: {  	[hbm4b:s0+s2] =	stream.linear.scatter [tilespmem:s31], [sflag:$0x8], $0x100, $0x38;
	[tilespmem:$0x13100] =	vst v63  }
0x39f: {  	v3 =	vld [tilespmem:s28+$0x1C0];
	_ =	sdelay $0x4  }
0x3a0: {  	v60 =	vshll.u32 v3, $0x1  }
0x3a1: {  	v3 =	vand.u32 $0x7, v3;
	v4 =	vand.u32 $0xFFFFFFF0, v60  }
0x3a2: {  	v3 =	vor.u32 v3, v4  }
0x3a3: {  	v4 =	vperm.xlane v3, v0;
	_ =	sdelay $0x1  }
0x3a4: {  	v3 =	vperm.xlane v3, v2;
	v4 =	vadd.s32 v1, v4;
	_ =	sdelay $0x1  }
0x3a5: {  	v3 =	vadd.s32 v1, v3;
	_ =	sdelay $0x2  }
0x3a6: {  	[tilespmem:s14], [sflag:$0x4] =	stream.indirect_vreg.gather [hbm4b:s3+s2], $0x80, v4, vm0, $0xb8;
	[tilespmem:$0x13100] =	vst v63  }
0x3a7: {  	_ = 	snop  }
0x3a8: {  	[tilespmem:s15], [sflag:$0x4] =	stream.indirect_vreg.gather [hbm4b:s3+s2], $0x80, v3, vm0, $0xb8;
	[tilespmem:$0x13100] =	vst v63  }
0x3a9: {  	v3 =	vld [tilespmem:s28+$0x1D0];
	_ =	sdelay $0x4  }
0x3aa: {  	v61 =	vshll.u32 v3, $0x1  }
0x3ab: {  	v3 =	vand.u32 $0x7, v3;
	v4 =	vand.u32 $0xFFFFFFF0, v61  }
0x3ac: {  	v3 =	vor.u32 v3, v4  }
0x3ad: {  	v4 =	vperm.xlane v3, v0;
	_ =	sdelay $0x1  }
0x3ae: {  	v3 =	vperm.xlane v3, v2;
	v4 =	vadd.s32 v1, v4;
	_ =	sdelay $0x1  }
0x3af: {  	v3 =	vadd.s32 v1, v3;
	_ =	sdelay $0x2  }
0x3b0: {  	[tilespmem:s16], [sflag:$0x4] =	stream.indirect_vreg.gather [hbm4b:s3+s2], $0x80, v4, vm0, $0xb8;
	[tilespmem:$0x13100] =	vst v63  }
0x3b1: {  	_ = 	snop  }
0x3b2: {  	[tilespmem:s17], [sflag:$0x4] =	stream.indirect_vreg.gather [hbm4b:s3+s2], $0x80, v3, vm0, $0xb8;
	[tilespmem:$0x13100] =	vst v63  }
0x3b3: {  	v3 =	vld [tilespmem:s28+$0x1E0];
	_ =	sdelay $0x4  }
0x3b4: {  	v62 =	vshll.u32 v3, $0x1  }
0x3b5: {  	v3 =	vand.u32 $0x7, v3;
	v4 =	vand.u32 $0xFFFFFFF0, v62  }
0x3b6: {  	v3 =	vor.u32 v3, v4  }
0x3b7: {  	v4 =	vperm.xlane v3, v0;
	_ =	sdelay $0x1  }
0x3b8: {  	v3 =	vperm.xlane v3, v2;
	v4 =	vadd.s32 v1, v4;
	_ =	sdelay $0x1  }
0x3b9: {  	v3 =	vadd.s32 v1, v3;
	_ =	sdelay $0x2  }
0x3ba: {  	[tilespmem:s18], [sflag:$0x4] =	stream.indirect_vreg.gather [hbm4b:s3+s2], $0x80, v4, vm0, $0xb8;
	[tilespmem:$0x13100] =	vst v63  }
0x3bb: {  	_ = 	snop  }
0x3bc: {  	[tilespmem:s19], [sflag:$0x4] =	stream.indirect_vreg.gather [hbm4b:s3+s2], $0x80, v3, vm0, $0xb8;
	[tilespmem:$0x13100] =	vst v63  }
0x3bd: {  	v3 =	vld [tilespmem:s28+$0x1F0];
	_ =	sdelay $0x4  }
0x3be: {  	v63 =	vshll.u32 v3, $0x1  }
0x3bf: {  	v3 =	vand.u32 $0x7, v3;
	v4 =	vand.u32 $0xFFFFFFF0, v63  }
0x3c0: {  	v3 =	vor.u32 v3, v4  }
0x3c1: {  	v4 =	vperm.xlane v3, v0;
	_ =	sdelay $0x1  }
0x3c2: {  	v3 =	vperm.xlane v3, v2;
	v4 =	vadd.s32 v1, v4  }
0x3c3: {  	s26 =	sadd.s32 $0x1, s26  }
0x3c4: {  	p0 =	sne.s32 s26, $0x28;
	v3 =	vadd.s32 v1, v3  }
.Ltmp4:
0x3c5: {  	_ = 	snop;
	(pc) =	sbr.rel @p0 .LBB2_2-.Ltmp4, $4  }
0x3c6: {  	_ = 	snop  }
0x3c7: {  	[tilespmem:s20], [sflag:$0x4] =	stream.indirect_vreg.gather [hbm4b:s3+s2], $0x80, v4, vm0, $0xb8;
	[tilespmem:$0x13100] =	vst v63  }
0x3c8: {  	_ = 	snop  }
0x3c9: {  	[tilespmem:s21], [sflag:$0x4] =	stream.indirect_vreg.gather [hbm4b:s3+s2], $0x80, v3, vm0, $0xb8;
	[tilespmem:$0x13100] =	vst v63  }
0x3ca: {  	_ =	swait.ge [sflag:s22], $0x4000  }
0x3cb: {  	[sflag:s22] =	ssyncset.done $0x0  }
0x3cc: {  	s0 =	simm.s32 $0x5;
	[sflag:s22] =	ssyncadd.s32 $0xFFFFC000  }
0x3cd: {  	_ =	swait.ge [sflag:s0], $0x200  }
0x3ce: {  	[sflag:s0] =	ssyncset.done $0x0  }
0x3cf: {  	[sflag:s0] =	ssyncadd.s32 $0xFFFFFE00  }
0x3d0: {  	_ =	swait.ge [sflag:s23], $0x4000  }
0x3d1: {  	[sflag:s23] =	ssyncset.done $0x0  }
0x3d2: {  	s29 =	simm.s32 $0x6;
	[sflag:s23] =	ssyncadd.s32 $0xFFFFC000  }
0x3d3: {  	_ =	swait.ge [sflag:s29], $0x200  }
0x3d4: {  	[sflag:s29] =	ssyncset.done $0x0  }
0x3d5: {  	[sflag:s29] =	ssyncadd.s32 $0xFFFFFE00  }
0x3d6: {  	_ =	swait.ge [sflag:s24], $0x4000  }
0x3d7: {  	[sflag:s24] =	ssyncset.done $0x0  }
0x3d8: {  	s30 =	simm.s32 $0x7;
	[sflag:s24] =	ssyncadd.s32 $0xFFFFC000  }
0x3d9: {  	_ =	swait.ge [sflag:s30], $0x200  }
0x3da: {  	[sflag:s30] =	ssyncset.done $0x0  }
0x3db: {  	[sflag:s30] =	ssyncadd.s32 $0xFFFFFE00  }
0x3dc: {  	_ =	swait.ge [sflag:s25], $0x4000  }
0x3dd: {  	[sflag:s25] =	ssyncset.done $0x0  }
0x3de: {  	s1 =	simm.s32 $0x8;
	[sflag:s25] =	ssyncadd.s32 $0xFFFFC000  }
0x3df: {  	_ =	swait.ge [sflag:s1], $0x200  }
0x3e0: {  	s5 =	rddreg [dreg:$0x5]  }
0x3e1: {  	s31 =	rddreg [dreg:$0x4];
	s5 =	sadd.s32 $0x1, s5  }
0x3e2: {  	p0 =	sne.s32 s5, s31  }
.Ltmp5:
0x3e3: {  	_ = 	snop;
	(pc) =	sbr.rel @p0 .LBB2_1-.Ltmp5, $3  }
0x3e4: {  	_ =	sdelay $0x1  }
0x3e5: {  	[sflag:s1] =	ssyncset.done $0x0  }
0x3e6: {  	[sflag:s1] =	ssyncadd.s32 $0xFFFFFE00  }
0x3e7: {  	_ =	sfence.sel $0x180000  }
0x3e8: {  	[bflag:$0x0] =	sbarrier.arrive $0xFFFF  }
0x3e9: {  	_ =	strace $0x90000047  }
0x3ea: {  	s0 =	stileid.u32;
	[bflag:$0x2] =	sbarrier.arrive $0xFFFF  }
0x3eb: {  	p0 =	sne.s32 s0, $0x0;
	s0 =	rddreg [dreg:$0x2]  }
0x3ec: {  	s0 =	sadd.s32 @!p0 $0x100000, s0  }
0x3ed: {  	[sflag:s0] =	ssyncadd.tile.s32 @!p0 $0x1;
	_ =	shalt  }
.Lfunc_end2:
_tile_overlayer_lowered:
.L_overlay_start_2:
0x3ee: {  	(tag) =	ssettag $0x2  }
0x3ef: {  	s0 =	rddreg [dreg:$0x0];
	s2 =	stileid.u32  }
0x3f0: {  	s1 =	rddreg [dreg:$0x1];
	p0 =	sne.s32 s2, $0x0  }
0x3f1: {  	s3 =	rddreg [dreg:$0x2];
	[bflag:$0x3] =	sbarrier.arrive $0xFFFF;
	s2 =	simm.s32 @!p0 $0x1C09  }
0x3f2: {  	[timem:s3], [sflag:s2] =	dma.local @!p0 [hbm:s0], s1  }
0x3f3: {  	s0 =	simm.s32 @!p0 $0x9  }
0x3f4: {  	_ =	swait.ge @!p0 [sflag:s0], s1  }
0x3f5: {  	s1 =	ssub.s32 @!p0 $0x0, s1;
	[sflag:s0] =	ssyncset.done @!p0 $0x0  }
0x3f6: {  	[sflag:s0] =	ssyncadd.s32 @!p0 s1  }
0x3f7: {  	[bflag:$0x3] =	sbarrier.arrive $0xFFFF  }
0x3f8: {  	_ =	shalt  }

</sc_bundles>
